<compile_context>
chip_gen: v7x
topology: tpu7x:2x2x1
jax: 0.10.2.dev20260603
libtpu: 0.0.44.dev20260713+nightly
codegen_flags: <defaults>
</compile_context>

<pallas_src>
import functools

import jax
import jax.numpy as jnp
from jax import lax
from jax.experimental import pallas as pl
from jax.experimental.pallas import tpu as pltpu
from jax.experimental.pallas import tpu_sc as plsc

_N = 10000
_D = 128
_E = 320000

_NC = 2
_NS = 16
_NW = _NC * _NS
_CH = 64
_NCHUNK = _E // _CH
_KBIG = 160
_KSML = 156
_RPT = 640
_AROWS = _NS * _RPT


def _sc_partial(x, edges, zeros):
    mesh = plsc.VectorSubcoreMesh(core_axis_name="c", subcore_axis_name="s")

    @functools.partial(
        pl.kernel,
        out_type=jax.ShapeDtypeStruct((_NC, _AROWS, _D), jnp.float32),
        mesh=mesh,
        scratch_types=[
            [pltpu.VMEM((_CH,), jnp.int32)] * 4,
            [pltpu.VMEM((_CH,), jnp.int32)] * 4,
            [pltpu.VMEM((_CH, _D), jnp.float32)] * 4,
            pltpu.VMEM_SHARED((_AROWS, _D), jnp.float32),
            [pltpu.SemaphoreType.DMA] * 4,
            [pltpu.SemaphoreType.DMA] * 4,
            [pltpu.SemaphoreType.DMA] * 4,
            [pltpu.SemaphoreType.DMA] * 4,
        ],
    )
    def k(x_hbm, e_hbm, z_hbm, part_hbm,
          cbufs, rbufs, bufs, acc, icsems, irsems, gsems, ssems):
        cid = lax.axis_index("c")
        sid = lax.axis_index("s")
        pltpu.sync_copy(z_hbm, acc.at[pl.ds(sid * _RPT, _RPT)])
        plsc.subcore_barrier()

        def pipeline(base, kk):
            def ic_start(j, b):
                pltpu.async_copy(
                    e_hbm.at[1].at[pl.ds((base + j) * _CH, _CH)],
                    cbufs[b], icsems[b])

            def ic_wait(j, b):
                pltpu.make_async_copy(
                    e_hbm.at[1].at[pl.ds((base + j) * _CH, _CH)],
                    cbufs[b], icsems[b]).wait()

            def ir_start(j, b):
                pltpu.async_copy(
                    e_hbm.at[0].at[pl.ds((base + j) * _CH, _CH)],
                    rbufs[b], irsems[b])

            def ir_wait(j, b):
                pltpu.make_async_copy(
                    e_hbm.at[0].at[pl.ds((base + j) * _CH, _CH)],
                    rbufs[b], irsems[b]).wait()

            def g_start(b):
                pltpu.async_copy(x_hbm.at[cbufs[b]], bufs[b], gsems[b])

            def g_wait(b):
                pltpu.make_async_copy(x_hbm.at[cbufs[b]], bufs[b],
                                      gsems[b]).wait()

            def s_start(b):
                pltpu.async_copy(bufs[b], acc.at[rbufs[b]], ssems[b],
                                 add=True)

            def s_wait(b):
                pltpu.make_async_copy(bufs[b], acc.at[rbufs[b]],
                                      ssems[b]).wait()

            ic_start(0, 0)
            ic_start(1, 1)
            ir_start(0, 0)

            def iter_body(j, b, first, last):
                b1, b2, b3 = (b + 1) % 4, (b + 2) % 4, (b + 3) % 4
                ic_wait(j, b)
                g_start(b)
                if not first or b >= 1:
                    ir_wait(j - 1, b3)
                    g_wait(b3)
                    s_start(b3)
                if not first or b >= 3:
                    s_wait(b1)
                if not last or b <= 1:
                    ic_start(j + 2, b2)
                if not last or b <= 2:
                    ir_start(j + 1, b1)

            for b in range(4):
                iter_body(b, b, True, False)

            def group(jj, carry):
                for b in range(4):
                    iter_body(jj * 4 + b, b, False, False)
                return carry

            lax.fori_loop(1, kk // 4 - 1, group, 0)

            for b in range(4):
                iter_body(kk - 4 + b, b, False, True)
            ir_wait(kk - 1, 3)
            g_wait(3)
            s_start(3)
            for b in (1, 2, 3):
                s_wait(b)

        half = cid * (_NCHUNK // _NC)

        @pl.when(sid < 1)
        def _():
            pipeline(half, _KBIG)

        @pl.when(sid >= 1)
        def _():
            pipeline(half + _KBIG + (sid - 1) * _KSML, _KSML)

        plsc.subcore_barrier()
        pltpu.sync_copy(acc.at[pl.ds(sid * _RPT, _RPT)],
                        part_hbm.at[cid].at[pl.ds(sid * _RPT, _RPT)])

    return k(x, edges, zeros)


def _combine_body(eps_ref, x_ref, p0_ref, p1_ref, o_ref):
    o_ref[...] = ((1.0 + eps_ref[0, 0]) * x_ref[...]
                  + p0_ref[0] + p1_ref[0])


def _combine(x, part, eps):
    blk = 2000
    return pl.pallas_call(
        _combine_body,
        grid=(_N // blk,),
        in_specs=[
            pl.BlockSpec((1, 1), lambda i: (0, 0)),
            pl.BlockSpec((blk, _D), lambda i: (i, 0)),
            pl.BlockSpec((1, blk, _D), lambda i: (0, i, 0)),
            pl.BlockSpec((1, blk, _D), lambda i: (1, i, 0)),
        ],
        out_specs=pl.BlockSpec((blk, _D), lambda i: (i, 0)),
        out_shape=jax.ShapeDtypeStruct((_N, _D), jnp.float32),
    )(eps.reshape(1, 1), x, part, part)


def kernel(x, edge_index, eps):
    edges = edge_index.astype(jnp.int32)
    zeros = jnp.zeros((_RPT, _D), jnp.float32)
    part = _sc_partial(x, edges, zeros)
    return _combine(x, part, eps)

# --- scband reference (transcript-rebuilt; emitter-appended) ---
"""Pipeline reference for scband-simple-ginlayer-87222195848273 (READ-ONLY COPY).

The authoritative reference and input builder live on the scoring server;
editing this copy changes nothing except your own understanding.
"""

import jax, jax.numpy as jnp
import numpy as np

N_NODES = 10000
N_EDGES = 320000
D = 128

def setup_inputs(seed: int = 0) -> dict:
    key = jax.random.key(seed)
    k1, k2 = jax.random.split(key, 2)
    x = jax.random.normal(k1, (N_NODES, D), dtype=jnp.float32)
    edge_index = jax.random.randint(k2, (2, N_EDGES), 0, N_NODES, dtype=jnp.int64)
    eps = jnp.array([0.0], dtype=jnp.float32)  # trainable eps parameter (train_eps=True)
    return {"x": x, "edge_index": edge_index, "eps": eps}

def reference(x, edge_index, eps):
    # Faithful translation of SimpleGINlayer.forward:
    #   row, col = edge_index
    #   agg = zeros_like(x); agg.index_add_(0, row, x[col])
    #   out = (1 + eps) * x + agg
    row = edge_index[0]
    col = edge_index[1]
    gathered = jnp.take(x, col, axis=0)            # x[col]: gather, memory-bound
    agg = jnp.zeros_like(x).at[row].add(gathered)  # scatter-add (index_add_)
    out = (1.0 + eps) * x + agg
    return out

if __name__ == "__main__":
    import jax
    _d = setup_inputs()
    print(jax.jit(kernel)(*tuple(_d.values())))

</pallas_src>

<mosaic_0001>
#map = affine_map<(d0, d1) -> (0, 0)>
#map1 = affine_map<(d0, d1) -> (0, 0, 0)>
module attributes {stable_mosaic.version = 14 : i64} {
  func.func @k(%arg0: i32, %arg1: i32, %arg2: memref<10000x128xf32, #tpu.memory_space<hbm>>, %arg3: memref<2x320000xi32, #tpu.memory_space<hbm>>, %arg4: memref<640x128xf32, #tpu.memory_space<hbm>>, %arg5: memref<2x10240x128xf32, #tpu.memory_space<hbm>>, %arg6: memref<64xi32, #tpu.memory_space<vmem>>, %arg7: memref<64xi32, #tpu.memory_space<vmem>>, %arg8: memref<64xi32, #tpu.memory_space<vmem>>, %arg9: memref<64xi32, #tpu.memory_space<vmem>>, %arg10: memref<64xi32, #tpu.memory_space<vmem>>, %arg11: memref<64xi32, #tpu.memory_space<vmem>>, %arg12: memref<64xi32, #tpu.memory_space<vmem>>, %arg13: memref<64xi32, #tpu.memory_space<vmem>>, %arg14: memref<64x128xf32, #tpu.memory_space<vmem>>, %arg15: memref<64x128xf32, #tpu.memory_space<vmem>>, %arg16: memref<64x128xf32, #tpu.memory_space<vmem>>, %arg17: memref<64x128xf32, #tpu.memory_space<vmem>>, %arg18: memref<10240x128xf32, #tpu.memory_space<vmem_shared>>, %arg19: memref<!tpu.dma_semaphore, #tpu.memory_space<semaphore_mem>>, %arg20: memref<!tpu.dma_semaphore, #tpu.memory_space<semaphore_mem>>, %arg21: memref<!tpu.dma_semaphore, #tpu.memory_space<semaphore_mem>>, %arg22: memref<!tpu.dma_semaphore, #tpu.memory_space<semaphore_mem>>, %arg23: memref<!tpu.dma_semaphore, #tpu.memory_space<semaphore_mem>>, %arg24: memref<!tpu.dma_semaphore, #tpu.memory_space<semaphore_mem>>, %arg25: memref<!tpu.dma_semaphore, #tpu.memory_space<semaphore_mem>>, %arg26: memref<!tpu.dma_semaphore, #tpu.memory_space<semaphore_mem>>, %arg27: memref<!tpu.dma_semaphore, #tpu.memory_space<semaphore_mem>>, %arg28: memref<!tpu.dma_semaphore, #tpu.memory_space<semaphore_mem>>, %arg29: memref<!tpu.dma_semaphore, #tpu.memory_space<semaphore_mem>>, %arg30: memref<!tpu.dma_semaphore, #tpu.memory_space<semaphore_mem>>, %arg31: memref<!tpu.dma_semaphore, #tpu.memory_space<semaphore_mem>>, %arg32: memref<!tpu.dma_semaphore, #tpu.memory_space<semaphore_mem>>, %arg33: memref<!tpu.dma_semaphore, #tpu.memory_space<semaphore_mem>>, %arg34: memref<!tpu.dma_semaphore, #tpu.memory_space<semaphore_mem>>) attributes {dimension_semantics = [#tpu.dimension_semantics<core_parallel>, #tpu.dimension_semantics<subcore_parallel>], iteration_bounds = array<i64: 2, 16>, scalar_prefetch = 0 : i64, scratch_operands = 29 : i64, tpu.core_type = #tpu.core_type<sc_vector_subcore>, window_params = [{transform_indices = #map}, {transform_indices = #map}, {transform_indices = #map}, {transform_indices = #map1}]} {
    %mul3A = arith.constant 640 : i32
    %mul3A_0 = arith.muli %arg1, %mul3A : i32
    "tpu.region"() ({
      %run_scoped3A = tpu.sem_alloc : memref<!tpu.dma_semaphore, #tpu.memory_space<semaphore_mem>>
      %dma_start3A = arith.constant 0 : i32
      %dma_start3A_14 = tpu.memref_slice %arg18[%mul3A_0, %dma_start3A] : memref<10240x128xf32, #tpu.memory_space<vmem_shared>> -> memref<640x128xf32, #tpu.memory_space<vmem_shared>>
      tpu.enqueue_dma source(%arg4 : memref<640x128xf32, #tpu.memory_space<hbm>>) target(%dma_start3A_14 : memref<640x128xf32, #tpu.memory_space<vmem_shared>>) target_semaphore(%run_scoped3A : memref<!tpu.dma_semaphore, #tpu.memory_space<semaphore_mem>>)
      %dma_wait3A = arith.constant 0 : i32
      %dma_wait3A_15 = tpu.memref_slice %arg18[%mul3A_0, %dma_wait3A] : memref<10240x128xf32, #tpu.memory_space<vmem_shared>> -> memref<640x128xf32, #tpu.memory_space<vmem_shared>>
      tpu.wait_dma2 semaphore(%run_scoped3A : memref<!tpu.dma_semaphore, #tpu.memory_space<semaphore_mem>>) src(%arg4 : memref<640x128xf32, #tpu.memory_space<hbm>>) dst(%dma_wait3A_15 : memref<640x128xf32, #tpu.memory_space<vmem_shared>>)
      tpu.yield
    }) : () -> ()
    %barrier3A = arith.constant 0 : index
    tpu.barrier barrier_id(%barrier3A)
    %mul3A_1 = arith.constant 2500 : i32
    %mul3A_2 = arith.muli %arg0, %mul3A_1 : i32
    %lt3A = arith.constant 1 : i32
    %lt3A_3 = arith.cmpi slt, %arg1, %lt3A : i32
    %convert_element_type3A = arith.extui %lt3A_3 : i1 to i32
    %cond3A = arith.constant 0 : i32
    %cond3A_4 = arith.cmpi ne, %convert_element_type3A, %cond3A : i32
    scf.if %cond3A_4 {
      %add3A = arith.constant 0 : i32
      %add3A_14 = arith.addi %mul3A_2, %add3A : i32
      %mul3A_15 = arith.constant 64 : i32
      %mul3A_16 = arith.muli %add3A_14, %mul3A_15 : i32
      %dma_start3A = arith.constant 1 : i32
      %dma_start3A_17 = arith.constant 0 : i32
      %dma_start3A_18 = tpu.memref_slice %arg3[%dma_start3A, %dma_start3A_17] : memref<2x320000xi32, #tpu.memory_space<hbm>> -> memref<1x320000xi32, #tpu.memory_space<hbm>>
      %dma_start3A_19 = tpu.memref_squeeze %dma_start3A_18 : memref<1x320000xi32, #tpu.memory_space<hbm>> -> memref<320000xi32, #tpu.memory_space<hbm>>
      %dma_start3A_20 = tpu.memref_slice %dma_start3A_19[%mul3A_16] : memref<320000xi32, #tpu.memory_space<hbm>> -> memref<64xi32, #tpu.memory_space<hbm>>
      %dma_start3A_21 = arith.constant 0 : i32
      %dma_start3A_22 = tpu.memref_slice %arg3[%dma_start3A, %dma_start3A_21] : memref<2x320000xi32, #tpu.memory_space<hbm>> -> memref<1x320000xi32, #tpu.memory_space<hbm>>
      %dma_start3A_23 = tpu.memref_squeeze %dma_start3A_22 : memref<1x320000xi32, #tpu.memory_space<hbm>> -> memref<320000xi32, #tpu.memory_space<hbm>>
      %dma_start3A_24 = tpu.memref_slice %dma_start3A_23[%mul3A_16] : memref<320000xi32, #tpu.memory_space<hbm>> -> memref<64xi32, #tpu.memory_space<hbm>>
      tpu.enqueue_dma source(%dma_start3A_24 : memref<64xi32, #tpu.memory_space<hbm>>) target(%arg6 : memref<64xi32, #tpu.memory_space<vmem>>) target_semaphore(%arg19 : memref<!tpu.dma_semaphore, #tpu.memory_space<semaphore_mem>>)
      %add3A_25 = arith.constant 1 : i32
      %add3A_26 = arith.addi %mul3A_2, %add3A_25 : i32
      %mul3A_27 = arith.constant 64 : i32
      %mul3A_28 = arith.muli %add3A_26, %mul3A_27 : i32
      %dma_start3A_29 = arith.constant 1 : i32
      %dma_start3A_30 = arith.constant 0 : i32
      %dma_start3A_31 = tpu.memref_slice %arg3[%dma_start3A_29, %dma_start3A_30] : memref<2x320000xi32, #tpu.memory_space<hbm>> -> memref<1x320000xi32, #tpu.memory_space<hbm>>
      %dma_start3A_32 = tpu.memref_squeeze %dma_start3A_31 : memref<1x320000xi32, #tpu.memory_space<hbm>> -> memref<320000xi32, #tpu.memory_space<hbm>>
      %dma_start3A_33 = tpu.memref_slice %dma_start3A_32[%mul3A_28] : memref<320000xi32, #tpu.memory_space<hbm>> -> memref<64xi32, #tpu.memory_space<hbm>>
      %dma_start3A_34 = arith.constant 0 : i32
      %dma_start3A_35 = tpu.memref_slice %arg3[%dma_start3A_29, %dma_start3A_34] : memref<2x320000xi32, #tpu.memory_space<hbm>> -> memref<1x320000xi32, #tpu.memory_space<hbm>>
      %dma_start3A_36 = tpu.memref_squeeze %dma_start3A_35 : memref<1x320000xi32, #tpu.memory_space<hbm>> -> memref<320000xi32, #tpu.memory_space<hbm>>
      %dma_start3A_37 = tpu.memref_slice %dma_start3A_36[%mul3A_28] : memref<320000xi32, #tpu.memory_space<hbm>> -> memref<64xi32, #tpu.memory_space<hbm>>
      tpu.enqueue_dma source(%dma_start3A_37 : memref<64xi32, #tpu.memory_space<hbm>>) target(%arg7 : memref<64xi32, #tpu.memory_space<vmem>>) target_semaphore(%arg20 : memref<!tpu.dma_semaphore, #tpu.memory_space<semaphore_mem>>)
      %add3A_38 = arith.constant 0 : i32
      %add3A_39 = arith.addi %mul3A_2, %add3A_38 : i32
      %mul3A_40 = arith.constant 64 : i32
      %mul3A_41 = arith.muli %add3A_39, %mul3A_40 : i32
      %dma_start3A_42 = arith.constant 0 : i32
      %dma_start3A_43 = arith.constant 0 : i32
      %dma_start3A_44 = tpu.memref_slice %arg3[%dma_start3A_42, %dma_start3A_43] : memref<2x320000xi32, #tpu.memory_space<hbm>> -> memref<1x320000xi32, #tpu.memory_space<hbm>>
      %dma_start3A_45 = tpu.memref_squeeze %dma_start3A_44 : memref<1x320000xi32, #tpu.memory_space<hbm>> -> memref<320000xi32, #tpu.memory_space<hbm>>
      %dma_start3A_46 = tpu.memref_slice %dma_start3A_45[%mul3A_41] : memref<320000xi32, #tpu.memory_space<hbm>> -> memref<64xi32, #tpu.memory_space<hbm>>
      %dma_start3A_47 = arith.constant 0 : i32
      %dma_start3A_48 = tpu.memref_slice %arg3[%dma_start3A_42, %dma_start3A_47] : memref<2x320000xi32, #tpu.memory_space<hbm>> -> memref<1x320000xi32, #tpu.memory_space<hbm>>
      %dma_start3A_49 = tpu.memref_squeeze %dma_start3A_48 : memref<1x320000xi32, #tpu.memory_space<hbm>> -> memref<320000xi32, #tpu.memory_space<hbm>>
      %dma_start3A_50 = tpu.memref_slice %dma_start3A_49[%mul3A_41] : memref<320000xi32, #tpu.memory_space<hbm>> -> memref<64xi32, #tpu.memory_space<hbm>>
      tpu.enqueue_dma source(%dma_start3A_50 : memref<64xi32, #tpu.memory_space<hbm>>) target(%arg10 : memref<64xi32, #tpu.memory_space<vmem>>) target_semaphore(%arg23 : memref<!tpu.dma_semaphore, #tpu.memory_space<semaphore_mem>>)
      %add3A_51 = arith.constant 0 : i32
      %add3A_52 = arith.addi %mul3A_2, %add3A_51 : i32
      %mul3A_53 = arith.constant 64 : i32
      %mul3A_54 = arith.muli %add3A_52, %mul3A_53 : i32
      %dma_wait3A = arith.constant 1 : i32
      %dma_wait3A_55 = arith.constant 0 : i32
      %dma_wait3A_56 = tpu.memref_slice %arg3[%dma_wait3A, %dma_wait3A_55] : memref<2x320000xi32, #tpu.memory_space<hbm>> -> memref<1x320000xi32, #tpu.memory_space<hbm>>
      %dma_wait3A_57 = tpu.memref_squeeze %dma_wait3A_56 : memref<1x320000xi32, #tpu.memory_space<hbm>> -> memref<320000xi32, #tpu.memory_space<hbm>>
      %dma_wait3A_58 = tpu.memref_slice %dma_wait3A_57[%mul3A_54] : memref<320000xi32, #tpu.memory_space<hbm>> -> memref<64xi32, #tpu.memory_space<hbm>>
      %dma_wait3A_59 = arith.constant 0 : i32
      %dma_wait3A_60 = tpu.memref_slice %arg3[%dma_wait3A, %dma_wait3A_59] : memref<2x320000xi32, #tpu.memory_space<hbm>> -> memref<1x320000xi32, #tpu.memory_space<hbm>>
      %dma_wait3A_61 = tpu.memref_squeeze %dma_wait3A_60 : memref<1x320000xi32, #tpu.memory_space<hbm>> -> memref<320000xi32, #tpu.memory_space<hbm>>
      %dma_wait3A_62 = tpu.memref_slice %dma_wait3A_61[%mul3A_54] : memref<320000xi32, #tpu.memory_space<hbm>> -> memref<64xi32, #tpu.memory_space<hbm>>
      tpu.wait_dma2 semaphore(%arg19 : memref<!tpu.dma_semaphore, #tpu.memory_space<semaphore_mem>>) src(%dma_wait3A_62 : memref<64xi32, #tpu.memory_space<hbm>>) dst(%arg6 : memref<64xi32, #tpu.memory_space<vmem>>)
      %dma_start3A_63 = arith.constant 0 : i32
      %dma_start3A_64 = arith.constant 0 : i32
      %dma_start3A_65 = tpu.memref_slice %arg2[%dma_start3A_63, %dma_start3A_64] : memref<10000x128xf32, #tpu.memory_space<hbm>> -> memref<10000x128xf32, #tpu.memory_space<hbm>>
      tpu.enqueue_indirect_dma source(%dma_start3A_65 : memref<10000x128xf32, #tpu.memory_space<hbm>>) target(%arg14 : memref<64x128xf32, #tpu.memory_space<vmem>>) offsets(%arg6 : memref<64xi32, #tpu.memory_space<vmem>>) semaphore(%arg27 : memref<!tpu.dma_semaphore, #tpu.memory_space<semaphore_mem>>)
      %add3A_66 = arith.constant 2 : i32
      %add3A_67 = arith.addi %mul3A_2, %add3A_66 : i32
      %mul3A_68 = arith.constant 64 : i32
      %mul3A_69 = arith.muli %add3A_67, %mul3A_68 : i32
      %dma_start3A_70 = arith.constant 1 : i32
      %dma_start3A_71 = arith.constant 0 : i32
      %dma_start3A_72 = tpu.memref_slice %arg3[%dma_start3A_70, %dma_start3A_71] : memref<2x320000xi32, #tpu.memory_space<hbm>> -> memref<1x320000xi32, #tpu.memory_space<hbm>>
      %dma_start3A_73 = tpu.memref_squeeze %dma_start3A_72 : memref<1x320000xi32, #tpu.memory_space<hbm>> -> memref<320000xi32, #tpu.memory_space<hbm>>
      %dma_start3A_74 = tpu.memref_slice %dma_start3A_73[%mul3A_69] : memref<320000xi32, #tpu.memory_space<hbm>> -> memref<64xi32, #tpu.memory_space<hbm>>
      %dma_start3A_75 = arith.constant 0 : i32
      %dma_start3A_76 = tpu.memref_slice %arg3[%dma_start3A_70, %dma_start3A_75] : memref<2x320000xi32, #tpu.memory_space<hbm>> -> memref<1x320000xi32, #tpu.memory_space<hbm>>
      %dma_start3A_77 = tpu.memref_squeeze %dma_start3A_76 : memref<1x320000xi32, #tpu.memory_space<hbm>> -> memref<320000xi32, #tpu.memory_space<hbm>>
      %dma_start3A_78 = tpu.memref_slice %dma_start3A_77[%mul3A_69] : memref<320000xi32, #tpu.memory_space<hbm>> -> memref<64xi32, #tpu.memory_space<hbm>>
      tpu.enqueue_dma source(%dma_start3A_78 : memref<64xi32, #tpu.memory_space<hbm>>) target(%arg8 : memref<64xi32, #tpu.memory_space<vmem>>) target_semaphore(%arg21 : memref<!tpu.dma_semaphore, #tpu.memory_space<semaphore_mem>>)
      %add3A_79 = arith.constant 1 : i32
      %add3A_80 = arith.addi %mul3A_2, %add3A_79 : i32
      %mul3A_81 = arith.constant 64 : i32
      %mul3A_82 = arith.muli %add3A_80, %mul3A_81 : i32
      %dma_start3A_83 = arith.constant 0 : i32
      %dma_start3A_84 = arith.constant 0 : i32
      %dma_start3A_85 = tpu.memref_slice %arg3[%dma_start3A_83, %dma_start3A_84] : memref<2x320000xi32, #tpu.memory_space<hbm>> -> memref<1x320000xi32, #tpu.memory_space<hbm>>
      %dma_start3A_86 = tpu.memref_squeeze %dma_start3A_85 : memref<1x320000xi32, #tpu.memory_space<hbm>> -> memref<320000xi32, #tpu.memory_space<hbm>>
      %dma_start3A_87 = tpu.memref_slice %dma_start3A_86[%mul3A_82] : memref<320000xi32, #tpu.memory_space<hbm>> -> memref<64xi32, #tpu.memory_space<hbm>>
      %dma_start3A_88 = arith.constant 0 : i32
      %dma_start3A_89 = tpu.memref_slice %arg3[%dma_start3A_83, %dma_start3A_88] : memref<2x320000xi32, #tpu.memory_space<hbm>> -> memref<1x320000xi32, #tpu.memory_space<hbm>>
      %dma_start3A_90 = tpu.memref_squeeze %dma_start3A_89 : memref<1x320000xi32, #tpu.memory_space<hbm>> -> memref<320000xi32, #tpu.memory_space<hbm>>
      %dma_start3A_91 = tpu.memref_slice %dma_start3A_90[%mul3A_82] : memref<320000xi32, #tpu.memory_space<hbm>> -> memref<64xi32, #tpu.memory_space<hbm>>
      tpu.enqueue_dma source(%dma_start3A_91 : memref<64xi32, #tpu.memory_space<hbm>>) target(%arg11 : memref<64xi32, #tpu.memory_space<vmem>>) target_semaphore(%arg24 : memref<!tpu.dma_semaphore, #tpu.memory_space<semaphore_mem>>)
      %add3A_92 = arith.constant 1 : i32
      %add3A_93 = arith.addi %mul3A_2, %add3A_92 : i32
      %mul3A_94 = arith.constant 64 : i32
      %mul3A_95 = arith.muli %add3A_93, %mul3A_94 : i32
      %dma_wait3A_96 = arith.constant 1 : i32
      %dma_wait3A_97 = arith.constant 0 : i32
      %dma_wait3A_98 = tpu.memref_slice %arg3[%dma_wait3A_96, %dma_wait3A_97] : memref<2x320000xi32, #tpu.memory_space<hbm>> -> memref<1x320000xi32, #tpu.memory_space<hbm>>
      %dma_wait3A_99 = tpu.memref_squeeze %dma_wait3A_98 : memref<1x320000xi32, #tpu.memory_space<hbm>> -> memref<320000xi32, #tpu.memory_space<hbm>>
      %dma_wait3A_100 = tpu.memref_slice %dma_wait3A_99[%mul3A_95] : memref<320000xi32, #tpu.memory_space<hbm>> -> memref<64xi32, #tpu.memory_space<hbm>>
      %dma_wait3A_101 = arith.constant 0 : i32
      %dma_wait3A_102 = tpu.memref_slice %arg3[%dma_wait3A_96, %dma_wait3A_101] : memref<2x320000xi32, #tpu.memory_space<hbm>> -> memref<1x320000xi32, #tpu.memory_space<hbm>>
      %dma_wait3A_103 = tpu.memref_squeeze %dma_wait3A_102 : memref<1x320000xi32, #tpu.memory_space<hbm>> -> memref<320000xi32, #tpu.memory_space<hbm>>
      %dma_wait3A_104 = tpu.memref_slice %dma_wait3A_103[%mul3A_95] : memref<320000xi32, #tpu.memory_space<hbm>> -> memref<64xi32, #tpu.memory_space<hbm>>
      tpu.wait_dma2 semaphore(%arg20 : memref<!tpu.dma_semaphore, #tpu.memory_space<semaphore_mem>>) src(%dma_wait3A_104 : memref<64xi32, #tpu.memory_space<hbm>>) dst(%arg7 : memref<64xi32, #tpu.memory_space<vmem>>)
      %dma_start3A_105 = arith.constant 0 : i32
      %dma_start3A_106 = arith.constant 0 : i32
      %dma_start3A_107 = tpu.memref_slice %arg2[%dma_start3A_105, %dma_start3A_106] : memref<10000x128xf32, #tpu.memory_space<hbm>> -> memref<10000x128xf32, #tpu.memory_space<hbm>>
      tpu.enqueue_indirect_dma source(%dma_start3A_107 : memref<10000x128xf32, #tpu.memory_space<hbm>>) target(%arg15 : memref<64x128xf32, #tpu.memory_space<vmem>>) offsets(%arg7 : memref<64xi32, #tpu.memory_space<vmem>>) semaphore(%arg28 : memref<!tpu.dma_semaphore, #tpu.memory_space<semaphore_mem>>)
      %add3A_108 = arith.constant 0 : i32
      %add3A_109 = arith.addi %mul3A_2, %add3A_108 : i32
      %mul3A_110 = arith.constant 64 : i32
      %mul3A_111 = arith.muli %add3A_109, %mul3A_110 : i32
      %dma_wait3A_112 = arith.constant 0 : i32
      %dma_wait3A_113 = arith.constant 0 : i32
      %dma_wait3A_114 = tpu.memref_slice %arg3[%dma_wait3A_112, %dma_wait3A_113] : memref<2x320000xi32, #tpu.memory_space<hbm>> -> memref<1x320000xi32, #tpu.memory_space<hbm>>
      %dma_wait3A_115 = tpu.memref_squeeze %dma_wait3A_114 : memref<1x320000xi32, #tpu.memory_space<hbm>> -> memref<320000xi32, #tpu.memory_space<hbm>>
      %dma_wait3A_116 = tpu.memref_slice %dma_wait3A_115[%mul3A_111] : memref<320000xi32, #tpu.memory_space<hbm>> -> memref<64xi32, #tpu.memory_space<hbm>>
      %dma_wait3A_117 = arith.constant 0 : i32
      %dma_wait3A_118 = tpu.memref_slice %arg3[%dma_wait3A_112, %dma_wait3A_117] : memref<2x320000xi32, #tpu.memory_space<hbm>> -> memref<1x320000xi32, #tpu.memory_space<hbm>>
      %dma_wait3A_119 = tpu.memref_squeeze %dma_wait3A_118 : memref<1x320000xi32, #tpu.memory_space<hbm>> -> memref<320000xi32, #tpu.memory_space<hbm>>
      %dma_wait3A_120 = tpu.memref_slice %dma_wait3A_119[%mul3A_111] : memref<320000xi32, #tpu.memory_space<hbm>> -> memref<64xi32, #tpu.memory_space<hbm>>
      tpu.wait_dma2 semaphore(%arg23 : memref<!tpu.dma_semaphore, #tpu.memory_space<semaphore_mem>>) src(%dma_wait3A_120 : memref<64xi32, #tpu.memory_space<hbm>>) dst(%arg10 : memref<64xi32, #tpu.memory_space<vmem>>)
      %dma_wait3A_121 = arith.constant 0 : i32
      %dma_wait3A_122 = arith.constant 0 : i32
      %dma_wait3A_123 = tpu.memref_slice %arg2[%dma_wait3A_121, %dma_wait3A_122] : memref<10000x128xf32, #tpu.memory_space<hbm>> -> memref<10000x128xf32, #tpu.memory_space<hbm>>
      tpu.wait_indirect_dma semaphore(%arg27 : memref<!tpu.dma_semaphore, #tpu.memory_space<semaphore_mem>>) src(%dma_wait3A_123 : memref<10000x128xf32, #tpu.memory_space<hbm>>) dst(%arg14 : memref<64x128xf32, #tpu.memory_space<vmem>>)
      %dma_start3A_124 = arith.constant 0 : i32
      %dma_start3A_125 = arith.constant 0 : i32
      %dma_start3A_126 = tpu.memref_slice %arg18[%dma_start3A_124, %dma_start3A_125] : memref<10240x128xf32, #tpu.memory_space<vmem_shared>> -> memref<10240x128xf32, #tpu.memory_space<vmem_shared>>
      tpu.enqueue_indirect_dma source(%arg14 : memref<64x128xf32, #tpu.memory_space<vmem>>) target(%dma_start3A_126 : memref<10240x128xf32, #tpu.memory_space<vmem_shared>>) offsets(%arg10 : memref<64xi32, #tpu.memory_space<vmem>>) semaphore(%arg31 : memref<!tpu.dma_semaphore, #tpu.memory_space<semaphore_mem>>) {add = true}
      %add3A_127 = arith.constant 3 : i32
      %add3A_128 = arith.addi %mul3A_2, %add3A_127 : i32
      %mul3A_129 = arith.constant 64 : i32
      %mul3A_130 = arith.muli %add3A_128, %mul3A_129 : i32
      %dma_start3A_131 = arith.constant 1 : i32
      %dma_start3A_132 = arith.constant 0 : i32
      %dma_start3A_133 = tpu.memref_slice %arg3[%dma_start3A_131, %dma_start3A_132] : memref<2x320000xi32, #tpu.memory_space<hbm>> -> memref<1x320000xi32, #tpu.memory_space<hbm>>
      %dma_start3A_134 = tpu.memref_squeeze %dma_start3A_133 : memref<1x320000xi32, #tpu.memory_space<hbm>> -> memref<320000xi32, #tpu.memory_space<hbm>>
      %dma_start3A_135 = tpu.memref_slice %dma_start3A_134[%mul3A_130] : memref<320000xi32, #tpu.memory_space<hbm>> -> memref<64xi32, #tpu.memory_space<hbm>>
      %dma_start3A_136 = arith.constant 0 : i32
      %dma_start3A_137 = tpu.memref_slice %arg3[%dma_start3A_131, %dma_start3A_136] : memref<2x320000xi32, #tpu.memory_space<hbm>> -> memref<1x320000xi32, #tpu.memory_space<hbm>>
      %dma_start3A_138 = tpu.memref_squeeze %dma_start3A_137 : memref<1x320000xi32, #tpu.memory_space<hbm>> -> memref<320000xi32, #tpu.memory_space<hbm>>
      %dma_start3A_139 = tpu.memref_slice %dma_start3A_138[%mul3A_130] : memref<320000xi32, #tpu.memory_space<hbm>> -> memref<64xi32, #tpu.memory_space<hbm>>
      tpu.enqueue_dma source(%dma_start3A_139 : memref<64xi32, #tpu.memory_space<hbm>>) target(%arg9 : memref<64xi32, #tpu.memory_space<vmem>>) target_semaphore(%arg22 : memref<!tpu.dma_semaphore, #tpu.memory_space<semaphore_mem>>)
      %add3A_140 = arith.constant 2 : i32
      %add3A_141 = arith.addi %mul3A_2, %add3A_140 : i32
      %mul3A_142 = arith.constant 64 : i32
      %mul3A_143 = arith.muli %add3A_141, %mul3A_142 : i32
      %dma_start3A_144 = arith.constant 0 : i32
      %dma_start3A_145 = arith.constant 0 : i32
      %dma_start3A_146 = tpu.memref_slice %arg3[%dma_start3A_144, %dma_start3A_145] : memref<2x320000xi32, #tpu.memory_space<hbm>> -> memref<1x320000xi32, #tpu.memory_space<hbm>>
      %dma_start3A_147 = tpu.memref_squeeze %dma_start3A_146 : memref<1x320000xi32, #tpu.memory_space<hbm>> -> memref<320000xi32, #tpu.memory_space<hbm>>
      %dma_start3A_148 = tpu.memref_slice %dma_start3A_147[%mul3A_143] : memref<320000xi32, #tpu.memory_space<hbm>> -> memref<64xi32, #tpu.memory_space<hbm>>
      %dma_start3A_149 = arith.constant 0 : i32
      %dma_start3A_150 = tpu.memref_slice %arg3[%dma_start3A_144, %dma_start3A_149] : memref<2x320000xi32, #tpu.memory_space<hbm>> -> memref<1x320000xi32, #tpu.memory_space<hbm>>
      %dma_start3A_151 = tpu.memref_squeeze %dma_start3A_150 : memref<1x320000xi32, #tpu.memory_space<hbm>> -> memref<320000xi32, #tpu.memory_space<hbm>>
      %dma_start3A_152 = tpu.memref_slice %dma_start3A_151[%mul3A_143] : memref<320000xi32, #tpu.memory_space<hbm>> -> memref<64xi32, #tpu.memory_space<hbm>>
      tpu.enqueue_dma source(%dma_start3A_152 : memref<64xi32, #tpu.memory_space<hbm>>) target(%arg12 : memref<64xi32, #tpu.memory_space<vmem>>) target_semaphore(%arg25 : memref<!tpu.dma_semaphore, #tpu.memory_space<semaphore_mem>>)
      %add3A_153 = arith.constant 2 : i32
      %add3A_154 = arith.addi %mul3A_2, %add3A_153 : i32
      %mul3A_155 = arith.constant 64 : i32
      %mul3A_156 = arith.muli %add3A_154, %mul3A_155 : i32
      %dma_wait3A_157 = arith.constant 1 : i32
      %dma_wait3A_158 = arith.constant 0 : i32
      %dma_wait3A_159 = tpu.memref_slice %arg3[%dma_wait3A_157, %dma_wait3A_158] : memref<2x320000xi32, #tpu.memory_space<hbm>> -> memref<1x320000xi32, #tpu.memory_space<hbm>>
      %dma_wait3A_160 = tpu.memref_squeeze %dma_wait3A_159 : memref<1x320000xi32, #tpu.memory_space<hbm>> -> memref<320000xi32, #tpu.memory_space<hbm>>
      %dma_wait3A_161 = tpu.memref_slice %dma_wait3A_160[%mul3A_156] : memref<320000xi32, #tpu.memory_space<hbm>> -> memref<64xi32, #tpu.memory_space<hbm>>
      %dma_wait3A_162 = arith.constant 0 : i32
      %dma_wait3A_163 = tpu.memref_slice %arg3[%dma_wait3A_157, %dma_wait3A_162] : memref<2x320000xi32, #tpu.memory_space<hbm>> -> memref<1x320000xi32, #tpu.memory_space<hbm>>
      %dma_wait3A_164 = tpu.memref_squeeze %dma_wait3A_163 : memref<1x320000xi32, #tpu.memory_space<hbm>> -> memref<320000xi32, #tpu.memory_space<hbm>>
      %dma_wait3A_165 = tpu.memref_slice %dma_wait3A_164[%mul3A_156] : memref<320000xi32, #tpu.memory_space<hbm>> -> memref<64xi32, #tpu.memory_space<hbm>>
      tpu.wait_dma2 semaphore(%arg21 : memref<!tpu.dma_semaphore, #tpu.memory_space<semaphore_mem>>) src(%dma_wait3A_165 : memref<64xi32, #tpu.memory_space<hbm>>) dst(%arg8 : memref<64xi32, #tpu.memory_space<vmem>>)
      %dma_start3A_166 = arith.constant 0 : i32
      %dma_start3A_167 = arith.constant 0 : i32
      %dma_start3A_168 = tpu.memref_slice %arg2[%dma_start3A_166, %dma_start3A_167] : memref<10000x128xf32, #tpu.memory_space<hbm>> -> memref<10000x128xf32, #tpu.memory_space<hbm>>
      tpu.enqueue_indirect_dma source(%dma_start3A_168 : memref<10000x128xf32, #tpu.memory_space<hbm>>) target(%arg16 : memref<64x128xf32, #tpu.memory_space<vmem>>) offsets(%arg8 : memref<64xi32, #tpu.memory_space<vmem>>) semaphore(%arg29 : memref<!tpu.dma_semaphore, #tpu.memory_space<semaphore_mem>>)
      %add3A_169 = arith.constant 1 : i32
      %add3A_170 = arith.addi %mul3A_2, %add3A_169 : i32
      %mul3A_171 = arith.constant 64 : i32
      %mul3A_172 = arith.muli %add3A_170, %mul3A_171 : i32
      %dma_wait3A_173 = arith.constant 0 : i32
      %dma_wait3A_174 = arith.constant 0 : i32
      %dma_wait3A_175 = tpu.memref_slice %arg3[%dma_wait3A_173, %dma_wait3A_174] : memref<2x320000xi32, #tpu.memory_space<hbm>> -> memref<1x320000xi32, #tpu.memory_space<hbm>>
      %dma_wait3A_176 = tpu.memref_squeeze %dma_wait3A_175 : memref<1x320000xi32, #tpu.memory_space<hbm>> -> memref<320000xi32, #tpu.memory_space<hbm>>
      %dma_wait3A_177 = tpu.memref_slice %dma_wait3A_176[%mul3A_172] : memref<320000xi32, #tpu.memory_space<hbm>> -> memref<64xi32, #tpu.memory_space<hbm>>
      %dma_wait3A_178 = arith.constant 0 : i32
      %dma_wait3A_179 = tpu.memref_slice %arg3[%dma_wait3A_173, %dma_wait3A_178] : memref<2x320000xi32, #tpu.memory_space<hbm>> -> memref<1x320000xi32, #tpu.memory_space<hbm>>
      %dma_wait3A_180 = tpu.memref_squeeze %dma_wait3A_179 : memref<1x320000xi32, #tpu.memory_space<hbm>> -> memref<320000xi32, #tpu.memory_space<hbm>>
      %dma_wait3A_181 = tpu.memref_slice %dma_wait3A_180[%mul3A_172] : memref<320000xi32, #tpu.memory_space<hbm>> -> memref<64xi32, #tpu.memory_space<hbm>>
      tpu.wait_dma2 semaphore(%arg24 : memref<!tpu.dma_semaphore, #tpu.memory_space<semaphore_mem>>) src(%dma_wait3A_181 : memref<64xi32, #tpu.memory_space<hbm>>) dst(%arg11 : memref<64xi32, #tpu.memory_space<vmem>>)
      %dma_wait3A_182 = arith.constant 0 : i32
      %dma_wait3A_183 = arith.constant 0 : i32
      %dma_wait3A_184 = tpu.memref_slice %arg2[%dma_wait3A_182, %dma_wait3A_183] : memref<10000x128xf32, #tpu.memory_space<hbm>> -> memref<10000x128xf32, #tpu.memory_space<hbm>>
      tpu.wait_indirect_dma semaphore(%arg28 : memref<!tpu.dma_semaphore, #tpu.memory_space<semaphore_mem>>) src(%dma_wait3A_184 : memref<10000x128xf32, #tpu.memory_space<hbm>>) dst(%arg15 : memref<64x128xf32, #tpu.memory_space<vmem>>)
      %dma_start3A_185 = arith.constant 0 : i32
      %dma_start3A_186 = arith.constant 0 : i32
      %dma_start3A_187 = tpu.memref_slice %arg18[%dma_start3A_185, %dma_start3A_186] : memref<10240x128xf32, #tpu.memory_space<vmem_shared>> -> memref<10240x128xf32, #tpu.memory_space<vmem_shared>>
      tpu.enqueue_indirect_dma source(%arg15 : memref<64x128xf32, #tpu.memory_space<vmem>>) target(%dma_start3A_187 : memref<10240x128xf32, #tpu.memory_space<vmem_shared>>) offsets(%arg11 : memref<64xi32, #tpu.memory_space<vmem>>) semaphore(%arg32 : memref<!tpu.dma_semaphore, #tpu.memory_space<semaphore_mem>>) {add = true}
      %add3A_188 = arith.constant 4 : i32
      %add3A_189 = arith.addi %mul3A_2, %add3A_188 : i32
      %mul3A_190 = arith.constant 64 : i32
      %mul3A_191 = arith.muli %add3A_189, %mul3A_190 : i32
      %dma_start3A_192 = arith.constant 1 : i32
      %dma_start3A_193 = arith.constant 0 : i32
      %dma_start3A_194 = tpu.memref_slice %arg3[%dma_start3A_192, %dma_start3A_193] : memref<2x320000xi32, #tpu.memory_space<hbm>> -> memref<1x320000xi32, #tpu.memory_space<hbm>>
      %dma_start3A_195 = tpu.memref_squeeze %dma_start3A_194 : memref<1x320000xi32, #tpu.memory_space<hbm>> -> memref<320000xi32, #tpu.memory_space<hbm>>
      %dma_start3A_196 = tpu.memref_slice %dma_start3A_195[%mul3A_191] : memref<320000xi32, #tpu.memory_space<hbm>> -> memref<64xi32, #tpu.memory_space<hbm>>
      %dma_start3A_197 = arith.constant 0 : i32
      %dma_start3A_198 = tpu.memref_slice %arg3[%dma_start3A_192, %dma_start3A_197] : memref<2x320000xi32, #tpu.memory_space<hbm>> -> memref<1x320000xi32, #tpu.memory_space<hbm>>
      %dma_start3A_199 = tpu.memref_squeeze %dma_start3A_198 : memref<1x320000xi32, #tpu.memory_space<hbm>> -> memref<320000xi32, #tpu.memory_space<hbm>>
      %dma_start3A_200 = tpu.memref_slice %dma_start3A_199[%mul3A_191] : memref<320000xi32, #tpu.memory_space<hbm>> -> memref<64xi32, #tpu.memory_space<hbm>>
      tpu.enqueue_dma source(%dma_start3A_200 : memref<64xi32, #tpu.memory_space<hbm>>) target(%arg6 : memref<64xi32, #tpu.memory_space<vmem>>) target_semaphore(%arg19 : memref<!tpu.dma_semaphore, #tpu.memory_space<semaphore_mem>>)
      %add3A_201 = arith.constant 3 : i32
      %add3A_202 = arith.addi %mul3A_2, %add3A_201 : i32
      %mul3A_203 = arith.constant 64 : i32
      %mul3A_204 = arith.muli %add3A_202, %mul3A_203 : i32
      %dma_start3A_205 = arith.constant 0 : i32
      %dma_start3A_206 = arith.constant 0 : i32
      %dma_start3A_207 = tpu.memref_slice %arg3[%dma_start3A_205, %dma_start3A_206] : memref<2x320000xi32, #tpu.memory_space<hbm>> -> memref<1x320000xi32, #tpu.memory_space<hbm>>
      %dma_start3A_208 = tpu.memref_squeeze %dma_start3A_207 : memref<1x320000xi32, #tpu.memory_space<hbm>> -> memref<320000xi32, #tpu.memory_space<hbm>>
      %dma_start3A_209 = tpu.memref_slice %dma_start3A_208[%mul3A_204] : memref<320000xi32, #tpu.memory_space<hbm>> -> memref<64xi32, #tpu.memory_space<hbm>>
      %dma_start3A_210 = arith.constant 0 : i32
      %dma_start3A_211 = tpu.memref_slice %arg3[%dma_start3A_205, %dma_start3A_210] : memref<2x320000xi32, #tpu.memory_space<hbm>> -> memref<1x320000xi32, #tpu.memory_space<hbm>>
      %dma_start3A_212 = tpu.memref_squeeze %dma_start3A_211 : memref<1x320000xi32, #tpu.memory_space<hbm>> -> memref<320000xi32, #tpu.memory_space<hbm>>
      %dma_start3A_213 = tpu.memref_slice %dma_start3A_212[%mul3A_204] : memref<320000xi32, #tpu.memory_space<hbm>> -> memref<64xi32, #tpu.memory_space<hbm>>
      tpu.enqueue_dma source(%dma_start3A_213 : memref<64xi32, #tpu.memory_space<hbm>>) target(%arg13 : memref<64xi32, #tpu.memory_space<vmem>>) target_semaphore(%arg26 : memref<!tpu.dma_semaphore, #tpu.memory_space<semaphore_mem>>)
      %add3A_214 = arith.constant 3 : i32
      %add3A_215 = arith.addi %mul3A_2, %add3A_214 : i32
      %mul3A_216 = arith.constant 64 : i32
      %mul3A_217 = arith.muli %add3A_215, %mul3A_216 : i32
      %dma_wait3A_218 = arith.constant 1 : i32
      %dma_wait3A_219 = arith.constant 0 : i32
      %dma_wait3A_220 = tpu.memref_slice %arg3[%dma_wait3A_218, %dma_wait3A_219] : memref<2x320000xi32, #tpu.memory_space<hbm>> -> memref<1x320000xi32, #tpu.memory_space<hbm>>
      %dma_wait3A_221 = tpu.memref_squeeze %dma_wait3A_220 : memref<1x320000xi32, #tpu.memory_space<hbm>> -> memref<320000xi32, #tpu.memory_space<hbm>>
      %dma_wait3A_222 = tpu.memref_slice %dma_wait3A_221[%mul3A_217] : memref<320000xi32, #tpu.memory_space<hbm>> -> memref<64xi32, #tpu.memory_space<hbm>>
      %dma_wait3A_223 = arith.constant 0 : i32
      %dma_wait3A_224 = tpu.memref_slice %arg3[%dma_wait3A_218, %dma_wait3A_223] : memref<2x320000xi32, #tpu.memory_space<hbm>> -> memref<1x320000xi32, #tpu.memory_space<hbm>>
      %dma_wait3A_225 = tpu.memref_squeeze %dma_wait3A_224 : memref<1x320000xi32, #tpu.memory_space<hbm>> -> memref<320000xi32, #tpu.memory_space<hbm>>
      %dma_wait3A_226 = tpu.memref_slice %dma_wait3A_225[%mul3A_217] : memref<320000xi32, #tpu.memory_space<hbm>> -> memref<64xi32, #tpu.memory_space<hbm>>
      tpu.wait_dma2 semaphore(%arg22 : memref<!tpu.dma_semaphore, #tpu.memory_space<semaphore_mem>>) src(%dma_wait3A_226 : memref<64xi32, #tpu.memory_space<hbm>>) dst(%arg9 : memref<64xi32, #tpu.memory_space<vmem>>)
      %dma_start3A_227 = arith.constant 0 : i32
      %dma_start3A_228 = arith.constant 0 : i32
      %dma_start3A_229 = tpu.memref_slice %arg2[%dma_start3A_227, %dma_start3A_228] : memref<10000x128xf32, #tpu.memory_space<hbm>> -> memref<10000x128xf32, #tpu.memory_space<hbm>>
      tpu.enqueue_indirect_dma source(%dma_start3A_229 : memref<10000x128xf32, #tpu.memory_space<hbm>>) target(%arg17 : memref<64x128xf32, #tpu.memory_space<vmem>>) offsets(%arg9 : memref<64xi32, #tpu.memory_space<vmem>>) semaphore(%arg30 : memref<!tpu.dma_semaphore, #tpu.memory_space<semaphore_mem>>)
      %add3A_230 = arith.constant 2 : i32
      %add3A_231 = arith.addi %mul3A_2, %add3A_230 : i32
      %mul3A_232 = arith.constant 64 : i32
      %mul3A_233 = arith.muli %add3A_231, %mul3A_232 : i32
      %dma_wait3A_234 = arith.constant 0 : i32
      %dma_wait3A_235 = arith.constant 0 : i32
      %dma_wait3A_236 = tpu.memref_slice %arg3[%dma_wait3A_234, %dma_wait3A_235] : memref<2x320000xi32, #tpu.memory_space<hbm>> -> memref<1x320000xi32, #tpu.memory_space<hbm>>
      %dma_wait3A_237 = tpu.memref_squeeze %dma_wait3A_236 : memref<1x320000xi32, #tpu.memory_space<hbm>> -> memref<320000xi32, #tpu.memory_space<hbm>>
      %dma_wait3A_238 = tpu.memref_slice %dma_wait3A_237[%mul3A_233] : memref<320000xi32, #tpu.memory_space<hbm>> -> memref<64xi32, #tpu.memory_space<hbm>>
      %dma_wait3A_239 = arith.constant 0 : i32
      %dma_wait3A_240 = tpu.memref_slice %arg3[%dma_wait3A_234, %dma_wait3A_239] : memref<2x320000xi32, #tpu.memory_space<hbm>> -> memref<1x320000xi32, #tpu.memory_space<hbm>>
      %dma_wait3A_241 = tpu.memref_squeeze %dma_wait3A_240 : memref<1x320000xi32, #tpu.memory_space<hbm>> -> memref<320000xi32, #tpu.memory_space<hbm>>
      %dma_wait3A_242 = tpu.memref_slice %dma_wait3A_241[%mul3A_233] : memref<320000xi32, #tpu.memory_space<hbm>> -> memref<64xi32, #tpu.memory_space<hbm>>
      tpu.wait_dma2 semaphore(%arg25 : memref<!tpu.dma_semaphore, #tpu.memory_space<semaphore_mem>>) src(%dma_wait3A_242 : memref<64xi32, #tpu.memory_space<hbm>>) dst(%arg12 : memref<64xi32, #tpu.memory_space<vmem>>)
      %dma_wait3A_243 = arith.constant 0 : i32
      %dma_wait3A_244 = arith.constant 0 : i32
      %dma_wait3A_245 = tpu.memref_slice %arg2[%dma_wait3A_243, %dma_wait3A_244] : memref<10000x128xf32, #tpu.memory_space<hbm>> -> memref<10000x128xf32, #tpu.memory_space<hbm>>
      tpu.wait_indirect_dma semaphore(%arg29 : memref<!tpu.dma_semaphore, #tpu.memory_space<semaphore_mem>>) src(%dma_wait3A_245 : memref<10000x128xf32, #tpu.memory_space<hbm>>) dst(%arg16 : memref<64x128xf32, #tpu.memory_space<vmem>>)
      %dma_start3A_246 = arith.constant 0 : i32
      %dma_start3A_247 = arith.constant 0 : i32
      %dma_start3A_248 = tpu.memref_slice %arg18[%dma_start3A_246, %dma_start3A_247] : memref<10240x128xf32, #tpu.memory_space<vmem_shared>> -> memref<10240x128xf32, #tpu.memory_space<vmem_shared>>
      tpu.enqueue_indirect_dma source(%arg16 : memref<64x128xf32, #tpu.memory_space<vmem>>) target(%dma_start3A_248 : memref<10240x128xf32, #tpu.memory_space<vmem_shared>>) offsets(%arg12 : memref<64xi32, #tpu.memory_space<vmem>>) semaphore(%arg33 : memref<!tpu.dma_semaphore, #tpu.memory_space<semaphore_mem>>) {add = true}
      %dma_wait3A_249 = arith.constant 0 : i32
      %dma_wait3A_250 = arith.constant 0 : i32
      %dma_wait3A_251 = tpu.memref_slice %arg18[%dma_wait3A_249, %dma_wait3A_250] : memref<10240x128xf32, #tpu.memory_space<vmem_shared>> -> memref<10240x128xf32, #tpu.memory_space<vmem_shared>>
      tpu.wait_indirect_dma semaphore(%arg31 : memref<!tpu.dma_semaphore, #tpu.memory_space<semaphore_mem>>) src(%arg14 : memref<64x128xf32, #tpu.memory_space<vmem>>) dst(%dma_wait3A_251 : memref<10240x128xf32, #tpu.memory_space<vmem_shared>>)
      %add3A_252 = arith.constant 5 : i32
      %add3A_253 = arith.addi %mul3A_2, %add3A_252 : i32
      %mul3A_254 = arith.constant 64 : i32
      %mul3A_255 = arith.muli %add3A_253, %mul3A_254 : i32
      %dma_start3A_256 = arith.constant 1 : i32
      %dma_start3A_257 = arith.constant 0 : i32
      %dma_start3A_258 = tpu.memref_slice %arg3[%dma_start3A_256, %dma_start3A_257] : memref<2x320000xi32, #tpu.memory_space<hbm>> -> memref<1x320000xi32, #tpu.memory_space<hbm>>
      %dma_start3A_259 = tpu.memref_squeeze %dma_start3A_258 : memref<1x320000xi32, #tpu.memory_space<hbm>> -> memref<320000xi32, #tpu.memory_space<hbm>>
      %dma_start3A_260 = tpu.memref_slice %dma_start3A_259[%mul3A_255] : memref<320000xi32, #tpu.memory_space<hbm>> -> memref<64xi32, #tpu.memory_space<hbm>>
      %dma_start3A_261 = arith.constant 0 : i32
      %dma_start3A_262 = tpu.memref_slice %arg3[%dma_start3A_256, %dma_start3A_261] : memref<2x320000xi32, #tpu.memory_space<hbm>> -> memref<1x320000xi32, #tpu.memory_space<hbm>>
      %dma_start3A_263 = tpu.memref_squeeze %dma_start3A_262 : memref<1x320000xi32, #tpu.memory_space<hbm>> -> memref<320000xi32, #tpu.memory_space<hbm>>
      %dma_start3A_264 = tpu.memref_slice %dma_start3A_263[%mul3A_255] : memref<320000xi32, #tpu.memory_space<hbm>> -> memref<64xi32, #tpu.memory_space<hbm>>
      tpu.enqueue_dma source(%dma_start3A_264 : memref<64xi32, #tpu.memory_space<hbm>>) target(%arg7 : memref<64xi32, #tpu.memory_space<vmem>>) target_semaphore(%arg20 : memref<!tpu.dma_semaphore, #tpu.memory_space<semaphore_mem>>)
      %add3A_265 = arith.constant 4 : i32
      %add3A_266 = arith.addi %mul3A_2, %add3A_265 : i32
      %mul3A_267 = arith.constant 64 : i32
      %mul3A_268 = arith.muli %add3A_266, %mul3A_267 : i32
      %dma_start3A_269 = arith.constant 0 : i32
      %dma_start3A_270 = arith.constant 0 : i32
      %dma_start3A_271 = tpu.memref_slice %arg3[%dma_start3A_269, %dma_start3A_270] : memref<2x320000xi32, #tpu.memory_space<hbm>> -> memref<1x320000xi32, #tpu.memory_space<hbm>>
      %dma_start3A_272 = tpu.memref_squeeze %dma_start3A_271 : memref<1x320000xi32, #tpu.memory_space<hbm>> -> memref<320000xi32, #tpu.memory_space<hbm>>
      %dma_start3A_273 = tpu.memref_slice %dma_start3A_272[%mul3A_268] : memref<320000xi32, #tpu.memory_space<hbm>> -> memref<64xi32, #tpu.memory_space<hbm>>
      %dma_start3A_274 = arith.constant 0 : i32
      %dma_start3A_275 = tpu.memref_slice %arg3[%dma_start3A_269, %dma_start3A_274] : memref<2x320000xi32, #tpu.memory_space<hbm>> -> memref<1x320000xi32, #tpu.memory_space<hbm>>
      %dma_start3A_276 = tpu.memref_squeeze %dma_start3A_275 : memref<1x320000xi32, #tpu.memory_space<hbm>> -> memref<320000xi32, #tpu.memory_space<hbm>>
      %dma_start3A_277 = tpu.memref_slice %dma_start3A_276[%mul3A_268] : memref<320000xi32, #tpu.memory_space<hbm>> -> memref<64xi32, #tpu.memory_space<hbm>>
      tpu.enqueue_dma source(%dma_start3A_277 : memref<64xi32, #tpu.memory_space<hbm>>) target(%arg10 : memref<64xi32, #tpu.memory_space<vmem>>) target_semaphore(%arg23 : memref<!tpu.dma_semaphore, #tpu.memory_space<semaphore_mem>>)
      %scan3A = arith.constant 0 : i32
      %scan3A_278 = arith.constant 1 : i32
      %scan3A_279 = arith.constant 38 : i32
      %scan3A_280 = arith.addi %scan3A_278, %scan3A_279 : i32
      %scan3A_281 = arith.constant 1 : i32
      scf.for %scan3A_528 = %scan3A_278 to %scan3A_280 step %scan3A_281  : i32 {
        %mul3A_529 = arith.constant 4 : i32
        %mul3A_530 = arith.muli %scan3A_528, %mul3A_529 : i32
        %add3A_531 = arith.constant 0 : i32
        %add3A_532 = arith.addi %mul3A_530, %add3A_531 : i32
        %add3A_533 = arith.addi %mul3A_2, %add3A_532 : i32
        %mul3A_534 = arith.constant 64 : i32
        %mul3A_535 = arith.muli %add3A_533, %mul3A_534 : i32
        %dma_wait3A_536 = arith.constant 1 : i32
        %dma_wait3A_537 = arith.constant 0 : i32
        %dma_wait3A_538 = tpu.memref_slice %arg3[%dma_wait3A_536, %dma_wait3A_537] : memref<2x320000xi32, #tpu.memory_space<hbm>> -> memref<1x320000xi32, #tpu.memory_space<hbm>>
        %dma_wait3A_539 = tpu.memref_squeeze %dma_wait3A_538 : memref<1x320000xi32, #tpu.memory_space<hbm>> -> memref<320000xi32, #tpu.memory_space<hbm>>
        %dma_wait3A_540 = tpu.memref_slice %dma_wait3A_539[%mul3A_535] : memref<320000xi32, #tpu.memory_space<hbm>> -> memref<64xi32, #tpu.memory_space<hbm>>
        %dma_wait3A_541 = arith.constant 0 : i32
        %dma_wait3A_542 = tpu.memref_slice %arg3[%dma_wait3A_536, %dma_wait3A_541] : memref<2x320000xi32, #tpu.memory_space<hbm>> -> memref<1x320000xi32, #tpu.memory_space<hbm>>
        %dma_wait3A_543 = tpu.memref_squeeze %dma_wait3A_542 : memref<1x320000xi32, #tpu.memory_space<hbm>> -> memref<320000xi32, #tpu.memory_space<hbm>>
        %dma_wait3A_544 = tpu.memref_slice %dma_wait3A_543[%mul3A_535] : memref<320000xi32, #tpu.memory_space<hbm>> -> memref<64xi32, #tpu.memory_space<hbm>>
        tpu.wait_dma2 semaphore(%arg19 : memref<!tpu.dma_semaphore, #tpu.memory_space<semaphore_mem>>) src(%dma_wait3A_544 : memref<64xi32, #tpu.memory_space<hbm>>) dst(%arg6 : memref<64xi32, #tpu.memory_space<vmem>>)
        %dma_start3A_545 = arith.constant 0 : i32
        %dma_start3A_546 = arith.constant 0 : i32
        %dma_start3A_547 = tpu.memref_slice %arg2[%dma_start3A_545, %dma_start3A_546] : memref<10000x128xf32, #tpu.memory_space<hbm>> -> memref<10000x128xf32, #tpu.memory_space<hbm>>
        tpu.enqueue_indirect_dma source(%dma_start3A_547 : memref<10000x128xf32, #tpu.memory_space<hbm>>) target(%arg14 : memref<64x128xf32, #tpu.memory_space<vmem>>) offsets(%arg6 : memref<64xi32, #tpu.memory_space<vmem>>) semaphore(%arg27 : memref<!tpu.dma_semaphore, #tpu.memory_space<semaphore_mem>>)
        %sub3A = arith.constant 1 : i32
        %sub3A_548 = arith.subi %add3A_532, %sub3A : i32
        %add3A_549 = arith.addi %mul3A_2, %sub3A_548 : i32
        %mul3A_550 = arith.constant 64 : i32
        %mul3A_551 = arith.muli %add3A_549, %mul3A_550 : i32
        %dma_wait3A_552 = arith.constant 0 : i32
        %dma_wait3A_553 = arith.constant 0 : i32
        %dma_wait3A_554 = tpu.memref_slice %arg3[%dma_wait3A_552, %dma_wait3A_553] : memref<2x320000xi32, #tpu.memory_space<hbm>> -> memref<1x320000xi32, #tpu.memory_space<hbm>>
        %dma_wait3A_555 = tpu.memref_squeeze %dma_wait3A_554 : memref<1x320000xi32, #tpu.memory_space<hbm>> -> memref<320000xi32, #tpu.memory_space<hbm>>
        %dma_wait3A_556 = tpu.memref_slice %dma_wait3A_555[%mul3A_551] : memref<320000xi32, #tpu.memory_space<hbm>> -> memref<64xi32, #tpu.memory_space<hbm>>
        %dma_wait3A_557 = arith.constant 0 : i32
        %dma_wait3A_558 = tpu.memref_slice %arg3[%dma_wait3A_552, %dma_wait3A_557] : memref<2x320000xi32, #tpu.memory_space<hbm>> -> memref<1x320000xi32, #tpu.memory_space<hbm>>
        %dma_wait3A_559 = tpu.memref_squeeze %dma_wait3A_558 : memref<1x320000xi32, #tpu.memory_space<hbm>> -> memref<320000xi32, #tpu.memory_space<hbm>>
        %dma_wait3A_560 = tpu.memref_slice %dma_wait3A_559[%mul3A_551] : memref<320000xi32, #tpu.memory_space<hbm>> -> memref<64xi32, #tpu.memory_space<hbm>>
        tpu.wait_dma2 semaphore(%arg26 : memref<!tpu.dma_semaphore, #tpu.memory_space<semaphore_mem>>) src(%dma_wait3A_560 : memref<64xi32, #tpu.memory_space<hbm>>) dst(%arg13 : memref<64xi32, #tpu.memory_space<vmem>>)
        %dma_wait3A_561 = arith.constant 0 : i32
        %dma_wait3A_562 = arith.constant 0 : i32
        %dma_wait3A_563 = tpu.memref_slice %arg2[%dma_wait3A_561, %dma_wait3A_562] : memref<10000x128xf32, #tpu.memory_space<hbm>> -> memref<10000x128xf32, #tpu.memory_space<hbm>>
        tpu.wait_indirect_dma semaphore(%arg30 : memref<!tpu.dma_semaphore, #tpu.memory_space<semaphore_mem>>) src(%dma_wait3A_563 : memref<10000x128xf32, #tpu.memory_space<hbm>>) dst(%arg17 : memref<64x128xf32, #tpu.memory_space<vmem>>)
        %dma_start3A_564 = arith.constant 0 : i32
        %dma_start3A_565 = arith.constant 0 : i32
        %dma_start3A_566 = tpu.memref_slice %arg18[%dma_start3A_564, %dma_start3A_565] : memref<10240x128xf32, #tpu.memory_space<vmem_shared>> -> memref<10240x128xf32, #tpu.memory_space<vmem_shared>>
        tpu.enqueue_indirect_dma source(%arg17 : memref<64x128xf32, #tpu.memory_space<vmem>>) target(%dma_start3A_566 : memref<10240x128xf32, #tpu.memory_space<vmem_shared>>) offsets(%arg13 : memref<64xi32, #tpu.memory_space<vmem>>) semaphore(%arg34 : memref<!tpu.dma_semaphore, #tpu.memory_space<semaphore_mem>>) {add = true}
        %dma_wait3A_567 = arith.constant 0 : i32
        %dma_wait3A_568 = arith.constant 0 : i32
        %dma_wait3A_569 = tpu.memref_slice %arg18[%dma_wait3A_567, %dma_wait3A_568] : memref<10240x128xf32, #tpu.memory_space<vmem_shared>> -> memref<10240x128xf32, #tpu.memory_space<vmem_shared>>
        tpu.wait_indirect_dma semaphore(%arg32 : memref<!tpu.dma_semaphore, #tpu.memory_space<semaphore_mem>>) src(%arg15 : memref<64x128xf32, #tpu.memory_space<vmem>>) dst(%dma_wait3A_569 : memref<10240x128xf32, #tpu.memory_space<vmem_shared>>)
        %add3A_570 = arith.constant 2 : i32
        %add3A_571 = arith.addi %add3A_532, %add3A_570 : i32
        %add3A_572 = arith.addi %mul3A_2, %add3A_571 : i32
        %mul3A_573 = arith.constant 64 : i32
        %mul3A_574 = arith.muli %add3A_572, %mul3A_573 : i32
        %dma_start3A_575 = arith.constant 1 : i32
        %dma_start3A_576 = arith.constant 0 : i32
        %dma_start3A_577 = tpu.memref_slice %arg3[%dma_start3A_575, %dma_start3A_576] : memref<2x320000xi32, #tpu.memory_space<hbm>> -> memref<1x320000xi32, #tpu.memory_space<hbm>>
        %dma_start3A_578 = tpu.memref_squeeze %dma_start3A_577 : memref<1x320000xi32, #tpu.memory_space<hbm>> -> memref<320000xi32, #tpu.memory_space<hbm>>
        %dma_start3A_579 = tpu.memref_slice %dma_start3A_578[%mul3A_574] : memref<320000xi32, #tpu.memory_space<hbm>> -> memref<64xi32, #tpu.memory_space<hbm>>
        %dma_start3A_580 = arith.constant 0 : i32
        %dma_start3A_581 = tpu.memref_slice %arg3[%dma_start3A_575, %dma_start3A_580] : memref<2x320000xi32, #tpu.memory_space<hbm>> -> memref<1x320000xi32, #tpu.memory_space<hbm>>
        %dma_start3A_582 = tpu.memref_squeeze %dma_start3A_581 : memref<1x320000xi32, #tpu.memory_space<hbm>> -> memref<320000xi32, #tpu.memory_space<hbm>>
        %dma_start3A_583 = tpu.memref_slice %dma_start3A_582[%mul3A_574] : memref<320000xi32, #tpu.memory_space<hbm>> -> memref<64xi32, #tpu.memory_space<hbm>>
        tpu.enqueue_dma source(%dma_start3A_583 : memref<64xi32, #tpu.memory_space<hbm>>) target(%arg8 : memref<64xi32, #tpu.memory_space<vmem>>) target_semaphore(%arg21 : memref<!tpu.dma_semaphore, #tpu.memory_space<semaphore_mem>>)
        %add3A_584 = arith.constant 1 : i32
        %add3A_585 = arith.addi %add3A_532, %add3A_584 : i32
        %add3A_586 = arith.addi %mul3A_2, %add3A_585 : i32
        %mul3A_587 = arith.constant 64 : i32
        %mul3A_588 = arith.muli %add3A_586, %mul3A_587 : i32
        %dma_start3A_589 = arith.constant 0 : i32
        %dma_start3A_590 = arith.constant 0 : i32
        %dma_start3A_591 = tpu.memref_slice %arg3[%dma_start3A_589, %dma_start3A_590] : memref<2x320000xi32, #tpu.memory_space<hbm>> -> memref<1x320000xi32, #tpu.memory_space<hbm>>
        %dma_start3A_592 = tpu.memref_squeeze %dma_start3A_591 : memref<1x320000xi32, #tpu.memory_space<hbm>> -> memref<320000xi32, #tpu.memory_space<hbm>>
        %dma_start3A_593 = tpu.memref_slice %dma_start3A_592[%mul3A_588] : memref<320000xi32, #tpu.memory_space<hbm>> -> memref<64xi32, #tpu.memory_space<hbm>>
        %dma_start3A_594 = arith.constant 0 : i32
        %dma_start3A_595 = tpu.memref_slice %arg3[%dma_start3A_589, %dma_start3A_594] : memref<2x320000xi32, #tpu.memory_space<hbm>> -> memref<1x320000xi32, #tpu.memory_space<hbm>>
        %dma_start3A_596 = tpu.memref_squeeze %dma_start3A_595 : memref<1x320000xi32, #tpu.memory_space<hbm>> -> memref<320000xi32, #tpu.memory_space<hbm>>
        %dma_start3A_597 = tpu.memref_slice %dma_start3A_596[%mul3A_588] : memref<320000xi32, #tpu.memory_space<hbm>> -> memref<64xi32, #tpu.memory_space<hbm>>
        tpu.enqueue_dma source(%dma_start3A_597 : memref<64xi32, #tpu.memory_space<hbm>>) target(%arg11 : memref<64xi32, #tpu.memory_space<vmem>>) target_semaphore(%arg24 : memref<!tpu.dma_semaphore, #tpu.memory_space<semaphore_mem>>)
        %mul3A_598 = arith.constant 4 : i32
        %mul3A_599 = arith.muli %scan3A_528, %mul3A_598 : i32
        %add3A_600 = arith.constant 1 : i32
        %add3A_601 = arith.addi %mul3A_599, %add3A_600 : i32
        %add3A_602 = arith.addi %mul3A_2, %add3A_601 : i32
        %mul3A_603 = arith.constant 64 : i32
        %mul3A_604 = arith.muli %add3A_602, %mul3A_603 : i32
        %dma_wait3A_605 = arith.constant 1 : i32
        %dma_wait3A_606 = arith.constant 0 : i32
        %dma_wait3A_607 = tpu.memref_slice %arg3[%dma_wait3A_605, %dma_wait3A_606] : memref<2x320000xi32, #tpu.memory_space<hbm>> -> memref<1x320000xi32, #tpu.memory_space<hbm>>
        %dma_wait3A_608 = tpu.memref_squeeze %dma_wait3A_607 : memref<1x320000xi32, #tpu.memory_space<hbm>> -> memref<320000xi32, #tpu.memory_space<hbm>>
        %dma_wait3A_609 = tpu.memref_slice %dma_wait3A_608[%mul3A_604] : memref<320000xi32, #tpu.memory_space<hbm>> -> memref<64xi32, #tpu.memory_space<hbm>>
        %dma_wait3A_610 = arith.constant 0 : i32
        %dma_wait3A_611 = tpu.memref_slice %arg3[%dma_wait3A_605, %dma_wait3A_610] : memref<2x320000xi32, #tpu.memory_space<hbm>> -> memref<1x320000xi32, #tpu.memory_space<hbm>>
        %dma_wait3A_612 = tpu.memref_squeeze %dma_wait3A_611 : memref<1x320000xi32, #tpu.memory_space<hbm>> -> memref<320000xi32, #tpu.memory_space<hbm>>
        %dma_wait3A_613 = tpu.memref_slice %dma_wait3A_612[%mul3A_604] : memref<320000xi32, #tpu.memory_space<hbm>> -> memref<64xi32, #tpu.memory_space<hbm>>
        tpu.wait_dma2 semaphore(%arg20 : memref<!tpu.dma_semaphore, #tpu.memory_space<semaphore_mem>>) src(%dma_wait3A_613 : memref<64xi32, #tpu.memory_space<hbm>>) dst(%arg7 : memref<64xi32, #tpu.memory_space<vmem>>)
        %dma_start3A_614 = arith.constant 0 : i32
        %dma_start3A_615 = arith.constant 0 : i32
        %dma_start3A_616 = tpu.memref_slice %arg2[%dma_start3A_614, %dma_start3A_615] : memref<10000x128xf32, #tpu.memory_space<hbm>> -> memref<10000x128xf32, #tpu.memory_space<hbm>>
        tpu.enqueue_indirect_dma source(%dma_start3A_616 : memref<10000x128xf32, #tpu.memory_space<hbm>>) target(%arg15 : memref<64x128xf32, #tpu.memory_space<vmem>>) offsets(%arg7 : memref<64xi32, #tpu.memory_space<vmem>>) semaphore(%arg28 : memref<!tpu.dma_semaphore, #tpu.memory_space<semaphore_mem>>)
        %sub3A_617 = arith.constant 1 : i32
        %sub3A_618 = arith.subi %add3A_601, %sub3A_617 : i32
        %add3A_619 = arith.addi %mul3A_2, %sub3A_618 : i32
        %mul3A_620 = arith.constant 64 : i32
        %mul3A_621 = arith.muli %add3A_619, %mul3A_620 : i32
        %dma_wait3A_622 = arith.constant 0 : i32
        %dma_wait3A_623 = arith.constant 0 : i32
        %dma_wait3A_624 = tpu.memref_slice %arg3[%dma_wait3A_622, %dma_wait3A_623] : memref<2x320000xi32, #tpu.memory_space<hbm>> -> memref<1x320000xi32, #tpu.memory_space<hbm>>
        %dma_wait3A_625 = tpu.memref_squeeze %dma_wait3A_624 : memref<1x320000xi32, #tpu.memory_space<hbm>> -> memref<320000xi32, #tpu.memory_space<hbm>>
        %dma_wait3A_626 = tpu.memref_slice %dma_wait3A_625[%mul3A_621] : memref<320000xi32, #tpu.memory_space<hbm>> -> memref<64xi32, #tpu.memory_space<hbm>>
        %dma_wait3A_627 = arith.constant 0 : i32
        %dma_wait3A_628 = tpu.memref_slice %arg3[%dma_wait3A_622, %dma_wait3A_627] : memref<2x320000xi32, #tpu.memory_space<hbm>> -> memref<1x320000xi32, #tpu.memory_space<hbm>>
        %dma_wait3A_629 = tpu.memref_squeeze %dma_wait3A_628 : memref<1x320000xi32, #tpu.memory_space<hbm>> -> memref<320000xi32, #tpu.memory_space<hbm>>
        %dma_wait3A_630 = tpu.memref_slice %dma_wait3A_629[%mul3A_621] : memref<320000xi32, #tpu.memory_space<hbm>> -> memref<64xi32, #tpu.memory_space<hbm>>
        tpu.wait_dma2 semaphore(%arg23 : memref<!tpu.dma_semaphore, #tpu.memory_space<semaphore_mem>>) src(%dma_wait3A_630 : memref<64xi32, #tpu.memory_space<hbm>>) dst(%arg10 : memref<64xi32, #tpu.memory_space<vmem>>)
        %dma_wait3A_631 = arith.constant 0 : i32
        %dma_wait3A_632 = arith.constant 0 : i32
        %dma_wait3A_633 = tpu.memref_slice %arg2[%dma_wait3A_631, %dma_wait3A_632] : memref<10000x128xf32, #tpu.memory_space<hbm>> -> memref<10000x128xf32, #tpu.memory_space<hbm>>
        tpu.wait_indirect_dma semaphore(%arg27 : memref<!tpu.dma_semaphore, #tpu.memory_space<semaphore_mem>>) src(%dma_wait3A_633 : memref<10000x128xf32, #tpu.memory_space<hbm>>) dst(%arg14 : memref<64x128xf32, #tpu.memory_space<vmem>>)
        %dma_start3A_634 = arith.constant 0 : i32
        %dma_start3A_635 = arith.constant 0 : i32
        %dma_start3A_636 = tpu.memref_slice %arg18[%dma_start3A_634, %dma_start3A_635] : memref<10240x128xf32, #tpu.memory_space<vmem_shared>> -> memref<10240x128xf32, #tpu.memory_space<vmem_shared>>
        tpu.enqueue_indirect_dma source(%arg14 : memref<64x128xf32, #tpu.memory_space<vmem>>) target(%dma_start3A_636 : memref<10240x128xf32, #tpu.memory_space<vmem_shared>>) offsets(%arg10 : memref<64xi32, #tpu.memory_space<vmem>>) semaphore(%arg31 : memref<!tpu.dma_semaphore, #tpu.memory_space<semaphore_mem>>) {add = true}
        %dma_wait3A_637 = arith.constant 0 : i32
        %dma_wait3A_638 = arith.constant 0 : i32
        %dma_wait3A_639 = tpu.memref_slice %arg18[%dma_wait3A_637, %dma_wait3A_638] : memref<10240x128xf32, #tpu.memory_space<vmem_shared>> -> memref<10240x128xf32, #tpu.memory_space<vmem_shared>>
        tpu.wait_indirect_dma semaphore(%arg33 : memref<!tpu.dma_semaphore, #tpu.memory_space<semaphore_mem>>) src(%arg16 : memref<64x128xf32, #tpu.memory_space<vmem>>) dst(%dma_wait3A_639 : memref<10240x128xf32, #tpu.memory_space<vmem_shared>>)
        %add3A_640 = arith.constant 2 : i32
        %add3A_641 = arith.addi %add3A_601, %add3A_640 : i32
        %add3A_642 = arith.addi %mul3A_2, %add3A_641 : i32
        %mul3A_643 = arith.constant 64 : i32
        %mul3A_644 = arith.muli %add3A_642, %mul3A_643 : i32
        %dma_start3A_645 = arith.constant 1 : i32
        %dma_start3A_646 = arith.constant 0 : i32
        %dma_start3A_647 = tpu.memref_slice %arg3[%dma_start3A_645, %dma_start3A_646] : memref<2x320000xi32, #tpu.memory_space<hbm>> -> memref<1x320000xi32, #tpu.memory_space<hbm>>
        %dma_start3A_648 = tpu.memref_squeeze %dma_start3A_647 : memref<1x320000xi32, #tpu.memory_space<hbm>> -> memref<320000xi32, #tpu.memory_space<hbm>>
        %dma_start3A_649 = tpu.memref_slice %dma_start3A_648[%mul3A_644] : memref<320000xi32, #tpu.memory_space<hbm>> -> memref<64xi32, #tpu.memory_space<hbm>>
        %dma_start3A_650 = arith.constant 0 : i32
        %dma_start3A_651 = tpu.memref_slice %arg3[%dma_start3A_645, %dma_start3A_650] : memref<2x320000xi32, #tpu.memory_space<hbm>> -> memref<1x320000xi32, #tpu.memory_space<hbm>>
        %dma_start3A_652 = tpu.memref_squeeze %dma_start3A_651 : memref<1x320000xi32, #tpu.memory_space<hbm>> -> memref<320000xi32, #tpu.memory_space<hbm>>
        %dma_start3A_653 = tpu.memref_slice %dma_start3A_652[%mul3A_644] : memref<320000xi32, #tpu.memory_space<hbm>> -> memref<64xi32, #tpu.memory_space<hbm>>
        tpu.enqueue_dma source(%dma_start3A_653 : memref<64xi32, #tpu.memory_space<hbm>>) target(%arg9 : memref<64xi32, #tpu.memory_space<vmem>>) target_semaphore(%arg22 : memref<!tpu.dma_semaphore, #tpu.memory_space<semaphore_mem>>)
        %add3A_654 = arith.constant 1 : i32
        %add3A_655 = arith.addi %add3A_601, %add3A_654 : i32
        %add3A_656 = arith.addi %mul3A_2, %add3A_655 : i32
        %mul3A_657 = arith.constant 64 : i32
        %mul3A_658 = arith.muli %add3A_656, %mul3A_657 : i32
        %dma_start3A_659 = arith.constant 0 : i32
        %dma_start3A_660 = arith.constant 0 : i32
        %dma_start3A_661 = tpu.memref_slice %arg3[%dma_start3A_659, %dma_start3A_660] : memref<2x320000xi32, #tpu.memory_space<hbm>> -> memref<1x320000xi32, #tpu.memory_space<hbm>>
        %dma_start3A_662 = tpu.memref_squeeze %dma_start3A_661 : memref<1x320000xi32, #tpu.memory_space<hbm>> -> memref<320000xi32, #tpu.memory_space<hbm>>
        %dma_start3A_663 = tpu.memref_slice %dma_start3A_662[%mul3A_658] : memref<320000xi32, #tpu.memory_space<hbm>> -> memref<64xi32, #tpu.memory_space<hbm>>
        %dma_start3A_664 = arith.constant 0 : i32
        %dma_start3A_665 = tpu.memref_slice %arg3[%dma_start3A_659, %dma_start3A_664] : memref<2x320000xi32, #tpu.memory_space<hbm>> -> memref<1x320000xi32, #tpu.memory_space<hbm>>
        %dma_start3A_666 = tpu.memref_squeeze %dma_start3A_665 : memref<1x320000xi32, #tpu.memory_space<hbm>> -> memref<320000xi32, #tpu.memory_space<hbm>>
        %dma_start3A_667 = tpu.memref_slice %dma_start3A_666[%mul3A_658] : memref<320000xi32, #tpu.memory_space<hbm>> -> memref<64xi32, #tpu.memory_space<hbm>>
        tpu.enqueue_dma source(%dma_start3A_667 : memref<64xi32, #tpu.memory_space<hbm>>) target(%arg12 : memref<64xi32, #tpu.memory_space<vmem>>) target_semaphore(%arg25 : memref<!tpu.dma_semaphore, #tpu.memory_space<semaphore_mem>>)
        %mul3A_668 = arith.constant 4 : i32
        %mul3A_669 = arith.muli %scan3A_528, %mul3A_668 : i32
        %add3A_670 = arith.constant 2 : i32
        %add3A_671 = arith.addi %mul3A_669, %add3A_670 : i32
        %add3A_672 = arith.addi %mul3A_2, %add3A_671 : i32
        %mul3A_673 = arith.constant 64 : i32
        %mul3A_674 = arith.muli %add3A_672, %mul3A_673 : i32
        %dma_wait3A_675 = arith.constant 1 : i32
        %dma_wait3A_676 = arith.constant 0 : i32
        %dma_wait3A_677 = tpu.memref_slice %arg3[%dma_wait3A_675, %dma_wait3A_676] : memref<2x320000xi32, #tpu.memory_space<hbm>> -> memref<1x320000xi32, #tpu.memory_space<hbm>>
        %dma_wait3A_678 = tpu.memref_squeeze %dma_wait3A_677 : memref<1x320000xi32, #tpu.memory_space<hbm>> -> memref<320000xi32, #tpu.memory_space<hbm>>
        %dma_wait3A_679 = tpu.memref_slice %dma_wait3A_678[%mul3A_674] : memref<320000xi32, #tpu.memory_space<hbm>> -> memref<64xi32, #tpu.memory_space<hbm>>
        %dma_wait3A_680 = arith.constant 0 : i32
        %dma_wait3A_681 = tpu.memref_slice %arg3[%dma_wait3A_675, %dma_wait3A_680] : memref<2x320000xi32, #tpu.memory_space<hbm>> -> memref<1x320000xi32, #tpu.memory_space<hbm>>
        %dma_wait3A_682 = tpu.memref_squeeze %dma_wait3A_681 : memref<1x320000xi32, #tpu.memory_space<hbm>> -> memref<320000xi32, #tpu.memory_space<hbm>>
        %dma_wait3A_683 = tpu.memref_slice %dma_wait3A_682[%mul3A_674] : memref<320000xi32, #tpu.memory_space<hbm>> -> memref<64xi32, #tpu.memory_space<hbm>>
        tpu.wait_dma2 semaphore(%arg21 : memref<!tpu.dma_semaphore, #tpu.memory_space<semaphore_mem>>) src(%dma_wait3A_683 : memref<64xi32, #tpu.memory_space<hbm>>) dst(%arg8 : memref<64xi32, #tpu.memory_space<vmem>>)
        %dma_start3A_684 = arith.constant 0 : i32
        %dma_start3A_685 = arith.constant 0 : i32
        %dma_start3A_686 = tpu.memref_slice %arg2[%dma_start3A_684, %dma_start3A_685] : memref<10000x128xf32, #tpu.memory_space<hbm>> -> memref<10000x128xf32, #tpu.memory_space<hbm>>
        tpu.enqueue_indirect_dma source(%dma_start3A_686 : memref<10000x128xf32, #tpu.memory_space<hbm>>) target(%arg16 : memref<64x128xf32, #tpu.memory_space<vmem>>) offsets(%arg8 : memref<64xi32, #tpu.memory_space<vmem>>) semaphore(%arg29 : memref<!tpu.dma_semaphore, #tpu.memory_space<semaphore_mem>>)
        %sub3A_687 = arith.constant 1 : i32
        %sub3A_688 = arith.subi %add3A_671, %sub3A_687 : i32
        %add3A_689 = arith.addi %mul3A_2, %sub3A_688 : i32
        %mul3A_690 = arith.constant 64 : i32
        %mul3A_691 = arith.muli %add3A_689, %mul3A_690 : i32
        %dma_wait3A_692 = arith.constant 0 : i32
        %dma_wait3A_693 = arith.constant 0 : i32
        %dma_wait3A_694 = tpu.memref_slice %arg3[%dma_wait3A_692, %dma_wait3A_693] : memref<2x320000xi32, #tpu.memory_space<hbm>> -> memref<1x320000xi32, #tpu.memory_space<hbm>>
        %dma_wait3A_695 = tpu.memref_squeeze %dma_wait3A_694 : memref<1x320000xi32, #tpu.memory_space<hbm>> -> memref<320000xi32, #tpu.memory_space<hbm>>
        %dma_wait3A_696 = tpu.memref_slice %dma_wait3A_695[%mul3A_691] : memref<320000xi32, #tpu.memory_space<hbm>> -> memref<64xi32, #tpu.memory_space<hbm>>
        %dma_wait3A_697 = arith.constant 0 : i32
        %dma_wait3A_698 = tpu.memref_slice %arg3[%dma_wait3A_692, %dma_wait3A_697] : memref<2x320000xi32, #tpu.memory_space<hbm>> -> memref<1x320000xi32, #tpu.memory_space<hbm>>
        %dma_wait3A_699 = tpu.memref_squeeze %dma_wait3A_698 : memref<1x320000xi32, #tpu.memory_space<hbm>> -> memref<320000xi32, #tpu.memory_space<hbm>>
        %dma_wait3A_700 = tpu.memref_slice %dma_wait3A_699[%mul3A_691] : memref<320000xi32, #tpu.memory_space<hbm>> -> memref<64xi32, #tpu.memory_space<hbm>>
        tpu.wait_dma2 semaphore(%arg24 : memref<!tpu.dma_semaphore, #tpu.memory_space<semaphore_mem>>) src(%dma_wait3A_700 : memref<64xi32, #tpu.memory_space<hbm>>) dst(%arg11 : memref<64xi32, #tpu.memory_space<vmem>>)
        %dma_wait3A_701 = arith.constant 0 : i32
        %dma_wait3A_702 = arith.constant 0 : i32
        %dma_wait3A_703 = tpu.memref_slice %arg2[%dma_wait3A_701, %dma_wait3A_702] : memref<10000x128xf32, #tpu.memory_space<hbm>> -> memref<10000x128xf32, #tpu.memory_space<hbm>>
        tpu.wait_indirect_dma semaphore(%arg28 : memref<!tpu.dma_semaphore, #tpu.memory_space<semaphore_mem>>) src(%dma_wait3A_703 : memref<10000x128xf32, #tpu.memory_space<hbm>>) dst(%arg15 : memref<64x128xf32, #tpu.memory_space<vmem>>)
        %dma_start3A_704 = arith.constant 0 : i32
        %dma_start3A_705 = arith.constant 0 : i32
        %dma_start3A_706 = tpu.memref_slice %arg18[%dma_start3A_704, %dma_start3A_705] : memref<10240x128xf32, #tpu.memory_space<vmem_shared>> -> memref<10240x128xf32, #tpu.memory_space<vmem_shared>>
        tpu.enqueue_indirect_dma source(%arg15 : memref<64x128xf32, #tpu.memory_space<vmem>>) target(%dma_start3A_706 : memref<10240x128xf32, #tpu.memory_space<vmem_shared>>) offsets(%arg11 : memref<64xi32, #tpu.memory_space<vmem>>) semaphore(%arg32 : memref<!tpu.dma_semaphore, #tpu.memory_space<semaphore_mem>>) {add = true}
        %dma_wait3A_707 = arith.constant 0 : i32
        %dma_wait3A_708 = arith.constant 0 : i32
        %dma_wait3A_709 = tpu.memref_slice %arg18[%dma_wait3A_707, %dma_wait3A_708] : memref<10240x128xf32, #tpu.memory_space<vmem_shared>> -> memref<10240x128xf32, #tpu.memory_space<vmem_shared>>
        tpu.wait_indirect_dma semaphore(%arg34 : memref<!tpu.dma_semaphore, #tpu.memory_space<semaphore_mem>>) src(%arg17 : memref<64x128xf32, #tpu.memory_space<vmem>>) dst(%dma_wait3A_709 : memref<10240x128xf32, #tpu.memory_space<vmem_shared>>)
        %add3A_710 = arith.constant 2 : i32
        %add3A_711 = arith.addi %add3A_671, %add3A_710 : i32
        %add3A_712 = arith.addi %mul3A_2, %add3A_711 : i32
        %mul3A_713 = arith.constant 64 : i32
        %mul3A_714 = arith.muli %add3A_712, %mul3A_713 : i32
        %dma_start3A_715 = arith.constant 1 : i32
        %dma_start3A_716 = arith.constant 0 : i32
        %dma_start3A_717 = tpu.memref_slice %arg3[%dma_start3A_715, %dma_start3A_716] : memref<2x320000xi32, #tpu.memory_space<hbm>> -> memref<1x320000xi32, #tpu.memory_space<hbm>>
        %dma_start3A_718 = tpu.memref_squeeze %dma_start3A_717 : memref<1x320000xi32, #tpu.memory_space<hbm>> -> memref<320000xi32, #tpu.memory_space<hbm>>
        %dma_start3A_719 = tpu.memref_slice %dma_start3A_718[%mul3A_714] : memref<320000xi32, #tpu.memory_space<hbm>> -> memref<64xi32, #tpu.memory_space<hbm>>
        %dma_start3A_720 = arith.constant 0 : i32
        %dma_start3A_721 = tpu.memref_slice %arg3[%dma_start3A_715, %dma_start3A_720] : memref<2x320000xi32, #tpu.memory_space<hbm>> -> memref<1x320000xi32, #tpu.memory_space<hbm>>
        %dma_start3A_722 = tpu.memref_squeeze %dma_start3A_721 : memref<1x320000xi32, #tpu.memory_space<hbm>> -> memref<320000xi32, #tpu.memory_space<hbm>>
        %dma_start3A_723 = tpu.memref_slice %dma_start3A_722[%mul3A_714] : memref<320000xi32, #tpu.memory_space<hbm>> -> memref<64xi32, #tpu.memory_space<hbm>>
        tpu.enqueue_dma source(%dma_start3A_723 : memref<64xi32, #tpu.memory_space<hbm>>) target(%arg6 : memref<64xi32, #tpu.memory_space<vmem>>) target_semaphore(%arg19 : memref<!tpu.dma_semaphore, #tpu.memory_space<semaphore_mem>>)
        %add3A_724 = arith.constant 1 : i32
        %add3A_725 = arith.addi %add3A_671, %add3A_724 : i32
        %add3A_726 = arith.addi %mul3A_2, %add3A_725 : i32
        %mul3A_727 = arith.constant 64 : i32
        %mul3A_728 = arith.muli %add3A_726, %mul3A_727 : i32
        %dma_start3A_729 = arith.constant 0 : i32
        %dma_start3A_730 = arith.constant 0 : i32
        %dma_start3A_731 = tpu.memref_slice %arg3[%dma_start3A_729, %dma_start3A_730] : memref<2x320000xi32, #tpu.memory_space<hbm>> -> memref<1x320000xi32, #tpu.memory_space<hbm>>
        %dma_start3A_732 = tpu.memref_squeeze %dma_start3A_731 : memref<1x320000xi32, #tpu.memory_space<hbm>> -> memref<320000xi32, #tpu.memory_space<hbm>>
        %dma_start3A_733 = tpu.memref_slice %dma_start3A_732[%mul3A_728] : memref<320000xi32, #tpu.memory_space<hbm>> -> memref<64xi32, #tpu.memory_space<hbm>>
        %dma_start3A_734 = arith.constant 0 : i32
        %dma_start3A_735 = tpu.memref_slice %arg3[%dma_start3A_729, %dma_start3A_734] : memref<2x320000xi32, #tpu.memory_space<hbm>> -> memref<1x320000xi32, #tpu.memory_space<hbm>>
        %dma_start3A_736 = tpu.memref_squeeze %dma_start3A_735 : memref<1x320000xi32, #tpu.memory_space<hbm>> -> memref<320000xi32, #tpu.memory_space<hbm>>
        %dma_start3A_737 = tpu.memref_slice %dma_start3A_736[%mul3A_728] : memref<320000xi32, #tpu.memory_space<hbm>> -> memref<64xi32, #tpu.memory_space<hbm>>
        tpu.enqueue_dma source(%dma_start3A_737 : memref<64xi32, #tpu.memory_space<hbm>>) target(%arg13 : memref<64xi32, #tpu.memory_space<vmem>>) target_semaphore(%arg26 : memref<!tpu.dma_semaphore, #tpu.memory_space<semaphore_mem>>)
        %mul3A_738 = arith.constant 4 : i32
        %mul3A_739 = arith.muli %scan3A_528, %mul3A_738 : i32
        %add3A_740 = arith.constant 3 : i32
        %add3A_741 = arith.addi %mul3A_739, %add3A_740 : i32
        %add3A_742 = arith.addi %mul3A_2, %add3A_741 : i32
        %mul3A_743 = arith.constant 64 : i32
        %mul3A_744 = arith.muli %add3A_742, %mul3A_743 : i32
        %dma_wait3A_745 = arith.constant 1 : i32
        %dma_wait3A_746 = arith.constant 0 : i32
        %dma_wait3A_747 = tpu.memref_slice %arg3[%dma_wait3A_745, %dma_wait3A_746] : memref<2x320000xi32, #tpu.memory_space<hbm>> -> memref<1x320000xi32, #tpu.memory_space<hbm>>
        %dma_wait3A_748 = tpu.memref_squeeze %dma_wait3A_747 : memref<1x320000xi32, #tpu.memory_space<hbm>> -> memref<320000xi32, #tpu.memory_space<hbm>>
        %dma_wait3A_749 = tpu.memref_slice %dma_wait3A_748[%mul3A_744] : memref<320000xi32, #tpu.memory_space<hbm>> -> memref<64xi32, #tpu.memory_space<hbm>>
        %dma_wait3A_750 = arith.constant 0 : i32
        %dma_wait3A_751 = tpu.memref_slice %arg3[%dma_wait3A_745, %dma_wait3A_750] : memref<2x320000xi32, #tpu.memory_space<hbm>> -> memref<1x320000xi32, #tpu.memory_space<hbm>>
        %dma_wait3A_752 = tpu.memref_squeeze %dma_wait3A_751 : memref<1x320000xi32, #tpu.memory_space<hbm>> -> memref<320000xi32, #tpu.memory_space<hbm>>
        %dma_wait3A_753 = tpu.memref_slice %dma_wait3A_752[%mul3A_744] : memref<320000xi32, #tpu.memory_space<hbm>> -> memref<64xi32, #tpu.memory_space<hbm>>
        tpu.wait_dma2 semaphore(%arg22 : memref<!tpu.dma_semaphore, #tpu.memory_space<semaphore_mem>>) src(%dma_wait3A_753 : memref<64xi32, #tpu.memory_space<hbm>>) dst(%arg9 : memref<64xi32, #tpu.memory_space<vmem>>)
        %dma_start3A_754 = arith.constant 0 : i32
        %dma_start3A_755 = arith.constant 0 : i32
        %dma_start3A_756 = tpu.memref_slice %arg2[%dma_start3A_754, %dma_start3A_755] : memref<10000x128xf32, #tpu.memory_space<hbm>> -> memref<10000x128xf32, #tpu.memory_space<hbm>>
        tpu.enqueue_indirect_dma source(%dma_start3A_756 : memref<10000x128xf32, #tpu.memory_space<hbm>>) target(%arg17 : memref<64x128xf32, #tpu.memory_space<vmem>>) offsets(%arg9 : memref<64xi32, #tpu.memory_space<vmem>>) semaphore(%arg30 : memref<!tpu.dma_semaphore, #tpu.memory_space<semaphore_mem>>)
        %sub3A_757 = arith.constant 1 : i32
        %sub3A_758 = arith.subi %add3A_741, %sub3A_757 : i32
        %add3A_759 = arith.addi %mul3A_2, %sub3A_758 : i32
        %mul3A_760 = arith.constant 64 : i32
        %mul3A_761 = arith.muli %add3A_759, %mul3A_760 : i32
        %dma_wait3A_762 = arith.constant 0 : i32
        %dma_wait3A_763 = arith.constant 0 : i32
        %dma_wait3A_764 = tpu.memref_slice %arg3[%dma_wait3A_762, %dma_wait3A_763] : memref<2x320000xi32, #tpu.memory_space<hbm>> -> memref<1x320000xi32, #tpu.memory_space<hbm>>
        %dma_wait3A_765 = tpu.memref_squeeze %dma_wait3A_764 : memref<1x320000xi32, #tpu.memory_space<hbm>> -> memref<320000xi32, #tpu.memory_space<hbm>>
        %dma_wait3A_766 = tpu.memref_slice %dma_wait3A_765[%mul3A_761] : memref<320000xi32, #tpu.memory_space<hbm>> -> memref<64xi32, #tpu.memory_space<hbm>>
        %dma_wait3A_767 = arith.constant 0 : i32
        %dma_wait3A_768 = tpu.memref_slice %arg3[%dma_wait3A_762, %dma_wait3A_767] : memref<2x320000xi32, #tpu.memory_space<hbm>> -> memref<1x320000xi32, #tpu.memory_space<hbm>>
        %dma_wait3A_769 = tpu.memref_squeeze %dma_wait3A_768 : memref<1x320000xi32, #tpu.memory_space<hbm>> -> memref<320000xi32, #tpu.memory_space<hbm>>
        %dma_wait3A_770 = tpu.memref_slice %dma_wait3A_769[%mul3A_761] : memref<320000xi32, #tpu.memory_space<hbm>> -> memref<64xi32, #tpu.memory_space<hbm>>
        tpu.wait_dma2 semaphore(%arg25 : memref<!tpu.dma_semaphore, #tpu.memory_space<semaphore_mem>>) src(%dma_wait3A_770 : memref<64xi32, #tpu.memory_space<hbm>>) dst(%arg12 : memref<64xi32, #tpu.memory_space<vmem>>)
        %dma_wait3A_771 = arith.constant 0 : i32
        %dma_wait3A_772 = arith.constant 0 : i32
        %dma_wait3A_773 = tpu.memref_slice %arg2[%dma_wait3A_771, %dma_wait3A_772] : memref<10000x128xf32, #tpu.memory_space<hbm>> -> memref<10000x128xf32, #tpu.memory_space<hbm>>
        tpu.wait_indirect_dma semaphore(%arg29 : memref<!tpu.dma_semaphore, #tpu.memory_space<semaphore_mem>>) src(%dma_wait3A_773 : memref<10000x128xf32, #tpu.memory_space<hbm>>) dst(%arg16 : memref<64x128xf32, #tpu.memory_space<vmem>>)
        %dma_start3A_774 = arith.constant 0 : i32
        %dma_start3A_775 = arith.constant 0 : i32
        %dma_start3A_776 = tpu.memref_slice %arg18[%dma_start3A_774, %dma_start3A_775] : memref<10240x128xf32, #tpu.memory_space<vmem_shared>> -> memref<10240x128xf32, #tpu.memory_space<vmem_shared>>
        tpu.enqueue_indirect_dma source(%arg16 : memref<64x128xf32, #tpu.memory_space<vmem>>) target(%dma_start3A_776 : memref<10240x128xf32, #tpu.memory_space<vmem_shared>>) offsets(%arg12 : memref<64xi32, #tpu.memory_space<vmem>>) semaphore(%arg33 : memref<!tpu.dma_semaphore, #tpu.memory_space<semaphore_mem>>) {add = true}
        %dma_wait3A_777 = arith.constant 0 : i32
        %dma_wait3A_778 = arith.constant 0 : i32
        %dma_wait3A_779 = tpu.memref_slice %arg18[%dma_wait3A_777, %dma_wait3A_778] : memref<10240x128xf32, #tpu.memory_space<vmem_shared>> -> memref<10240x128xf32, #tpu.memory_space<vmem_shared>>
        tpu.wait_indirect_dma semaphore(%arg31 : memref<!tpu.dma_semaphore, #tpu.memory_space<semaphore_mem>>) src(%arg14 : memref<64x128xf32, #tpu.memory_space<vmem>>) dst(%dma_wait3A_779 : memref<10240x128xf32, #tpu.memory_space<vmem_shared>>)
        %add3A_780 = arith.constant 2 : i32
        %add3A_781 = arith.addi %add3A_741, %add3A_780 : i32
        %add3A_782 = arith.addi %mul3A_2, %add3A_781 : i32
        %mul3A_783 = arith.constant 64 : i32
        %mul3A_784 = arith.muli %add3A_782, %mul3A_783 : i32
        %dma_start3A_785 = arith.constant 1 : i32
        %dma_start3A_786 = arith.constant 0 : i32
        %dma_start3A_787 = tpu.memref_slice %arg3[%dma_start3A_785, %dma_start3A_786] : memref<2x320000xi32, #tpu.memory_space<hbm>> -> memref<1x320000xi32, #tpu.memory_space<hbm>>
        %dma_start3A_788 = tpu.memref_squeeze %dma_start3A_787 : memref<1x320000xi32, #tpu.memory_space<hbm>> -> memref<320000xi32, #tpu.memory_space<hbm>>
        %dma_start3A_789 = tpu.memref_slice %dma_start3A_788[%mul3A_784] : memref<320000xi32, #tpu.memory_space<hbm>> -> memref<64xi32, #tpu.memory_space<hbm>>
        %dma_start3A_790 = arith.constant 0 : i32
        %dma_start3A_791 = tpu.memref_slice %arg3[%dma_start3A_785, %dma_start3A_790] : memref<2x320000xi32, #tpu.memory_space<hbm>> -> memref<1x320000xi32, #tpu.memory_space<hbm>>
        %dma_start3A_792 = tpu.memref_squeeze %dma_start3A_791 : memref<1x320000xi32, #tpu.memory_space<hbm>> -> memref<320000xi32, #tpu.memory_space<hbm>>
        %dma_start3A_793 = tpu.memref_slice %dma_start3A_792[%mul3A_784] : memref<320000xi32, #tpu.memory_space<hbm>> -> memref<64xi32, #tpu.memory_space<hbm>>
        tpu.enqueue_dma source(%dma_start3A_793 : memref<64xi32, #tpu.memory_space<hbm>>) target(%arg7 : memref<64xi32, #tpu.memory_space<vmem>>) target_semaphore(%arg20 : memref<!tpu.dma_semaphore, #tpu.memory_space<semaphore_mem>>)
        %add3A_794 = arith.constant 1 : i32
        %add3A_795 = arith.addi %add3A_741, %add3A_794 : i32
        %add3A_796 = arith.addi %mul3A_2, %add3A_795 : i32
        %mul3A_797 = arith.constant 64 : i32
        %mul3A_798 = arith.muli %add3A_796, %mul3A_797 : i32
        %dma_start3A_799 = arith.constant 0 : i32
        %dma_start3A_800 = arith.constant 0 : i32
        %dma_start3A_801 = tpu.memref_slice %arg3[%dma_start3A_799, %dma_start3A_800] : memref<2x320000xi32, #tpu.memory_space<hbm>> -> memref<1x320000xi32, #tpu.memory_space<hbm>>
        %dma_start3A_802 = tpu.memref_squeeze %dma_start3A_801 : memref<1x320000xi32, #tpu.memory_space<hbm>> -> memref<320000xi32, #tpu.memory_space<hbm>>
        %dma_start3A_803 = tpu.memref_slice %dma_start3A_802[%mul3A_798] : memref<320000xi32, #tpu.memory_space<hbm>> -> memref<64xi32, #tpu.memory_space<hbm>>
        %dma_start3A_804 = arith.constant 0 : i32
        %dma_start3A_805 = tpu.memref_slice %arg3[%dma_start3A_799, %dma_start3A_804] : memref<2x320000xi32, #tpu.memory_space<hbm>> -> memref<1x320000xi32, #tpu.memory_space<hbm>>
        %dma_start3A_806 = tpu.memref_squeeze %dma_start3A_805 : memref<1x320000xi32, #tpu.memory_space<hbm>> -> memref<320000xi32, #tpu.memory_space<hbm>>
        %dma_start3A_807 = tpu.memref_slice %dma_start3A_806[%mul3A_798] : memref<320000xi32, #tpu.memory_space<hbm>> -> memref<64xi32, #tpu.memory_space<hbm>>
        tpu.enqueue_dma source(%dma_start3A_807 : memref<64xi32, #tpu.memory_space<hbm>>) target(%arg10 : memref<64xi32, #tpu.memory_space<vmem>>) target_semaphore(%arg23 : memref<!tpu.dma_semaphore, #tpu.memory_space<semaphore_mem>>)
      }
      %scan3A_282 = arith.constant 38 : i32
      %add3A_283 = arith.constant 156 : i32
      %add3A_284 = arith.addi %mul3A_2, %add3A_283 : i32
      %mul3A_285 = arith.constant 64 : i32
      %mul3A_286 = arith.muli %add3A_284, %mul3A_285 : i32
      %dma_wait3A_287 = arith.constant 1 : i32
      %dma_wait3A_288 = arith.constant 0 : i32
      %dma_wait3A_289 = tpu.memref_slice %arg3[%dma_wait3A_287, %dma_wait3A_288] : memref<2x320000xi32, #tpu.memory_space<hbm>> -> memref<1x320000xi32, #tpu.memory_space<hbm>>
      %dma_wait3A_290 = tpu.memref_squeeze %dma_wait3A_289 : memref<1x320000xi32, #tpu.memory_space<hbm>> -> memref<320000xi32, #tpu.memory_space<hbm>>
      %dma_wait3A_291 = tpu.memref_slice %dma_wait3A_290[%mul3A_286] : memref<320000xi32, #tpu.memory_space<hbm>> -> memref<64xi32, #tpu.memory_space<hbm>>
      %dma_wait3A_292 = arith.constant 0 : i32
      %dma_wait3A_293 = tpu.memref_slice %arg3[%dma_wait3A_287, %dma_wait3A_292] : memref<2x320000xi32, #tpu.memory_space<hbm>> -> memref<1x320000xi32, #tpu.memory_space<hbm>>
      %dma_wait3A_294 = tpu.memref_squeeze %dma_wait3A_293 : memref<1x320000xi32, #tpu.memory_space<hbm>> -> memref<320000xi32, #tpu.memory_space<hbm>>
      %dma_wait3A_295 = tpu.memref_slice %dma_wait3A_294[%mul3A_286] : memref<320000xi32, #tpu.memory_space<hbm>> -> memref<64xi32, #tpu.memory_space<hbm>>
      tpu.wait_dma2 semaphore(%arg19 : memref<!tpu.dma_semaphore, #tpu.memory_space<semaphore_mem>>) src(%dma_wait3A_295 : memref<64xi32, #tpu.memory_space<hbm>>) dst(%arg6 : memref<64xi32, #tpu.memory_space<vmem>>)
      %dma_start3A_296 = arith.constant 0 : i32
      %dma_start3A_297 = arith.constant 0 : i32
      %dma_start3A_298 = tpu.memref_slice %arg2[%dma_start3A_296, %dma_start3A_297] : memref<10000x128xf32, #tpu.memory_space<hbm>> -> memref<10000x128xf32, #tpu.memory_space<hbm>>
      tpu.enqueue_indirect_dma source(%dma_start3A_298 : memref<10000x128xf32, #tpu.memory_space<hbm>>) target(%arg14 : memref<64x128xf32, #tpu.memory_space<vmem>>) offsets(%arg6 : memref<64xi32, #tpu.memory_space<vmem>>) semaphore(%arg27 : memref<!tpu.dma_semaphore, #tpu.memory_space<semaphore_mem>>)
      %add3A_299 = arith.constant 155 : i32
      %add3A_300 = arith.addi %mul3A_2, %add3A_299 : i32
      %mul3A_301 = arith.constant 64 : i32
      %mul3A_302 = arith.muli %add3A_300, %mul3A_301 : i32
      %dma_wait3A_303 = arith.constant 0 : i32
      %dma_wait3A_304 = arith.constant 0 : i32
      %dma_wait3A_305 = tpu.memref_slice %arg3[%dma_wait3A_303, %dma_wait3A_304] : memref<2x320000xi32, #tpu.memory_space<hbm>> -> memref<1x320000xi32, #tpu.memory_space<hbm>>
      %dma_wait3A_306 = tpu.memref_squeeze %dma_wait3A_305 : memref<1x320000xi32, #tpu.memory_space<hbm>> -> memref<320000xi32, #tpu.memory_space<hbm>>
      %dma_wait3A_307 = tpu.memref_slice %dma_wait3A_306[%mul3A_302] : memref<320000xi32, #tpu.memory_space<hbm>> -> memref<64xi32, #tpu.memory_space<hbm>>
      %dma_wait3A_308 = arith.constant 0 : i32
      %dma_wait3A_309 = tpu.memref_slice %arg3[%dma_wait3A_303, %dma_wait3A_308] : memref<2x320000xi32, #tpu.memory_space<hbm>> -> memref<1x320000xi32, #tpu.memory_space<hbm>>
      %dma_wait3A_310 = tpu.memref_squeeze %dma_wait3A_309 : memref<1x320000xi32, #tpu.memory_space<hbm>> -> memref<320000xi32, #tpu.memory_space<hbm>>
      %dma_wait3A_311 = tpu.memref_slice %dma_wait3A_310[%mul3A_302] : memref<320000xi32, #tpu.memory_space<hbm>> -> memref<64xi32, #tpu.memory_space<hbm>>
      tpu.wait_dma2 semaphore(%arg26 : memref<!tpu.dma_semaphore, #tpu.memory_space<semaphore_mem>>) src(%dma_wait3A_311 : memref<64xi32, #tpu.memory_space<hbm>>) dst(%arg13 : memref<64xi32, #tpu.memory_space<vmem>>)
      %dma_wait3A_312 = arith.constant 0 : i32
      %dma_wait3A_313 = arith.constant 0 : i32
      %dma_wait3A_314 = tpu.memref_slice %arg2[%dma_wait3A_312, %dma_wait3A_313] : memref<10000x128xf32, #tpu.memory_space<hbm>> -> memref<10000x128xf32, #tpu.memory_space<hbm>>
      tpu.wait_indirect_dma semaphore(%arg30 : memref<!tpu.dma_semaphore, #tpu.memory_space<semaphore_mem>>) src(%dma_wait3A_314 : memref<10000x128xf32, #tpu.memory_space<hbm>>) dst(%arg17 : memref<64x128xf32, #tpu.memory_space<vmem>>)
      %dma_start3A_315 = arith.constant 0 : i32
      %dma_start3A_316 = arith.constant 0 : i32
      %dma_start3A_317 = tpu.memref_slice %arg18[%dma_start3A_315, %dma_start3A_316] : memref<10240x128xf32, #tpu.memory_space<vmem_shared>> -> memref<10240x128xf32, #tpu.memory_space<vmem_shared>>
      tpu.enqueue_indirect_dma source(%arg17 : memref<64x128xf32, #tpu.memory_space<vmem>>) target(%dma_start3A_317 : memref<10240x128xf32, #tpu.memory_space<vmem_shared>>) offsets(%arg13 : memref<64xi32, #tpu.memory_space<vmem>>) semaphore(%arg34 : memref<!tpu.dma_semaphore, #tpu.memory_space<semaphore_mem>>) {add = true}
      %dma_wait3A_318 = arith.constant 0 : i32
      %dma_wait3A_319 = arith.constant 0 : i32
      %dma_wait3A_320 = tpu.memref_slice %arg18[%dma_wait3A_318, %dma_wait3A_319] : memref<10240x128xf32, #tpu.memory_space<vmem_shared>> -> memref<10240x128xf32, #tpu.memory_space<vmem_shared>>
      tpu.wait_indirect_dma semaphore(%arg32 : memref<!tpu.dma_semaphore, #tpu.memory_space<semaphore_mem>>) src(%arg15 : memref<64x128xf32, #tpu.memory_space<vmem>>) dst(%dma_wait3A_320 : memref<10240x128xf32, #tpu.memory_space<vmem_shared>>)
      %add3A_321 = arith.constant 158 : i32
      %add3A_322 = arith.addi %mul3A_2, %add3A_321 : i32
      %mul3A_323 = arith.constant 64 : i32
      %mul3A_324 = arith.muli %add3A_322, %mul3A_323 : i32
      %dma_start3A_325 = arith.constant 1 : i32
      %dma_start3A_326 = arith.constant 0 : i32
      %dma_start3A_327 = tpu.memref_slice %arg3[%dma_start3A_325, %dma_start3A_326] : memref<2x320000xi32, #tpu.memory_space<hbm>> -> memref<1x320000xi32, #tpu.memory_space<hbm>>
      %dma_start3A_328 = tpu.memref_squeeze %dma_start3A_327 : memref<1x320000xi32, #tpu.memory_space<hbm>> -> memref<320000xi32, #tpu.memory_space<hbm>>
      %dma_start3A_329 = tpu.memref_slice %dma_start3A_328[%mul3A_324] : memref<320000xi32, #tpu.memory_space<hbm>> -> memref<64xi32, #tpu.memory_space<hbm>>
      %dma_start3A_330 = arith.constant 0 : i32
      %dma_start3A_331 = tpu.memref_slice %arg3[%dma_start3A_325, %dma_start3A_330] : memref<2x320000xi32, #tpu.memory_space<hbm>> -> memref<1x320000xi32, #tpu.memory_space<hbm>>
      %dma_start3A_332 = tpu.memref_squeeze %dma_start3A_331 : memref<1x320000xi32, #tpu.memory_space<hbm>> -> memref<320000xi32, #tpu.memory_space<hbm>>
      %dma_start3A_333 = tpu.memref_slice %dma_start3A_332[%mul3A_324] : memref<320000xi32, #tpu.memory_space<hbm>> -> memref<64xi32, #tpu.memory_space<hbm>>
      tpu.enqueue_dma source(%dma_start3A_333 : memref<64xi32, #tpu.memory_space<hbm>>) target(%arg8 : memref<64xi32, #tpu.memory_space<vmem>>) target_semaphore(%arg21 : memref<!tpu.dma_semaphore, #tpu.memory_space<semaphore_mem>>)
      %add3A_334 = arith.constant 157 : i32
      %add3A_335 = arith.addi %mul3A_2, %add3A_334 : i32
      %mul3A_336 = arith.constant 64 : i32
      %mul3A_337 = arith.muli %add3A_335, %mul3A_336 : i32
      %dma_start3A_338 = arith.constant 0 : i32
      %dma_start3A_339 = arith.constant 0 : i32
      %dma_start3A_340 = tpu.memref_slice %arg3[%dma_start3A_338, %dma_start3A_339] : memref<2x320000xi32, #tpu.memory_space<hbm>> -> memref<1x320000xi32, #tpu.memory_space<hbm>>
      %dma_start3A_341 = tpu.memref_squeeze %dma_start3A_340 : memref<1x320000xi32, #tpu.memory_space<hbm>> -> memref<320000xi32, #tpu.memory_space<hbm>>
      %dma_start3A_342 = tpu.memref_slice %dma_start3A_341[%mul3A_337] : memref<320000xi32, #tpu.memory_space<hbm>> -> memref<64xi32, #tpu.memory_space<hbm>>
      %dma_start3A_343 = arith.constant 0 : i32
      %dma_start3A_344 = tpu.memref_slice %arg3[%dma_start3A_338, %dma_start3A_343] : memref<2x320000xi32, #tpu.memory_space<hbm>> -> memref<1x320000xi32, #tpu.memory_space<hbm>>
      %dma_start3A_345 = tpu.memref_squeeze %dma_start3A_344 : memref<1x320000xi32, #tpu.memory_space<hbm>> -> memref<320000xi32, #tpu.memory_space<hbm>>
      %dma_start3A_346 = tpu.memref_slice %dma_start3A_345[%mul3A_337] : memref<320000xi32, #tpu.memory_space<hbm>> -> memref<64xi32, #tpu.memory_space<hbm>>
      tpu.enqueue_dma source(%dma_start3A_346 : memref<64xi32, #tpu.memory_space<hbm>>) target(%arg11 : memref<64xi32, #tpu.memory_space<vmem>>) target_semaphore(%arg24 : memref<!tpu.dma_semaphore, #tpu.memory_space<semaphore_mem>>)
      %add3A_347 = arith.constant 157 : i32
      %add3A_348 = arith.addi %mul3A_2, %add3A_347 : i32
      %mul3A_349 = arith.constant 64 : i32
      %mul3A_350 = arith.muli %add3A_348, %mul3A_349 : i32
      %dma_wait3A_351 = arith.constant 1 : i32
      %dma_wait3A_352 = arith.constant 0 : i32
      %dma_wait3A_353 = tpu.memref_slice %arg3[%dma_wait3A_351, %dma_wait3A_352] : memref<2x320000xi32, #tpu.memory_space<hbm>> -> memref<1x320000xi32, #tpu.memory_space<hbm>>
      %dma_wait3A_354 = tpu.memref_squeeze %dma_wait3A_353 : memref<1x320000xi32, #tpu.memory_space<hbm>> -> memref<320000xi32, #tpu.memory_space<hbm>>
      %dma_wait3A_355 = tpu.memref_slice %dma_wait3A_354[%mul3A_350] : memref<320000xi32, #tpu.memory_space<hbm>> -> memref<64xi32, #tpu.memory_space<hbm>>
      %dma_wait3A_356 = arith.constant 0 : i32
      %dma_wait3A_357 = tpu.memref_slice %arg3[%dma_wait3A_351, %dma_wait3A_356] : memref<2x320000xi32, #tpu.memory_space<hbm>> -> memref<1x320000xi32, #tpu.memory_space<hbm>>
      %dma_wait3A_358 = tpu.memref_squeeze %dma_wait3A_357 : memref<1x320000xi32, #tpu.memory_space<hbm>> -> memref<320000xi32, #tpu.memory_space<hbm>>
      %dma_wait3A_359 = tpu.memref_slice %dma_wait3A_358[%mul3A_350] : memref<320000xi32, #tpu.memory_space<hbm>> -> memref<64xi32, #tpu.memory_space<hbm>>
      tpu.wait_dma2 semaphore(%arg20 : memref<!tpu.dma_semaphore, #tpu.memory_space<semaphore_mem>>) src(%dma_wait3A_359 : memref<64xi32, #tpu.memory_space<hbm>>) dst(%arg7 : memref<64xi32, #tpu.memory_space<vmem>>)
      %dma_start3A_360 = arith.constant 0 : i32
      %dma_start3A_361 = arith.constant 0 : i32
      %dma_start3A_362 = tpu.memref_slice %arg2[%dma_start3A_360, %dma_start3A_361] : memref<10000x128xf32, #tpu.memory_space<hbm>> -> memref<10000x128xf32, #tpu.memory_space<hbm>>
      tpu.enqueue_indirect_dma source(%dma_start3A_362 : memref<10000x128xf32, #tpu.memory_space<hbm>>) target(%arg15 : memref<64x128xf32, #tpu.memory_space<vmem>>) offsets(%arg7 : memref<64xi32, #tpu.memory_space<vmem>>) semaphore(%arg28 : memref<!tpu.dma_semaphore, #tpu.memory_space<semaphore_mem>>)
      %add3A_363 = arith.constant 156 : i32
      %add3A_364 = arith.addi %mul3A_2, %add3A_363 : i32
      %mul3A_365 = arith.constant 64 : i32
      %mul3A_366 = arith.muli %add3A_364, %mul3A_365 : i32
      %dma_wait3A_367 = arith.constant 0 : i32
      %dma_wait3A_368 = arith.constant 0 : i32
      %dma_wait3A_369 = tpu.memref_slice %arg3[%dma_wait3A_367, %dma_wait3A_368] : memref<2x320000xi32, #tpu.memory_space<hbm>> -> memref<1x320000xi32, #tpu.memory_space<hbm>>
      %dma_wait3A_370 = tpu.memref_squeeze %dma_wait3A_369 : memref<1x320000xi32, #tpu.memory_space<hbm>> -> memref<320000xi32, #tpu.memory_space<hbm>>
      %dma_wait3A_371 = tpu.memref_slice %dma_wait3A_370[%mul3A_366] : memref<320000xi32, #tpu.memory_space<hbm>> -> memref<64xi32, #tpu.memory_space<hbm>>
      %dma_wait3A_372 = arith.constant 0 : i32
      %dma_wait3A_373 = tpu.memref_slice %arg3[%dma_wait3A_367, %dma_wait3A_372] : memref<2x320000xi32, #tpu.memory_space<hbm>> -> memref<1x320000xi32, #tpu.memory_space<hbm>>
      %dma_wait3A_374 = tpu.memref_squeeze %dma_wait3A_373 : memref<1x320000xi32, #tpu.memory_space<hbm>> -> memref<320000xi32, #tpu.memory_space<hbm>>
      %dma_wait3A_375 = tpu.memref_slice %dma_wait3A_374[%mul3A_366] : memref<320000xi32, #tpu.memory_space<hbm>> -> memref<64xi32, #tpu.memory_space<hbm>>
      tpu.wait_dma2 semaphore(%arg23 : memref<!tpu.dma_semaphore, #tpu.memory_space<semaphore_mem>>) src(%dma_wait3A_375 : memref<64xi32, #tpu.memory_space<hbm>>) dst(%arg10 : memref<64xi32, #tpu.memory_space<vmem>>)
      %dma_wait3A_376 = arith.constant 0 : i32
      %dma_wait3A_377 = arith.constant 0 : i32
      %dma_wait3A_378 = tpu.memref_slice %arg2[%dma_wait3A_376, %dma_wait3A_377] : memref<10000x128xf32, #tpu.memory_space<hbm>> -> memref<10000x128xf32, #tpu.memory_space<hbm>>
      tpu.wait_indirect_dma semaphore(%arg27 : memref<!tpu.dma_semaphore, #tpu.memory_space<semaphore_mem>>) src(%dma_wait3A_378 : memref<10000x128xf32, #tpu.memory_space<hbm>>) dst(%arg14 : memref<64x128xf32, #tpu.memory_space<vmem>>)
      %dma_start3A_379 = arith.constant 0 : i32
      %dma_start3A_380 = arith.constant 0 : i32
      %dma_start3A_381 = tpu.memref_slice %arg18[%dma_start3A_379, %dma_start3A_380] : memref<10240x128xf32, #tpu.memory_space<vmem_shared>> -> memref<10240x128xf32, #tpu.memory_space<vmem_shared>>
      tpu.enqueue_indirect_dma source(%arg14 : memref<64x128xf32, #tpu.memory_space<vmem>>) target(%dma_start3A_381 : memref<10240x128xf32, #tpu.memory_space<vmem_shared>>) offsets(%arg10 : memref<64xi32, #tpu.memory_space<vmem>>) semaphore(%arg31 : memref<!tpu.dma_semaphore, #tpu.memory_space<semaphore_mem>>) {add = true}
      %dma_wait3A_382 = arith.constant 0 : i32
      %dma_wait3A_383 = arith.constant 0 : i32
      %dma_wait3A_384 = tpu.memref_slice %arg18[%dma_wait3A_382, %dma_wait3A_383] : memref<10240x128xf32, #tpu.memory_space<vmem_shared>> -> memref<10240x128xf32, #tpu.memory_space<vmem_shared>>
      tpu.wait_indirect_dma semaphore(%arg33 : memref<!tpu.dma_semaphore, #tpu.memory_space<semaphore_mem>>) src(%arg16 : memref<64x128xf32, #tpu.memory_space<vmem>>) dst(%dma_wait3A_384 : memref<10240x128xf32, #tpu.memory_space<vmem_shared>>)
      %add3A_385 = arith.constant 159 : i32
      %add3A_386 = arith.addi %mul3A_2, %add3A_385 : i32
      %mul3A_387 = arith.constant 64 : i32
      %mul3A_388 = arith.muli %add3A_386, %mul3A_387 : i32
      %dma_start3A_389 = arith.constant 1 : i32
      %dma_start3A_390 = arith.constant 0 : i32
      %dma_start3A_391 = tpu.memref_slice %arg3[%dma_start3A_389, %dma_start3A_390] : memref<2x320000xi32, #tpu.memory_space<hbm>> -> memref<1x320000xi32, #tpu.memory_space<hbm>>
      %dma_start3A_392 = tpu.memref_squeeze %dma_start3A_391 : memref<1x320000xi32, #tpu.memory_space<hbm>> -> memref<320000xi32, #tpu.memory_space<hbm>>
      %dma_start3A_393 = tpu.memref_slice %dma_start3A_392[%mul3A_388] : memref<320000xi32, #tpu.memory_space<hbm>> -> memref<64xi32, #tpu.memory_space<hbm>>
      %dma_start3A_394 = arith.constant 0 : i32
      %dma_start3A_395 = tpu.memref_slice %arg3[%dma_start3A_389, %dma_start3A_394] : memref<2x320000xi32, #tpu.memory_space<hbm>> -> memref<1x320000xi32, #tpu.memory_space<hbm>>
      %dma_start3A_396 = tpu.memref_squeeze %dma_start3A_395 : memref<1x320000xi32, #tpu.memory_space<hbm>> -> memref<320000xi32, #tpu.memory_space<hbm>>
      %dma_start3A_397 = tpu.memref_slice %dma_start3A_396[%mul3A_388] : memref<320000xi32, #tpu.memory_space<hbm>> -> memref<64xi32, #tpu.memory_space<hbm>>
      tpu.enqueue_dma source(%dma_start3A_397 : memref<64xi32, #tpu.memory_space<hbm>>) target(%arg9 : memref<64xi32, #tpu.memory_space<vmem>>) target_semaphore(%arg22 : memref<!tpu.dma_semaphore, #tpu.memory_space<semaphore_mem>>)
      %add3A_398 = arith.constant 158 : i32
      %add3A_399 = arith.addi %mul3A_2, %add3A_398 : i32
      %mul3A_400 = arith.constant 64 : i32
      %mul3A_401 = arith.muli %add3A_399, %mul3A_400 : i32
      %dma_start3A_402 = arith.constant 0 : i32
      %dma_start3A_403 = arith.constant 0 : i32
      %dma_start3A_404 = tpu.memref_slice %arg3[%dma_start3A_402, %dma_start3A_403] : memref<2x320000xi32, #tpu.memory_space<hbm>> -> memref<1x320000xi32, #tpu.memory_space<hbm>>
      %dma_start3A_405 = tpu.memref_squeeze %dma_start3A_404 : memref<1x320000xi32, #tpu.memory_space<hbm>> -> memref<320000xi32, #tpu.memory_space<hbm>>
      %dma_start3A_406 = tpu.memref_slice %dma_start3A_405[%mul3A_401] : memref<320000xi32, #tpu.memory_space<hbm>> -> memref<64xi32, #tpu.memory_space<hbm>>
      %dma_start3A_407 = arith.constant 0 : i32
      %dma_start3A_408 = tpu.memref_slice %arg3[%dma_start3A_402, %dma_start3A_407] : memref<2x320000xi32, #tpu.memory_space<hbm>> -> memref<1x320000xi32, #tpu.memory_space<hbm>>
      %dma_start3A_409 = tpu.memref_squeeze %dma_start3A_408 : memref<1x320000xi32, #tpu.memory_space<hbm>> -> memref<320000xi32, #tpu.memory_space<hbm>>
      %dma_start3A_410 = tpu.memref_slice %dma_start3A_409[%mul3A_401] : memref<320000xi32, #tpu.memory_space<hbm>> -> memref<64xi32, #tpu.memory_space<hbm>>
      tpu.enqueue_dma source(%dma_start3A_410 : memref<64xi32, #tpu.memory_space<hbm>>) target(%arg12 : memref<64xi32, #tpu.memory_space<vmem>>) target_semaphore(%arg25 : memref<!tpu.dma_semaphore, #tpu.memory_space<semaphore_mem>>)
      %add3A_411 = arith.constant 158 : i32
      %add3A_412 = arith.addi %mul3A_2, %add3A_411 : i32
      %mul3A_413 = arith.constant 64 : i32
      %mul3A_414 = arith.muli %add3A_412, %mul3A_413 : i32
      %dma_wait3A_415 = arith.constant 1 : i32
      %dma_wait3A_416 = arith.constant 0 : i32
      %dma_wait3A_417 = tpu.memref_slice %arg3[%dma_wait3A_415, %dma_wait3A_416] : memref<2x320000xi32, #tpu.memory_space<hbm>> -> memref<1x320000xi32, #tpu.memory_space<hbm>>
      %dma_wait3A_418 = tpu.memref_squeeze %dma_wait3A_417 : memref<1x320000xi32, #tpu.memory_space<hbm>> -> memref<320000xi32, #tpu.memory_space<hbm>>
      %dma_wait3A_419 = tpu.memref_slice %dma_wait3A_418[%mul3A_414] : memref<320000xi32, #tpu.memory_space<hbm>> -> memref<64xi32, #tpu.memory_space<hbm>>
      %dma_wait3A_420 = arith.constant 0 : i32
      %dma_wait3A_421 = tpu.memref_slice %arg3[%dma_wait3A_415, %dma_wait3A_420] : memref<2x320000xi32, #tpu.memory_space<hbm>> -> memref<1x320000xi32, #tpu.memory_space<hbm>>
      %dma_wait3A_422 = tpu.memref_squeeze %dma_wait3A_421 : memref<1x320000xi32, #tpu.memory_space<hbm>> -> memref<320000xi32, #tpu.memory_space<hbm>>
      %dma_wait3A_423 = tpu.memref_slice %dma_wait3A_422[%mul3A_414] : memref<320000xi32, #tpu.memory_space<hbm>> -> memref<64xi32, #tpu.memory_space<hbm>>
      tpu.wait_dma2 semaphore(%arg21 : memref<!tpu.dma_semaphore, #tpu.memory_space<semaphore_mem>>) src(%dma_wait3A_423 : memref<64xi32, #tpu.memory_space<hbm>>) dst(%arg8 : memref<64xi32, #tpu.memory_space<vmem>>)
      %dma_start3A_424 = arith.constant 0 : i32
      %dma_start3A_425 = arith.constant 0 : i32
      %dma_start3A_426 = tpu.memref_slice %arg2[%dma_start3A_424, %dma_start3A_425] : memref<10000x128xf32, #tpu.memory_space<hbm>> -> memref<10000x128xf32, #tpu.memory_space<hbm>>
      tpu.enqueue_indirect_dma source(%dma_start3A_426 : memref<10000x128xf32, #tpu.memory_space<hbm>>) target(%arg16 : memref<64x128xf32, #tpu.memory_space<vmem>>) offsets(%arg8 : memref<64xi32, #tpu.memory_space<vmem>>) semaphore(%arg29 : memref<!tpu.dma_semaphore, #tpu.memory_space<semaphore_mem>>)
      %add3A_427 = arith.constant 157 : i32
      %add3A_428 = arith.addi %mul3A_2, %add3A_427 : i32
      %mul3A_429 = arith.constant 64 : i32
      %mul3A_430 = arith.muli %add3A_428, %mul3A_429 : i32
      %dma_wait3A_431 = arith.constant 0 : i32
      %dma_wait3A_432 = arith.constant 0 : i32
      %dma_wait3A_433 = tpu.memref_slice %arg3[%dma_wait3A_431, %dma_wait3A_432] : memref<2x320000xi32, #tpu.memory_space<hbm>> -> memref<1x320000xi32, #tpu.memory_space<hbm>>
      %dma_wait3A_434 = tpu.memref_squeeze %dma_wait3A_433 : memref<1x320000xi32, #tpu.memory_space<hbm>> -> memref<320000xi32, #tpu.memory_space<hbm>>
      %dma_wait3A_435 = tpu.memref_slice %dma_wait3A_434[%mul3A_430] : memref<320000xi32, #tpu.memory_space<hbm>> -> memref<64xi32, #tpu.memory_space<hbm>>
      %dma_wait3A_436 = arith.constant 0 : i32
      %dma_wait3A_437 = tpu.memref_slice %arg3[%dma_wait3A_431, %dma_wait3A_436] : memref<2x320000xi32, #tpu.memory_space<hbm>> -> memref<1x320000xi32, #tpu.memory_space<hbm>>
      %dma_wait3A_438 = tpu.memref_squeeze %dma_wait3A_437 : memref<1x320000xi32, #tpu.memory_space<hbm>> -> memref<320000xi32, #tpu.memory_space<hbm>>
      %dma_wait3A_439 = tpu.memref_slice %dma_wait3A_438[%mul3A_430] : memref<320000xi32, #tpu.memory_space<hbm>> -> memref<64xi32, #tpu.memory_space<hbm>>
      tpu.wait_dma2 semaphore(%arg24 : memref<!tpu.dma_semaphore, #tpu.memory_space<semaphore_mem>>) src(%dma_wait3A_439 : memref<64xi32, #tpu.memory_space<hbm>>) dst(%arg11 : memref<64xi32, #tpu.memory_space<vmem>>)
      %dma_wait3A_440 = arith.constant 0 : i32
      %dma_wait3A_441 = arith.constant 0 : i32
      %dma_wait3A_442 = tpu.memref_slice %arg2[%dma_wait3A_440, %dma_wait3A_441] : memref<10000x128xf32, #tpu.memory_space<hbm>> -> memref<10000x128xf32, #tpu.memory_space<hbm>>
      tpu.wait_indirect_dma semaphore(%arg28 : memref<!tpu.dma_semaphore, #tpu.memory_space<semaphore_mem>>) src(%dma_wait3A_442 : memref<10000x128xf32, #tpu.memory_space<hbm>>) dst(%arg15 : memref<64x128xf32, #tpu.memory_space<vmem>>)
      %dma_start3A_443 = arith.constant 0 : i32
      %dma_start3A_444 = arith.constant 0 : i32
      %dma_start3A_445 = tpu.memref_slice %arg18[%dma_start3A_443, %dma_start3A_444] : memref<10240x128xf32, #tpu.memory_space<vmem_shared>> -> memref<10240x128xf32, #tpu.memory_space<vmem_shared>>
      tpu.enqueue_indirect_dma source(%arg15 : memref<64x128xf32, #tpu.memory_space<vmem>>) target(%dma_start3A_445 : memref<10240x128xf32, #tpu.memory_space<vmem_shared>>) offsets(%arg11 : memref<64xi32, #tpu.memory_space<vmem>>) semaphore(%arg32 : memref<!tpu.dma_semaphore, #tpu.memory_space<semaphore_mem>>) {add = true}
      %dma_wait3A_446 = arith.constant 0 : i32
      %dma_wait3A_447 = arith.constant 0 : i32
      %dma_wait3A_448 = tpu.memref_slice %arg18[%dma_wait3A_446, %dma_wait3A_447] : memref<10240x128xf32, #tpu.memory_space<vmem_shared>> -> memref<10240x128xf32, #tpu.memory_space<vmem_shared>>
      tpu.wait_indirect_dma semaphore(%arg34 : memref<!tpu.dma_semaphore, #tpu.memory_space<semaphore_mem>>) src(%arg17 : memref<64x128xf32, #tpu.memory_space<vmem>>) dst(%dma_wait3A_448 : memref<10240x128xf32, #tpu.memory_space<vmem_shared>>)
      %add3A_449 = arith.constant 159 : i32
      %add3A_450 = arith.addi %mul3A_2, %add3A_449 : i32
      %mul3A_451 = arith.constant 64 : i32
      %mul3A_452 = arith.muli %add3A_450, %mul3A_451 : i32
      %dma_start3A_453 = arith.constant 0 : i32
      %dma_start3A_454 = arith.constant 0 : i32
      %dma_start3A_455 = tpu.memref_slice %arg3[%dma_start3A_453, %dma_start3A_454] : memref<2x320000xi32, #tpu.memory_space<hbm>> -> memref<1x320000xi32, #tpu.memory_space<hbm>>
      %dma_start3A_456 = tpu.memref_squeeze %dma_start3A_455 : memref<1x320000xi32, #tpu.memory_space<hbm>> -> memref<320000xi32, #tpu.memory_space<hbm>>
      %dma_start3A_457 = tpu.memref_slice %dma_start3A_456[%mul3A_452] : memref<320000xi32, #tpu.memory_space<hbm>> -> memref<64xi32, #tpu.memory_space<hbm>>
      %dma_start3A_458 = arith.constant 0 : i32
      %dma_start3A_459 = tpu.memref_slice %arg3[%dma_start3A_453, %dma_start3A_458] : memref<2x320000xi32, #tpu.memory_space<hbm>> -> memref<1x320000xi32, #tpu.memory_space<hbm>>
      %dma_start3A_460 = tpu.memref_squeeze %dma_start3A_459 : memref<1x320000xi32, #tpu.memory_space<hbm>> -> memref<320000xi32, #tpu.memory_space<hbm>>
      %dma_start3A_461 = tpu.memref_slice %dma_start3A_460[%mul3A_452] : memref<320000xi32, #tpu.memory_space<hbm>> -> memref<64xi32, #tpu.memory_space<hbm>>
      tpu.enqueue_dma source(%dma_start3A_461 : memref<64xi32, #tpu.memory_space<hbm>>) target(%arg13 : memref<64xi32, #tpu.memory_space<vmem>>) target_semaphore(%arg26 : memref<!tpu.dma_semaphore, #tpu.memory_space<semaphore_mem>>)
      %add3A_462 = arith.constant 159 : i32
      %add3A_463 = arith.addi %mul3A_2, %add3A_462 : i32
      %mul3A_464 = arith.constant 64 : i32
      %mul3A_465 = arith.muli %add3A_463, %mul3A_464 : i32
      %dma_wait3A_466 = arith.constant 1 : i32
      %dma_wait3A_467 = arith.constant 0 : i32
      %dma_wait3A_468 = tpu.memref_slice %arg3[%dma_wait3A_466, %dma_wait3A_467] : memref<2x320000xi32, #tpu.memory_space<hbm>> -> memref<1x320000xi32, #tpu.memory_space<hbm>>
      %dma_wait3A_469 = tpu.memref_squeeze %dma_wait3A_468 : memref<1x320000xi32, #tpu.memory_space<hbm>> -> memref<320000xi32, #tpu.memory_space<hbm>>
      %dma_wait3A_470 = tpu.memref_slice %dma_wait3A_469[%mul3A_465] : memref<320000xi32, #tpu.memory_space<hbm>> -> memref<64xi32, #tpu.memory_space<hbm>>
      %dma_wait3A_471 = arith.constant 0 : i32
      %dma_wait3A_472 = tpu.memref_slice %arg3[%dma_wait3A_466, %dma_wait3A_471] : memref<2x320000xi32, #tpu.memory_space<hbm>> -> memref<1x320000xi32, #tpu.memory_space<hbm>>
      %dma_wait3A_473 = tpu.memref_squeeze %dma_wait3A_472 : memref<1x320000xi32, #tpu.memory_space<hbm>> -> memref<320000xi32, #tpu.memory_space<hbm>>
      %dma_wait3A_474 = tpu.memref_slice %dma_wait3A_473[%mul3A_465] : memref<320000xi32, #tpu.memory_space<hbm>> -> memref<64xi32, #tpu.memory_space<hbm>>
      tpu.wait_dma2 semaphore(%arg22 : memref<!tpu.dma_semaphore, #tpu.memory_space<semaphore_mem>>) src(%dma_wait3A_474 : memref<64xi32, #tpu.memory_space<hbm>>) dst(%arg9 : memref<64xi32, #tpu.memory_space<vmem>>)
      %dma_start3A_475 = arith.constant 0 : i32
      %dma_start3A_476 = arith.constant 0 : i32
      %dma_start3A_477 = tpu.memref_slice %arg2[%dma_start3A_475, %dma_start3A_476] : memref<10000x128xf32, #tpu.memory_space<hbm>> -> memref<10000x128xf32, #tpu.memory_space<hbm>>
      tpu.enqueue_indirect_dma source(%dma_start3A_477 : memref<10000x128xf32, #tpu.memory_space<hbm>>) target(%arg17 : memref<64x128xf32, #tpu.memory_space<vmem>>) offsets(%arg9 : memref<64xi32, #tpu.memory_space<vmem>>) semaphore(%arg30 : memref<!tpu.dma_semaphore, #tpu.memory_space<semaphore_mem>>)
      %add3A_478 = arith.constant 158 : i32
      %add3A_479 = arith.addi %mul3A_2, %add3A_478 : i32
      %mul3A_480 = arith.constant 64 : i32
      %mul3A_481 = arith.muli %add3A_479, %mul3A_480 : i32
      %dma_wait3A_482 = arith.constant 0 : i32
      %dma_wait3A_483 = arith.constant 0 : i32
      %dma_wait3A_484 = tpu.memref_slice %arg3[%dma_wait3A_482, %dma_wait3A_483] : memref<2x320000xi32, #tpu.memory_space<hbm>> -> memref<1x320000xi32, #tpu.memory_space<hbm>>
      %dma_wait3A_485 = tpu.memref_squeeze %dma_wait3A_484 : memref<1x320000xi32, #tpu.memory_space<hbm>> -> memref<320000xi32, #tpu.memory_space<hbm>>
      %dma_wait3A_486 = tpu.memref_slice %dma_wait3A_485[%mul3A_481] : memref<320000xi32, #tpu.memory_space<hbm>> -> memref<64xi32, #tpu.memory_space<hbm>>
      %dma_wait3A_487 = arith.constant 0 : i32
      %dma_wait3A_488 = tpu.memref_slice %arg3[%dma_wait3A_482, %dma_wait3A_487] : memref<2x320000xi32, #tpu.memory_space<hbm>> -> memref<1x320000xi32, #tpu.memory_space<hbm>>
      %dma_wait3A_489 = tpu.memref_squeeze %dma_wait3A_488 : memref<1x320000xi32, #tpu.memory_space<hbm>> -> memref<320000xi32, #tpu.memory_space<hbm>>
      %dma_wait3A_490 = tpu.memref_slice %dma_wait3A_489[%mul3A_481] : memref<320000xi32, #tpu.memory_space<hbm>> -> memref<64xi32, #tpu.memory_space<hbm>>
      tpu.wait_dma2 semaphore(%arg25 : memref<!tpu.dma_semaphore, #tpu.memory_space<semaphore_mem>>) src(%dma_wait3A_490 : memref<64xi32, #tpu.memory_space<hbm>>) dst(%arg12 : memref<64xi32, #tpu.memory_space<vmem>>)
      %dma_wait3A_491 = arith.constant 0 : i32
      %dma_wait3A_492 = arith.constant 0 : i32
      %dma_wait3A_493 = tpu.memref_slice %arg2[%dma_wait3A_491, %dma_wait3A_492] : memref<10000x128xf32, #tpu.memory_space<hbm>> -> memref<10000x128xf32, #tpu.memory_space<hbm>>
      tpu.wait_indirect_dma semaphore(%arg29 : memref<!tpu.dma_semaphore, #tpu.memory_space<semaphore_mem>>) src(%dma_wait3A_493 : memref<10000x128xf32, #tpu.memory_space<hbm>>) dst(%arg16 : memref<64x128xf32, #tpu.memory_space<vmem>>)
      %dma_start3A_494 = arith.constant 0 : i32
      %dma_start3A_495 = arith.constant 0 : i32
      %dma_start3A_496 = tpu.memref_slice %arg18[%dma_start3A_494, %dma_start3A_495] : memref<10240x128xf32, #tpu.memory_space<vmem_shared>> -> memref<10240x128xf32, #tpu.memory_space<vmem_shared>>
      tpu.enqueue_indirect_dma source(%arg16 : memref<64x128xf32, #tpu.memory_space<vmem>>) target(%dma_start3A_496 : memref<10240x128xf32, #tpu.memory_space<vmem_shared>>) offsets(%arg12 : memref<64xi32, #tpu.memory_space<vmem>>) semaphore(%arg33 : memref<!tpu.dma_semaphore, #tpu.memory_space<semaphore_mem>>) {add = true}
      %dma_wait3A_497 = arith.constant 0 : i32
      %dma_wait3A_498 = arith.constant 0 : i32
      %dma_wait3A_499 = tpu.memref_slice %arg18[%dma_wait3A_497, %dma_wait3A_498] : memref<10240x128xf32, #tpu.memory_space<vmem_shared>> -> memref<10240x128xf32, #tpu.memory_space<vmem_shared>>
      tpu.wait_indirect_dma semaphore(%arg31 : memref<!tpu.dma_semaphore, #tpu.memory_space<semaphore_mem>>) src(%arg14 : memref<64x128xf32, #tpu.memory_space<vmem>>) dst(%dma_wait3A_499 : memref<10240x128xf32, #tpu.memory_space<vmem_shared>>)
      %add3A_500 = arith.constant 159 : i32
      %add3A_501 = arith.addi %mul3A_2, %add3A_500 : i32
      %mul3A_502 = arith.constant 64 : i32
      %mul3A_503 = arith.muli %add3A_501, %mul3A_502 : i32
      %dma_wait3A_504 = arith.constant 0 : i32
      %dma_wait3A_505 = arith.constant 0 : i32
      %dma_wait3A_506 = tpu.memref_slice %arg3[%dma_wait3A_504, %dma_wait3A_505] : memref<2x320000xi32, #tpu.memory_space<hbm>> -> memref<1x320000xi32, #tpu.memory_space<hbm>>
      %dma_wait3A_507 = tpu.memref_squeeze %dma_wait3A_506 : memref<1x320000xi32, #tpu.memory_space<hbm>> -> memref<320000xi32, #tpu.memory_space<hbm>>
      %dma_wait3A_508 = tpu.memref_slice %dma_wait3A_507[%mul3A_503] : memref<320000xi32, #tpu.memory_space<hbm>> -> memref<64xi32, #tpu.memory_space<hbm>>
      %dma_wait3A_509 = arith.constant 0 : i32
      %dma_wait3A_510 = tpu.memref_slice %arg3[%dma_wait3A_504, %dma_wait3A_509] : memref<2x320000xi32, #tpu.memory_space<hbm>> -> memref<1x320000xi32, #tpu.memory_space<hbm>>
      %dma_wait3A_511 = tpu.memref_squeeze %dma_wait3A_510 : memref<1x320000xi32, #tpu.memory_space<hbm>> -> memref<320000xi32, #tpu.memory_space<hbm>>
      %dma_wait3A_512 = tpu.memref_slice %dma_wait3A_511[%mul3A_503] : memref<320000xi32, #tpu.memory_space<hbm>> -> memref<64xi32, #tpu.memory_space<hbm>>
      tpu.wait_dma2 semaphore(%arg26 : memref<!tpu.dma_semaphore, #tpu.memory_space<semaphore_mem>>) src(%dma_wait3A_512 : memref<64xi32, #tpu.memory_space<hbm>>) dst(%arg13 : memref<64xi32, #tpu.memory_space<vmem>>)
      %dma_wait3A_513 = arith.constant 0 : i32
      %dma_wait3A_514 = arith.constant 0 : i32
      %dma_wait3A_515 = tpu.memref_slice %arg2[%dma_wait3A_513, %dma_wait3A_514] : memref<10000x128xf32, #tpu.memory_space<hbm>> -> memref<10000x128xf32, #tpu.memory_space<hbm>>
      tpu.wait_indirect_dma semaphore(%arg30 : memref<!tpu.dma_semaphore, #tpu.memory_space<semaphore_mem>>) src(%dma_wait3A_515 : memref<10000x128xf32, #tpu.memory_space<hbm>>) dst(%arg17 : memref<64x128xf32, #tpu.memory_space<vmem>>)
      %dma_start3A_516 = arith.constant 0 : i32
      %dma_start3A_517 = arith.constant 0 : i32
      %dma_start3A_518 = tpu.memref_slice %arg18[%dma_start3A_516, %dma_start3A_517] : memref<10240x128xf32, #tpu.memory_space<vmem_shared>> -> memref<10240x128xf32, #tpu.memory_space<vmem_shared>>
      tpu.enqueue_indirect_dma source(%arg17 : memref<64x128xf32, #tpu.memory_space<vmem>>) target(%dma_start3A_518 : memref<10240x128xf32, #tpu.memory_space<vmem_shared>>) offsets(%arg13 : memref<64xi32, #tpu.memory_space<vmem>>) semaphore(%arg34 : memref<!tpu.dma_semaphore, #tpu.memory_space<semaphore_mem>>) {add = true}
      %dma_wait3A_519 = arith.constant 0 : i32
      %dma_wait3A_520 = arith.constant 0 : i32
      %dma_wait3A_521 = tpu.memref_slice %arg18[%dma_wait3A_519, %dma_wait3A_520] : memref<10240x128xf32, #tpu.memory_space<vmem_shared>> -> memref<10240x128xf32, #tpu.memory_space<vmem_shared>>
      tpu.wait_indirect_dma semaphore(%arg32 : memref<!tpu.dma_semaphore, #tpu.memory_space<semaphore_mem>>) src(%arg15 : memref<64x128xf32, #tpu.memory_space<vmem>>) dst(%dma_wait3A_521 : memref<10240x128xf32, #tpu.memory_space<vmem_shared>>)
      %dma_wait3A_522 = arith.constant 0 : i32
      %dma_wait3A_523 = arith.constant 0 : i32
      %dma_wait3A_524 = tpu.memref_slice %arg18[%dma_wait3A_522, %dma_wait3A_523] : memref<10240x128xf32, #tpu.memory_space<vmem_shared>> -> memref<10240x128xf32, #tpu.memory_space<vmem_shared>>
      tpu.wait_indirect_dma semaphore(%arg33 : memref<!tpu.dma_semaphore, #tpu.memory_space<semaphore_mem>>) src(%arg16 : memref<64x128xf32, #tpu.memory_space<vmem>>) dst(%dma_wait3A_524 : memref<10240x128xf32, #tpu.memory_space<vmem_shared>>)
      %dma_wait3A_525 = arith.constant 0 : i32
      %dma_wait3A_526 = arith.constant 0 : i32
      %dma_wait3A_527 = tpu.memref_slice %arg18[%dma_wait3A_525, %dma_wait3A_526] : memref<10240x128xf32, #tpu.memory_space<vmem_shared>> -> memref<10240x128xf32, #tpu.memory_space<vmem_shared>>
      tpu.wait_indirect_dma semaphore(%arg34 : memref<!tpu.dma_semaphore, #tpu.memory_space<semaphore_mem>>) src(%arg17 : memref<64x128xf32, #tpu.memory_space<vmem>>) dst(%dma_wait3A_527 : memref<10240x128xf32, #tpu.memory_space<vmem_shared>>)
    } else {
    }
    %ge3A = arith.constant 1 : i32
    %ge3A_5 = arith.cmpi sge, %arg1, %ge3A : i32
    %convert_element_type3A_6 = arith.extui %ge3A_5 : i1 to i32
    %cond3A_7 = arith.constant 0 : i32
    %cond3A_8 = arith.cmpi ne, %convert_element_type3A_6, %cond3A_7 : i32
    scf.if %cond3A_8 {
      %add3A = arith.constant 160 : i32
      %add3A_14 = arith.addi %mul3A_2, %add3A : i32
      %sub3A = arith.constant 1 : i32
      %sub3A_15 = arith.subi %arg1, %sub3A : i32
      %mul3A_16 = arith.constant 156 : i32
      %mul3A_17 = arith.muli %sub3A_15, %mul3A_16 : i32
      %add3A_18 = arith.addi %add3A_14, %mul3A_17 : i32
      %add3A_19 = arith.constant 0 : i32
      %add3A_20 = arith.addi %add3A_18, %add3A_19 : i32
      %mul3A_21 = arith.constant 64 : i32
      %mul3A_22 = arith.muli %add3A_20, %mul3A_21 : i32
      %dma_start3A = arith.constant 1 : i32
      %dma_start3A_23 = arith.constant 0 : i32
      %dma_start3A_24 = tpu.memref_slice %arg3[%dma_start3A, %dma_start3A_23] : memref<2x320000xi32, #tpu.memory_space<hbm>> -> memref<1x320000xi32, #tpu.memory_space<hbm>>
      %dma_start3A_25 = tpu.memref_squeeze %dma_start3A_24 : memref<1x320000xi32, #tpu.memory_space<hbm>> -> memref<320000xi32, #tpu.memory_space<hbm>>
      %dma_start3A_26 = tpu.memref_slice %dma_start3A_25[%mul3A_22] : memref<320000xi32, #tpu.memory_space<hbm>> -> memref<64xi32, #tpu.memory_space<hbm>>
      %dma_start3A_27 = arith.constant 0 : i32
      %dma_start3A_28 = tpu.memref_slice %arg3[%dma_start3A, %dma_start3A_27] : memref<2x320000xi32, #tpu.memory_space<hbm>> -> memref<1x320000xi32, #tpu.memory_space<hbm>>
      %dma_start3A_29 = tpu.memref_squeeze %dma_start3A_28 : memref<1x320000xi32, #tpu.memory_space<hbm>> -> memref<320000xi32, #tpu.memory_space<hbm>>
      %dma_start3A_30 = tpu.memref_slice %dma_start3A_29[%mul3A_22] : memref<320000xi32, #tpu.memory_space<hbm>> -> memref<64xi32, #tpu.memory_space<hbm>>
      tpu.enqueue_dma source(%dma_start3A_30 : memref<64xi32, #tpu.memory_space<hbm>>) target(%arg6 : memref<64xi32, #tpu.memory_space<vmem>>) target_semaphore(%arg19 : memref<!tpu.dma_semaphore, #tpu.memory_space<semaphore_mem>>)
      %add3A_31 = arith.constant 1 : i32
      %add3A_32 = arith.addi %add3A_18, %add3A_31 : i32
      %mul3A_33 = arith.constant 64 : i32
      %mul3A_34 = arith.muli %add3A_32, %mul3A_33 : i32
      %dma_start3A_35 = arith.constant 1 : i32
      %dma_start3A_36 = arith.constant 0 : i32
      %dma_start3A_37 = tpu.memref_slice %arg3[%dma_start3A_35, %dma_start3A_36] : memref<2x320000xi32, #tpu.memory_space<hbm>> -> memref<1x320000xi32, #tpu.memory_space<hbm>>
      %dma_start3A_38 = tpu.memref_squeeze %dma_start3A_37 : memref<1x320000xi32, #tpu.memory_space<hbm>> -> memref<320000xi32, #tpu.memory_space<hbm>>
      %dma_start3A_39 = tpu.memref_slice %dma_start3A_38[%mul3A_34] : memref<320000xi32, #tpu.memory_space<hbm>> -> memref<64xi32, #tpu.memory_space<hbm>>
      %dma_start3A_40 = arith.constant 0 : i32
      %dma_start3A_41 = tpu.memref_slice %arg3[%dma_start3A_35, %dma_start3A_40] : memref<2x320000xi32, #tpu.memory_space<hbm>> -> memref<1x320000xi32, #tpu.memory_space<hbm>>
      %dma_start3A_42 = tpu.memref_squeeze %dma_start3A_41 : memref<1x320000xi32, #tpu.memory_space<hbm>> -> memref<320000xi32, #tpu.memory_space<hbm>>
      %dma_start3A_43 = tpu.memref_slice %dma_start3A_42[%mul3A_34] : memref<320000xi32, #tpu.memory_space<hbm>> -> memref<64xi32, #tpu.memory_space<hbm>>
      tpu.enqueue_dma source(%dma_start3A_43 : memref<64xi32, #tpu.memory_space<hbm>>) target(%arg7 : memref<64xi32, #tpu.memory_space<vmem>>) target_semaphore(%arg20 : memref<!tpu.dma_semaphore, #tpu.memory_space<semaphore_mem>>)
      %add3A_44 = arith.constant 0 : i32
      %add3A_45 = arith.addi %add3A_18, %add3A_44 : i32
      %mul3A_46 = arith.constant 64 : i32
      %mul3A_47 = arith.muli %add3A_45, %mul3A_46 : i32
      %dma_start3A_48 = arith.constant 0 : i32
      %dma_start3A_49 = arith.constant 0 : i32
      %dma_start3A_50 = tpu.memref_slice %arg3[%dma_start3A_48, %dma_start3A_49] : memref<2x320000xi32, #tpu.memory_space<hbm>> -> memref<1x320000xi32, #tpu.memory_space<hbm>>
      %dma_start3A_51 = tpu.memref_squeeze %dma_start3A_50 : memref<1x320000xi32, #tpu.memory_space<hbm>> -> memref<320000xi32, #tpu.memory_space<hbm>>
      %dma_start3A_52 = tpu.memref_slice %dma_start3A_51[%mul3A_47] : memref<320000xi32, #tpu.memory_space<hbm>> -> memref<64xi32, #tpu.memory_space<hbm>>
      %dma_start3A_53 = arith.constant 0 : i32
      %dma_start3A_54 = tpu.memref_slice %arg3[%dma_start3A_48, %dma_start3A_53] : memref<2x320000xi32, #tpu.memory_space<hbm>> -> memref<1x320000xi32, #tpu.memory_space<hbm>>
      %dma_start3A_55 = tpu.memref_squeeze %dma_start3A_54 : memref<1x320000xi32, #tpu.memory_space<hbm>> -> memref<320000xi32, #tpu.memory_space<hbm>>
      %dma_start3A_56 = tpu.memref_slice %dma_start3A_55[%mul3A_47] : memref<320000xi32, #tpu.memory_space<hbm>> -> memref<64xi32, #tpu.memory_space<hbm>>
      tpu.enqueue_dma source(%dma_start3A_56 : memref<64xi32, #tpu.memory_space<hbm>>) target(%arg10 : memref<64xi32, #tpu.memory_space<vmem>>) target_semaphore(%arg23 : memref<!tpu.dma_semaphore, #tpu.memory_space<semaphore_mem>>)
      %add3A_57 = arith.constant 0 : i32
      %add3A_58 = arith.addi %add3A_18, %add3A_57 : i32
      %mul3A_59 = arith.constant 64 : i32
      %mul3A_60 = arith.muli %add3A_58, %mul3A_59 : i32
      %dma_wait3A = arith.constant 1 : i32
      %dma_wait3A_61 = arith.constant 0 : i32
      %dma_wait3A_62 = tpu.memref_slice %arg3[%dma_wait3A, %dma_wait3A_61] : memref<2x320000xi32, #tpu.memory_space<hbm>> -> memref<1x320000xi32, #tpu.memory_space<hbm>>
      %dma_wait3A_63 = tpu.memref_squeeze %dma_wait3A_62 : memref<1x320000xi32, #tpu.memory_space<hbm>> -> memref<320000xi32, #tpu.memory_space<hbm>>
      %dma_wait3A_64 = tpu.memref_slice %dma_wait3A_63[%mul3A_60] : memref<320000xi32, #tpu.memory_space<hbm>> -> memref<64xi32, #tpu.memory_space<hbm>>
      %dma_wait3A_65 = arith.constant 0 : i32
      %dma_wait3A_66 = tpu.memref_slice %arg3[%dma_wait3A, %dma_wait3A_65] : memref<2x320000xi32, #tpu.memory_space<hbm>> -> memref<1x320000xi32, #tpu.memory_space<hbm>>
      %dma_wait3A_67 = tpu.memref_squeeze %dma_wait3A_66 : memref<1x320000xi32, #tpu.memory_space<hbm>> -> memref<320000xi32, #tpu.memory_space<hbm>>
      %dma_wait3A_68 = tpu.memref_slice %dma_wait3A_67[%mul3A_60] : memref<320000xi32, #tpu.memory_space<hbm>> -> memref<64xi32, #tpu.memory_space<hbm>>
      tpu.wait_dma2 semaphore(%arg19 : memref<!tpu.dma_semaphore, #tpu.memory_space<semaphore_mem>>) src(%dma_wait3A_68 : memref<64xi32, #tpu.memory_space<hbm>>) dst(%arg6 : memref<64xi32, #tpu.memory_space<vmem>>)
      %dma_start3A_69 = arith.constant 0 : i32
      %dma_start3A_70 = arith.constant 0 : i32
      %dma_start3A_71 = tpu.memref_slice %arg2[%dma_start3A_69, %dma_start3A_70] : memref<10000x128xf32, #tpu.memory_space<hbm>> -> memref<10000x128xf32, #tpu.memory_space<hbm>>
      tpu.enqueue_indirect_dma source(%dma_start3A_71 : memref<10000x128xf32, #tpu.memory_space<hbm>>) target(%arg14 : memref<64x128xf32, #tpu.memory_space<vmem>>) offsets(%arg6 : memref<64xi32, #tpu.memory_space<vmem>>) semaphore(%arg27 : memref<!tpu.dma_semaphore, #tpu.memory_space<semaphore_mem>>)
      %add3A_72 = arith.constant 2 : i32
      %add3A_73 = arith.addi %add3A_18, %add3A_72 : i32
      %mul3A_74 = arith.constant 64 : i32
      %mul3A_75 = arith.muli %add3A_73, %mul3A_74 : i32
      %dma_start3A_76 = arith.constant 1 : i32
      %dma_start3A_77 = arith.constant 0 : i32
      %dma_start3A_78 = tpu.memref_slice %arg3[%dma_start3A_76, %dma_start3A_77] : memref<2x320000xi32, #tpu.memory_space<hbm>> -> memref<1x320000xi32, #tpu.memory_space<hbm>>
      %dma_start3A_79 = tpu.memref_squeeze %dma_start3A_78 : memref<1x320000xi32, #tpu.memory_space<hbm>> -> memref<320000xi32, #tpu.memory_space<hbm>>
      %dma_start3A_80 = tpu.memref_slice %dma_start3A_79[%mul3A_75] : memref<320000xi32, #tpu.memory_space<hbm>> -> memref<64xi32, #tpu.memory_space<hbm>>
      %dma_start3A_81 = arith.constant 0 : i32
      %dma_start3A_82 = tpu.memref_slice %arg3[%dma_start3A_76, %dma_start3A_81] : memref<2x320000xi32, #tpu.memory_space<hbm>> -> memref<1x320000xi32, #tpu.memory_space<hbm>>
      %dma_start3A_83 = tpu.memref_squeeze %dma_start3A_82 : memref<1x320000xi32, #tpu.memory_space<hbm>> -> memref<320000xi32, #tpu.memory_space<hbm>>
      %dma_start3A_84 = tpu.memref_slice %dma_start3A_83[%mul3A_75] : memref<320000xi32, #tpu.memory_space<hbm>> -> memref<64xi32, #tpu.memory_space<hbm>>
      tpu.enqueue_dma source(%dma_start3A_84 : memref<64xi32, #tpu.memory_space<hbm>>) target(%arg8 : memref<64xi32, #tpu.memory_space<vmem>>) target_semaphore(%arg21 : memref<!tpu.dma_semaphore, #tpu.memory_space<semaphore_mem>>)
      %add3A_85 = arith.constant 1 : i32
      %add3A_86 = arith.addi %add3A_18, %add3A_85 : i32
      %mul3A_87 = arith.constant 64 : i32
      %mul3A_88 = arith.muli %add3A_86, %mul3A_87 : i32
      %dma_start3A_89 = arith.constant 0 : i32
      %dma_start3A_90 = arith.constant 0 : i32
      %dma_start3A_91 = tpu.memref_slice %arg3[%dma_start3A_89, %dma_start3A_90] : memref<2x320000xi32, #tpu.memory_space<hbm>> -> memref<1x320000xi32, #tpu.memory_space<hbm>>
      %dma_start3A_92 = tpu.memref_squeeze %dma_start3A_91 : memref<1x320000xi32, #tpu.memory_space<hbm>> -> memref<320000xi32, #tpu.memory_space<hbm>>
      %dma_start3A_93 = tpu.memref_slice %dma_start3A_92[%mul3A_88] : memref<320000xi32, #tpu.memory_space<hbm>> -> memref<64xi32, #tpu.memory_space<hbm>>
      %dma_start3A_94 = arith.constant 0 : i32
      %dma_start3A_95 = tpu.memref_slice %arg3[%dma_start3A_89, %dma_start3A_94] : memref<2x320000xi32, #tpu.memory_space<hbm>> -> memref<1x320000xi32, #tpu.memory_space<hbm>>
      %dma_start3A_96 = tpu.memref_squeeze %dma_start3A_95 : memref<1x320000xi32, #tpu.memory_space<hbm>> -> memref<320000xi32, #tpu.memory_space<hbm>>
      %dma_start3A_97 = tpu.memref_slice %dma_start3A_96[%mul3A_88] : memref<320000xi32, #tpu.memory_space<hbm>> -> memref<64xi32, #tpu.memory_space<hbm>>
      tpu.enqueue_dma source(%dma_start3A_97 : memref<64xi32, #tpu.memory_space<hbm>>) target(%arg11 : memref<64xi32, #tpu.memory_space<vmem>>) target_semaphore(%arg24 : memref<!tpu.dma_semaphore, #tpu.memory_space<semaphore_mem>>)
      %add3A_98 = arith.constant 1 : i32
      %add3A_99 = arith.addi %add3A_18, %add3A_98 : i32
      %mul3A_100 = arith.constant 64 : i32
      %mul3A_101 = arith.muli %add3A_99, %mul3A_100 : i32
      %dma_wait3A_102 = arith.constant 1 : i32
      %dma_wait3A_103 = arith.constant 0 : i32
      %dma_wait3A_104 = tpu.memref_slice %arg3[%dma_wait3A_102, %dma_wait3A_103] : memref<2x320000xi32, #tpu.memory_space<hbm>> -> memref<1x320000xi32, #tpu.memory_space<hbm>>
      %dma_wait3A_105 = tpu.memref_squeeze %dma_wait3A_104 : memref<1x320000xi32, #tpu.memory_space<hbm>> -> memref<320000xi32, #tpu.memory_space<hbm>>
      %dma_wait3A_106 = tpu.memref_slice %dma_wait3A_105[%mul3A_101] : memref<320000xi32, #tpu.memory_space<hbm>> -> memref<64xi32, #tpu.memory_space<hbm>>
      %dma_wait3A_107 = arith.constant 0 : i32
      %dma_wait3A_108 = tpu.memref_slice %arg3[%dma_wait3A_102, %dma_wait3A_107] : memref<2x320000xi32, #tpu.memory_space<hbm>> -> memref<1x320000xi32, #tpu.memory_space<hbm>>
      %dma_wait3A_109 = tpu.memref_squeeze %dma_wait3A_108 : memref<1x320000xi32, #tpu.memory_space<hbm>> -> memref<320000xi32, #tpu.memory_space<hbm>>
      %dma_wait3A_110 = tpu.memref_slice %dma_wait3A_109[%mul3A_101] : memref<320000xi32, #tpu.memory_space<hbm>> -> memref<64xi32, #tpu.memory_space<hbm>>
      tpu.wait_dma2 semaphore(%arg20 : memref<!tpu.dma_semaphore, #tpu.memory_space<semaphore_mem>>) src(%dma_wait3A_110 : memref<64xi32, #tpu.memory_space<hbm>>) dst(%arg7 : memref<64xi32, #tpu.memory_space<vmem>>)
      %dma_start3A_111 = arith.constant 0 : i32
      %dma_start3A_112 = arith.constant 0 : i32
      %dma_start3A_113 = tpu.memref_slice %arg2[%dma_start3A_111, %dma_start3A_112] : memref<10000x128xf32, #tpu.memory_space<hbm>> -> memref<10000x128xf32, #tpu.memory_space<hbm>>
      tpu.enqueue_indirect_dma source(%dma_start3A_113 : memref<10000x128xf32, #tpu.memory_space<hbm>>) target(%arg15 : memref<64x128xf32, #tpu.memory_space<vmem>>) offsets(%arg7 : memref<64xi32, #tpu.memory_space<vmem>>) semaphore(%arg28 : memref<!tpu.dma_semaphore, #tpu.memory_space<semaphore_mem>>)
      %add3A_114 = arith.constant 0 : i32
      %add3A_115 = arith.addi %add3A_18, %add3A_114 : i32
      %mul3A_116 = arith.constant 64 : i32
      %mul3A_117 = arith.muli %add3A_115, %mul3A_116 : i32
      %dma_wait3A_118 = arith.constant 0 : i32
      %dma_wait3A_119 = arith.constant 0 : i32
      %dma_wait3A_120 = tpu.memref_slice %arg3[%dma_wait3A_118, %dma_wait3A_119] : memref<2x320000xi32, #tpu.memory_space<hbm>> -> memref<1x320000xi32, #tpu.memory_space<hbm>>
      %dma_wait3A_121 = tpu.memref_squeeze %dma_wait3A_120 : memref<1x320000xi32, #tpu.memory_space<hbm>> -> memref<320000xi32, #tpu.memory_space<hbm>>
      %dma_wait3A_122 = tpu.memref_slice %dma_wait3A_121[%mul3A_117] : memref<320000xi32, #tpu.memory_space<hbm>> -> memref<64xi32, #tpu.memory_space<hbm>>
      %dma_wait3A_123 = arith.constant 0 : i32
      %dma_wait3A_124 = tpu.memref_slice %arg3[%dma_wait3A_118, %dma_wait3A_123] : memref<2x320000xi32, #tpu.memory_space<hbm>> -> memref<1x320000xi32, #tpu.memory_space<hbm>>
      %dma_wait3A_125 = tpu.memref_squeeze %dma_wait3A_124 : memref<1x320000xi32, #tpu.memory_space<hbm>> -> memref<320000xi32, #tpu.memory_space<hbm>>
      %dma_wait3A_126 = tpu.memref_slice %dma_wait3A_125[%mul3A_117] : memref<320000xi32, #tpu.memory_space<hbm>> -> memref<64xi32, #tpu.memory_space<hbm>>
      tpu.wait_dma2 semaphore(%arg23 : memref<!tpu.dma_semaphore, #tpu.memory_space<semaphore_mem>>) src(%dma_wait3A_126 : memref<64xi32, #tpu.memory_space<hbm>>) dst(%arg10 : memref<64xi32, #tpu.memory_space<vmem>>)
      %dma_wait3A_127 = arith.constant 0 : i32
      %dma_wait3A_128 = arith.constant 0 : i32
      %dma_wait3A_129 = tpu.memref_slice %arg2[%dma_wait3A_127, %dma_wait3A_128] : memref<10000x128xf32, #tpu.memory_space<hbm>> -> memref<10000x128xf32, #tpu.memory_space<hbm>>
      tpu.wait_indirect_dma semaphore(%arg27 : memref<!tpu.dma_semaphore, #tpu.memory_space<semaphore_mem>>) src(%dma_wait3A_129 : memref<10000x128xf32, #tpu.memory_space<hbm>>) dst(%arg14 : memref<64x128xf32, #tpu.memory_space<vmem>>)
      %dma_start3A_130 = arith.constant 0 : i32
      %dma_start3A_131 = arith.constant 0 : i32
      %dma_start3A_132 = tpu.memref_slice %arg18[%dma_start3A_130, %dma_start3A_131] : memref<10240x128xf32, #tpu.memory_space<vmem_shared>> -> memref<10240x128xf32, #tpu.memory_space<vmem_shared>>
      tpu.enqueue_indirect_dma source(%arg14 : memref<64x128xf32, #tpu.memory_space<vmem>>) target(%dma_start3A_132 : memref<10240x128xf32, #tpu.memory_space<vmem_shared>>) offsets(%arg10 : memref<64xi32, #tpu.memory_space<vmem>>) semaphore(%arg31 : memref<!tpu.dma_semaphore, #tpu.memory_space<semaphore_mem>>) {add = true}
      %add3A_133 = arith.constant 3 : i32
      %add3A_134 = arith.addi %add3A_18, %add3A_133 : i32
      %mul3A_135 = arith.constant 64 : i32
      %mul3A_136 = arith.muli %add3A_134, %mul3A_135 : i32
      %dma_start3A_137 = arith.constant 1 : i32
      %dma_start3A_138 = arith.constant 0 : i32
      %dma_start3A_139 = tpu.memref_slice %arg3[%dma_start3A_137, %dma_start3A_138] : memref<2x320000xi32, #tpu.memory_space<hbm>> -> memref<1x320000xi32, #tpu.memory_space<hbm>>
      %dma_start3A_140 = tpu.memref_squeeze %dma_start3A_139 : memref<1x320000xi32, #tpu.memory_space<hbm>> -> memref<320000xi32, #tpu.memory_space<hbm>>
      %dma_start3A_141 = tpu.memref_slice %dma_start3A_140[%mul3A_136] : memref<320000xi32, #tpu.memory_space<hbm>> -> memref<64xi32, #tpu.memory_space<hbm>>
      %dma_start3A_142 = arith.constant 0 : i32
      %dma_start3A_143 = tpu.memref_slice %arg3[%dma_start3A_137, %dma_start3A_142] : memref<2x320000xi32, #tpu.memory_space<hbm>> -> memref<1x320000xi32, #tpu.memory_space<hbm>>
      %dma_start3A_144 = tpu.memref_squeeze %dma_start3A_143 : memref<1x320000xi32, #tpu.memory_space<hbm>> -> memref<320000xi32, #tpu.memory_space<hbm>>
      %dma_start3A_145 = tpu.memref_slice %dma_start3A_144[%mul3A_136] : memref<320000xi32, #tpu.memory_space<hbm>> -> memref<64xi32, #tpu.memory_space<hbm>>
      tpu.enqueue_dma source(%dma_start3A_145 : memref<64xi32, #tpu.memory_space<hbm>>) target(%arg9 : memref<64xi32, #tpu.memory_space<vmem>>) target_semaphore(%arg22 : memref<!tpu.dma_semaphore, #tpu.memory_space<semaphore_mem>>)
      %add3A_146 = arith.constant 2 : i32
      %add3A_147 = arith.addi %add3A_18, %add3A_146 : i32
      %mul3A_148 = arith.constant 64 : i32
      %mul3A_149 = arith.muli %add3A_147, %mul3A_148 : i32
      %dma_start3A_150 = arith.constant 0 : i32
      %dma_start3A_151 = arith.constant 0 : i32
      %dma_start3A_152 = tpu.memref_slice %arg3[%dma_start3A_150, %dma_start3A_151] : memref<2x320000xi32, #tpu.memory_space<hbm>> -> memref<1x320000xi32, #tpu.memory_space<hbm>>
      %dma_start3A_153 = tpu.memref_squeeze %dma_start3A_152 : memref<1x320000xi32, #tpu.memory_space<hbm>> -> memref<320000xi32, #tpu.memory_space<hbm>>
      %dma_start3A_154 = tpu.memref_slice %dma_start3A_153[%mul3A_149] : memref<320000xi32, #tpu.memory_space<hbm>> -> memref<64xi32, #tpu.memory_space<hbm>>
      %dma_start3A_155 = arith.constant 0 : i32
      %dma_start3A_156 = tpu.memref_slice %arg3[%dma_start3A_150, %dma_start3A_155] : memref<2x320000xi32, #tpu.memory_space<hbm>> -> memref<1x320000xi32, #tpu.memory_space<hbm>>
      %dma_start3A_157 = tpu.memref_squeeze %dma_start3A_156 : memref<1x320000xi32, #tpu.memory_space<hbm>> -> memref<320000xi32, #tpu.memory_space<hbm>>
      %dma_start3A_158 = tpu.memref_slice %dma_start3A_157[%mul3A_149] : memref<320000xi32, #tpu.memory_space<hbm>> -> memref<64xi32, #tpu.memory_space<hbm>>
      tpu.enqueue_dma source(%dma_start3A_158 : memref<64xi32, #tpu.memory_space<hbm>>) target(%arg12 : memref<64xi32, #tpu.memory_space<vmem>>) target_semaphore(%arg25 : memref<!tpu.dma_semaphore, #tpu.memory_space<semaphore_mem>>)
      %add3A_159 = arith.constant 2 : i32
      %add3A_160 = arith.addi %add3A_18, %add3A_159 : i32
      %mul3A_161 = arith.constant 64 : i32
      %mul3A_162 = arith.muli %add3A_160, %mul3A_161 : i32
      %dma_wait3A_163 = arith.constant 1 : i32
      %dma_wait3A_164 = arith.constant 0 : i32
      %dma_wait3A_165 = tpu.memref_slice %arg3[%dma_wait3A_163, %dma_wait3A_164] : memref<2x320000xi32, #tpu.memory_space<hbm>> -> memref<1x320000xi32, #tpu.memory_space<hbm>>
      %dma_wait3A_166 = tpu.memref_squeeze %dma_wait3A_165 : memref<1x320000xi32, #tpu.memory_space<hbm>> -> memref<320000xi32, #tpu.memory_space<hbm>>
      %dma_wait3A_167 = tpu.memref_slice %dma_wait3A_166[%mul3A_162] : memref<320000xi32, #tpu.memory_space<hbm>> -> memref<64xi32, #tpu.memory_space<hbm>>
      %dma_wait3A_168 = arith.constant 0 : i32
      %dma_wait3A_169 = tpu.memref_slice %arg3[%dma_wait3A_163, %dma_wait3A_168] : memref<2x320000xi32, #tpu.memory_space<hbm>> -> memref<1x320000xi32, #tpu.memory_space<hbm>>
      %dma_wait3A_170 = tpu.memref_squeeze %dma_wait3A_169 : memref<1x320000xi32, #tpu.memory_space<hbm>> -> memref<320000xi32, #tpu.memory_space<hbm>>
      %dma_wait3A_171 = tpu.memref_slice %dma_wait3A_170[%mul3A_162] : memref<320000xi32, #tpu.memory_space<hbm>> -> memref<64xi32, #tpu.memory_space<hbm>>
      tpu.wait_dma2 semaphore(%arg21 : memref<!tpu.dma_semaphore, #tpu.memory_space<semaphore_mem>>) src(%dma_wait3A_171 : memref<64xi32, #tpu.memory_space<hbm>>) dst(%arg8 : memref<64xi32, #tpu.memory_space<vmem>>)
      %dma_start3A_172 = arith.constant 0 : i32
      %dma_start3A_173 = arith.constant 0 : i32
      %dma_start3A_174 = tpu.memref_slice %arg2[%dma_start3A_172, %dma_start3A_173] : memref<10000x128xf32, #tpu.memory_space<hbm>> -> memref<10000x128xf32, #tpu.memory_space<hbm>>
      tpu.enqueue_indirect_dma source(%dma_start3A_174 : memref<10000x128xf32, #tpu.memory_space<hbm>>) target(%arg16 : memref<64x128xf32, #tpu.memory_space<vmem>>) offsets(%arg8 : memref<64xi32, #tpu.memory_space<vmem>>) semaphore(%arg29 : memref<!tpu.dma_semaphore, #tpu.memory_space<semaphore_mem>>)
      %add3A_175 = arith.constant 1 : i32
      %add3A_176 = arith.addi %add3A_18, %add3A_175 : i32
      %mul3A_177 = arith.constant 64 : i32
      %mul3A_178 = arith.muli %add3A_176, %mul3A_177 : i32
      %dma_wait3A_179 = arith.constant 0 : i32
      %dma_wait3A_180 = arith.constant 0 : i32
      %dma_wait3A_181 = tpu.memref_slice %arg3[%dma_wait3A_179, %dma_wait3A_180] : memref<2x320000xi32, #tpu.memory_space<hbm>> -> memref<1x320000xi32, #tpu.memory_space<hbm>>
      %dma_wait3A_182 = tpu.memref_squeeze %dma_wait3A_181 : memref<1x320000xi32, #tpu.memory_space<hbm>> -> memref<320000xi32, #tpu.memory_space<hbm>>
      %dma_wait3A_183 = tpu.memref_slice %dma_wait3A_182[%mul3A_178] : memref<320000xi32, #tpu.memory_space<hbm>> -> memref<64xi32, #tpu.memory_space<hbm>>
      %dma_wait3A_184 = arith.constant 0 : i32
      %dma_wait3A_185 = tpu.memref_slice %arg3[%dma_wait3A_179, %dma_wait3A_184] : memref<2x320000xi32, #tpu.memory_space<hbm>> -> memref<1x320000xi32, #tpu.memory_space<hbm>>
      %dma_wait3A_186 = tpu.memref_squeeze %dma_wait3A_185 : memref<1x320000xi32, #tpu.memory_space<hbm>> -> memref<320000xi32, #tpu.memory_space<hbm>>
      %dma_wait3A_187 = tpu.memref_slice %dma_wait3A_186[%mul3A_178] : memref<320000xi32, #tpu.memory_space<hbm>> -> memref<64xi32, #tpu.memory_space<hbm>>
      tpu.wait_dma2 semaphore(%arg24 : memref<!tpu.dma_semaphore, #tpu.memory_space<semaphore_mem>>) src(%dma_wait3A_187 : memref<64xi32, #tpu.memory_space<hbm>>) dst(%arg11 : memref<64xi32, #tpu.memory_space<vmem>>)
      %dma_wait3A_188 = arith.constant 0 : i32
      %dma_wait3A_189 = arith.constant 0 : i32
      %dma_wait3A_190 = tpu.memref_slice %arg2[%dma_wait3A_188, %dma_wait3A_189] : memref<10000x128xf32, #tpu.memory_space<hbm>> -> memref<10000x128xf32, #tpu.memory_space<hbm>>
      tpu.wait_indirect_dma semaphore(%arg28 : memref<!tpu.dma_semaphore, #tpu.memory_space<semaphore_mem>>) src(%dma_wait3A_190 : memref<10000x128xf32, #tpu.memory_space<hbm>>) dst(%arg15 : memref<64x128xf32, #tpu.memory_space<vmem>>)
      %dma_start3A_191 = arith.constant 0 : i32
      %dma_start3A_192 = arith.constant 0 : i32
      %dma_start3A_193 = tpu.memref_slice %arg18[%dma_start3A_191, %dma_start3A_192] : memref<10240x128xf32, #tpu.memory_space<vmem_shared>> -> memref<10240x128xf32, #tpu.memory_space<vmem_shared>>
      tpu.enqueue_indirect_dma source(%arg15 : memref<64x128xf32, #tpu.memory_space<vmem>>) target(%dma_start3A_193 : memref<10240x128xf32, #tpu.memory_space<vmem_shared>>) offsets(%arg11 : memref<64xi32, #tpu.memory_space<vmem>>) semaphore(%arg32 : memref<!tpu.dma_semaphore, #tpu.memory_space<semaphore_mem>>) {add = true}
      %add3A_194 = arith.constant 4 : i32
      %add3A_195 = arith.addi %add3A_18, %add3A_194 : i32
      %mul3A_196 = arith.constant 64 : i32
      %mul3A_197 = arith.muli %add3A_195, %mul3A_196 : i32
      %dma_start3A_198 = arith.constant 1 : i32
      %dma_start3A_199 = arith.constant 0 : i32
      %dma_start3A_200 = tpu.memref_slice %arg3[%dma_start3A_198, %dma_start3A_199] : memref<2x320000xi32, #tpu.memory_space<hbm>> -> memref<1x320000xi32, #tpu.memory_space<hbm>>
      %dma_start3A_201 = tpu.memref_squeeze %dma_start3A_200 : memref<1x320000xi32, #tpu.memory_space<hbm>> -> memref<320000xi32, #tpu.memory_space<hbm>>
      %dma_start3A_202 = tpu.memref_slice %dma_start3A_201[%mul3A_197] : memref<320000xi32, #tpu.memory_space<hbm>> -> memref<64xi32, #tpu.memory_space<hbm>>
      %dma_start3A_203 = arith.constant 0 : i32
      %dma_start3A_204 = tpu.memref_slice %arg3[%dma_start3A_198, %dma_start3A_203] : memref<2x320000xi32, #tpu.memory_space<hbm>> -> memref<1x320000xi32, #tpu.memory_space<hbm>>
      %dma_start3A_205 = tpu.memref_squeeze %dma_start3A_204 : memref<1x320000xi32, #tpu.memory_space<hbm>> -> memref<320000xi32, #tpu.memory_space<hbm>>
      %dma_start3A_206 = tpu.memref_slice %dma_start3A_205[%mul3A_197] : memref<320000xi32, #tpu.memory_space<hbm>> -> memref<64xi32, #tpu.memory_space<hbm>>
      tpu.enqueue_dma source(%dma_start3A_206 : memref<64xi32, #tpu.memory_space<hbm>>) target(%arg6 : memref<64xi32, #tpu.memory_space<vmem>>) target_semaphore(%arg19 : memref<!tpu.dma_semaphore, #tpu.memory_space<semaphore_mem>>)
      %add3A_207 = arith.constant 3 : i32
      %add3A_208 = arith.addi %add3A_18, %add3A_207 : i32
      %mul3A_209 = arith.constant 64 : i32
      %mul3A_210 = arith.muli %add3A_208, %mul3A_209 : i32
      %dma_start3A_211 = arith.constant 0 : i32
      %dma_start3A_212 = arith.constant 0 : i32
      %dma_start3A_213 = tpu.memref_slice %arg3[%dma_start3A_211, %dma_start3A_212] : memref<2x320000xi32, #tpu.memory_space<hbm>> -> memref<1x320000xi32, #tpu.memory_space<hbm>>
      %dma_start3A_214 = tpu.memref_squeeze %dma_start3A_213 : memref<1x320000xi32, #tpu.memory_space<hbm>> -> memref<320000xi32, #tpu.memory_space<hbm>>
      %dma_start3A_215 = tpu.memref_slice %dma_start3A_214[%mul3A_210] : memref<320000xi32, #tpu.memory_space<hbm>> -> memref<64xi32, #tpu.memory_space<hbm>>
      %dma_start3A_216 = arith.constant 0 : i32
      %dma_start3A_217 = tpu.memref_slice %arg3[%dma_start3A_211, %dma_start3A_216] : memref<2x320000xi32, #tpu.memory_space<hbm>> -> memref<1x320000xi32, #tpu.memory_space<hbm>>
      %dma_start3A_218 = tpu.memref_squeeze %dma_start3A_217 : memref<1x320000xi32, #tpu.memory_space<hbm>> -> memref<320000xi32, #tpu.memory_space<hbm>>
      %dma_start3A_219 = tpu.memref_slice %dma_start3A_218[%mul3A_210] : memref<320000xi32, #tpu.memory_space<hbm>> -> memref<64xi32, #tpu.memory_space<hbm>>
      tpu.enqueue_dma source(%dma_start3A_219 : memref<64xi32, #tpu.memory_space<hbm>>) target(%arg13 : memref<64xi32, #tpu.memory_space<vmem>>) target_semaphore(%arg26 : memref<!tpu.dma_semaphore, #tpu.memory_space<semaphore_mem>>)
      %add3A_220 = arith.constant 3 : i32
      %add3A_221 = arith.addi %add3A_18, %add3A_220 : i32
      %mul3A_222 = arith.constant 64 : i32
      %mul3A_223 = arith.muli %add3A_221, %mul3A_222 : i32
      %dma_wait3A_224 = arith.constant 1 : i32
      %dma_wait3A_225 = arith.constant 0 : i32
      %dma_wait3A_226 = tpu.memref_slice %arg3[%dma_wait3A_224, %dma_wait3A_225] : memref<2x320000xi32, #tpu.memory_space<hbm>> -> memref<1x320000xi32, #tpu.memory_space<hbm>>
      %dma_wait3A_227 = tpu.memref_squeeze %dma_wait3A_226 : memref<1x320000xi32, #tpu.memory_space<hbm>> -> memref<320000xi32, #tpu.memory_space<hbm>>
      %dma_wait3A_228 = tpu.memref_slice %dma_wait3A_227[%mul3A_223] : memref<320000xi32, #tpu.memory_space<hbm>> -> memref<64xi32, #tpu.memory_space<hbm>>
      %dma_wait3A_229 = arith.constant 0 : i32
      %dma_wait3A_230 = tpu.memref_slice %arg3[%dma_wait3A_224, %dma_wait3A_229] : memref<2x320000xi32, #tpu.memory_space<hbm>> -> memref<1x320000xi32, #tpu.memory_space<hbm>>
      %dma_wait3A_231 = tpu.memref_squeeze %dma_wait3A_230 : memref<1x320000xi32, #tpu.memory_space<hbm>> -> memref<320000xi32, #tpu.memory_space<hbm>>
      %dma_wait3A_232 = tpu.memref_slice %dma_wait3A_231[%mul3A_223] : memref<320000xi32, #tpu.memory_space<hbm>> -> memref<64xi32, #tpu.memory_space<hbm>>
      tpu.wait_dma2 semaphore(%arg22 : memref<!tpu.dma_semaphore, #tpu.memory_space<semaphore_mem>>) src(%dma_wait3A_232 : memref<64xi32, #tpu.memory_space<hbm>>) dst(%arg9 : memref<64xi32, #tpu.memory_space<vmem>>)
      %dma_start3A_233 = arith.constant 0 : i32
      %dma_start3A_234 = arith.constant 0 : i32
      %dma_start3A_235 = tpu.memref_slice %arg2[%dma_start3A_233, %dma_start3A_234] : memref<10000x128xf32, #tpu.memory_space<hbm>> -> memref<10000x128xf32, #tpu.memory_space<hbm>>
      tpu.enqueue_indirect_dma source(%dma_start3A_235 : memref<10000x128xf32, #tpu.memory_space<hbm>>) target(%arg17 : memref<64x128xf32, #tpu.memory_space<vmem>>) offsets(%arg9 : memref<64xi32, #tpu.memory_space<vmem>>) semaphore(%arg30 : memref<!tpu.dma_semaphore, #tpu.memory_space<semaphore_mem>>)
      %add3A_236 = arith.constant 2 : i32
      %add3A_237 = arith.addi %add3A_18, %add3A_236 : i32
      %mul3A_238 = arith.constant 64 : i32
      %mul3A_239 = arith.muli %add3A_237, %mul3A_238 : i32
      %dma_wait3A_240 = arith.constant 0 : i32
      %dma_wait3A_241 = arith.constant 0 : i32
      %dma_wait3A_242 = tpu.memref_slice %arg3[%dma_wait3A_240, %dma_wait3A_241] : memref<2x320000xi32, #tpu.memory_space<hbm>> -> memref<1x320000xi32, #tpu.memory_space<hbm>>
      %dma_wait3A_243 = tpu.memref_squeeze %dma_wait3A_242 : memref<1x320000xi32, #tpu.memory_space<hbm>> -> memref<320000xi32, #tpu.memory_space<hbm>>
      %dma_wait3A_244 = tpu.memref_slice %dma_wait3A_243[%mul3A_239] : memref<320000xi32, #tpu.memory_space<hbm>> -> memref<64xi32, #tpu.memory_space<hbm>>
      %dma_wait3A_245 = arith.constant 0 : i32
      %dma_wait3A_246 = tpu.memref_slice %arg3[%dma_wait3A_240, %dma_wait3A_245] : memref<2x320000xi32, #tpu.memory_space<hbm>> -> memref<1x320000xi32, #tpu.memory_space<hbm>>
      %dma_wait3A_247 = tpu.memref_squeeze %dma_wait3A_246 : memref<1x320000xi32, #tpu.memory_space<hbm>> -> memref<320000xi32, #tpu.memory_space<hbm>>
      %dma_wait3A_248 = tpu.memref_slice %dma_wait3A_247[%mul3A_239] : memref<320000xi32, #tpu.memory_space<hbm>> -> memref<64xi32, #tpu.memory_space<hbm>>
      tpu.wait_dma2 semaphore(%arg25 : memref<!tpu.dma_semaphore, #tpu.memory_space<semaphore_mem>>) src(%dma_wait3A_248 : memref<64xi32, #tpu.memory_space<hbm>>) dst(%arg12 : memref<64xi32, #tpu.memory_space<vmem>>)
      %dma_wait3A_249 = arith.constant 0 : i32
      %dma_wait3A_250 = arith.constant 0 : i32
      %dma_wait3A_251 = tpu.memref_slice %arg2[%dma_wait3A_249, %dma_wait3A_250] : memref<10000x128xf32, #tpu.memory_space<hbm>> -> memref<10000x128xf32, #tpu.memory_space<hbm>>
      tpu.wait_indirect_dma semaphore(%arg29 : memref<!tpu.dma_semaphore, #tpu.memory_space<semaphore_mem>>) src(%dma_wait3A_251 : memref<10000x128xf32, #tpu.memory_space<hbm>>) dst(%arg16 : memref<64x128xf32, #tpu.memory_space<vmem>>)
      %dma_start3A_252 = arith.constant 0 : i32
      %dma_start3A_253 = arith.constant 0 : i32
      %dma_start3A_254 = tpu.memref_slice %arg18[%dma_start3A_252, %dma_start3A_253] : memref<10240x128xf32, #tpu.memory_space<vmem_shared>> -> memref<10240x128xf32, #tpu.memory_space<vmem_shared>>
      tpu.enqueue_indirect_dma source(%arg16 : memref<64x128xf32, #tpu.memory_space<vmem>>) target(%dma_start3A_254 : memref<10240x128xf32, #tpu.memory_space<vmem_shared>>) offsets(%arg12 : memref<64xi32, #tpu.memory_space<vmem>>) semaphore(%arg33 : memref<!tpu.dma_semaphore, #tpu.memory_space<semaphore_mem>>) {add = true}
      %dma_wait3A_255 = arith.constant 0 : i32
      %dma_wait3A_256 = arith.constant 0 : i32
      %dma_wait3A_257 = tpu.memref_slice %arg18[%dma_wait3A_255, %dma_wait3A_256] : memref<10240x128xf32, #tpu.memory_space<vmem_shared>> -> memref<10240x128xf32, #tpu.memory_space<vmem_shared>>
      tpu.wait_indirect_dma semaphore(%arg31 : memref<!tpu.dma_semaphore, #tpu.memory_space<semaphore_mem>>) src(%arg14 : memref<64x128xf32, #tpu.memory_space<vmem>>) dst(%dma_wait3A_257 : memref<10240x128xf32, #tpu.memory_space<vmem_shared>>)
      %add3A_258 = arith.constant 5 : i32
      %add3A_259 = arith.addi %add3A_18, %add3A_258 : i32
      %mul3A_260 = arith.constant 64 : i32
      %mul3A_261 = arith.muli %add3A_259, %mul3A_260 : i32
      %dma_start3A_262 = arith.constant 1 : i32
      %dma_start3A_263 = arith.constant 0 : i32
      %dma_start3A_264 = tpu.memref_slice %arg3[%dma_start3A_262, %dma_start3A_263] : memref<2x320000xi32, #tpu.memory_space<hbm>> -> memref<1x320000xi32, #tpu.memory_space<hbm>>
      %dma_start3A_265 = tpu.memref_squeeze %dma_start3A_264 : memref<1x320000xi32, #tpu.memory_space<hbm>> -> memref<320000xi32, #tpu.memory_space<hbm>>
      %dma_start3A_266 = tpu.memref_slice %dma_start3A_265[%mul3A_261] : memref<320000xi32, #tpu.memory_space<hbm>> -> memref<64xi32, #tpu.memory_space<hbm>>
      %dma_start3A_267 = arith.constant 0 : i32
      %dma_start3A_268 = tpu.memref_slice %arg3[%dma_start3A_262, %dma_start3A_267] : memref<2x320000xi32, #tpu.memory_space<hbm>> -> memref<1x320000xi32, #tpu.memory_space<hbm>>
      %dma_start3A_269 = tpu.memref_squeeze %dma_start3A_268 : memref<1x320000xi32, #tpu.memory_space<hbm>> -> memref<320000xi32, #tpu.memory_space<hbm>>
      %dma_start3A_270 = tpu.memref_slice %dma_start3A_269[%mul3A_261] : memref<320000xi32, #tpu.memory_space<hbm>> -> memref<64xi32, #tpu.memory_space<hbm>>
      tpu.enqueue_dma source(%dma_start3A_270 : memref<64xi32, #tpu.memory_space<hbm>>) target(%arg7 : memref<64xi32, #tpu.memory_space<vmem>>) target_semaphore(%arg20 : memref<!tpu.dma_semaphore, #tpu.memory_space<semaphore_mem>>)
      %add3A_271 = arith.constant 4 : i32
      %add3A_272 = arith.addi %add3A_18, %add3A_271 : i32
      %mul3A_273 = arith.constant 64 : i32
      %mul3A_274 = arith.muli %add3A_272, %mul3A_273 : i32
      %dma_start3A_275 = arith.constant 0 : i32
      %dma_start3A_276 = arith.constant 0 : i32
      %dma_start3A_277 = tpu.memref_slice %arg3[%dma_start3A_275, %dma_start3A_276] : memref<2x320000xi32, #tpu.memory_space<hbm>> -> memref<1x320000xi32, #tpu.memory_space<hbm>>
      %dma_start3A_278 = tpu.memref_squeeze %dma_start3A_277 : memref<1x320000xi32, #tpu.memory_space<hbm>> -> memref<320000xi32, #tpu.memory_space<hbm>>
      %dma_start3A_279 = tpu.memref_slice %dma_start3A_278[%mul3A_274] : memref<320000xi32, #tpu.memory_space<hbm>> -> memref<64xi32, #tpu.memory_space<hbm>>
      %dma_start3A_280 = arith.constant 0 : i32
      %dma_start3A_281 = tpu.memref_slice %arg3[%dma_start3A_275, %dma_start3A_280] : memref<2x320000xi32, #tpu.memory_space<hbm>> -> memref<1x320000xi32, #tpu.memory_space<hbm>>
      %dma_start3A_282 = tpu.memref_squeeze %dma_start3A_281 : memref<1x320000xi32, #tpu.memory_space<hbm>> -> memref<320000xi32, #tpu.memory_space<hbm>>
      %dma_start3A_283 = tpu.memref_slice %dma_start3A_282[%mul3A_274] : memref<320000xi32, #tpu.memory_space<hbm>> -> memref<64xi32, #tpu.memory_space<hbm>>
      tpu.enqueue_dma source(%dma_start3A_283 : memref<64xi32, #tpu.memory_space<hbm>>) target(%arg10 : memref<64xi32, #tpu.memory_space<vmem>>) target_semaphore(%arg23 : memref<!tpu.dma_semaphore, #tpu.memory_space<semaphore_mem>>)
      %scan3A = arith.constant 0 : i32
      %scan3A_284 = arith.constant 1 : i32
      %scan3A_285 = arith.constant 37 : i32
      %scan3A_286 = arith.addi %scan3A_284, %scan3A_285 : i32
      %scan3A_287 = arith.constant 1 : i32
      scf.for %scan3A_534 = %scan3A_284 to %scan3A_286 step %scan3A_287  : i32 {
        %mul3A_535 = arith.constant 4 : i32
        %mul3A_536 = arith.muli %scan3A_534, %mul3A_535 : i32
        %add3A_537 = arith.constant 0 : i32
        %add3A_538 = arith.addi %mul3A_536, %add3A_537 : i32
        %add3A_539 = arith.addi %add3A_18, %add3A_538 : i32
        %mul3A_540 = arith.constant 64 : i32
        %mul3A_541 = arith.muli %add3A_539, %mul3A_540 : i32
        %dma_wait3A_542 = arith.constant 1 : i32
        %dma_wait3A_543 = arith.constant 0 : i32
        %dma_wait3A_544 = tpu.memref_slice %arg3[%dma_wait3A_542, %dma_wait3A_543] : memref<2x320000xi32, #tpu.memory_space<hbm>> -> memref<1x320000xi32, #tpu.memory_space<hbm>>
        %dma_wait3A_545 = tpu.memref_squeeze %dma_wait3A_544 : memref<1x320000xi32, #tpu.memory_space<hbm>> -> memref<320000xi32, #tpu.memory_space<hbm>>
        %dma_wait3A_546 = tpu.memref_slice %dma_wait3A_545[%mul3A_541] : memref<320000xi32, #tpu.memory_space<hbm>> -> memref<64xi32, #tpu.memory_space<hbm>>
        %dma_wait3A_547 = arith.constant 0 : i32
        %dma_wait3A_548 = tpu.memref_slice %arg3[%dma_wait3A_542, %dma_wait3A_547] : memref<2x320000xi32, #tpu.memory_space<hbm>> -> memref<1x320000xi32, #tpu.memory_space<hbm>>
        %dma_wait3A_549 = tpu.memref_squeeze %dma_wait3A_548 : memref<1x320000xi32, #tpu.memory_space<hbm>> -> memref<320000xi32, #tpu.memory_space<hbm>>
        %dma_wait3A_550 = tpu.memref_slice %dma_wait3A_549[%mul3A_541] : memref<320000xi32, #tpu.memory_space<hbm>> -> memref<64xi32, #tpu.memory_space<hbm>>
        tpu.wait_dma2 semaphore(%arg19 : memref<!tpu.dma_semaphore, #tpu.memory_space<semaphore_mem>>) src(%dma_wait3A_550 : memref<64xi32, #tpu.memory_space<hbm>>) dst(%arg6 : memref<64xi32, #tpu.memory_space<vmem>>)
        %dma_start3A_551 = arith.constant 0 : i32
        %dma_start3A_552 = arith.constant 0 : i32
        %dma_start3A_553 = tpu.memref_slice %arg2[%dma_start3A_551, %dma_start3A_552] : memref<10000x128xf32, #tpu.memory_space<hbm>> -> memref<10000x128xf32, #tpu.memory_space<hbm>>
        tpu.enqueue_indirect_dma source(%dma_start3A_553 : memref<10000x128xf32, #tpu.memory_space<hbm>>) target(%arg14 : memref<64x128xf32, #tpu.memory_space<vmem>>) offsets(%arg6 : memref<64xi32, #tpu.memory_space<vmem>>) semaphore(%arg27 : memref<!tpu.dma_semaphore, #tpu.memory_space<semaphore_mem>>)
        %sub3A_554 = arith.constant 1 : i32
        %sub3A_555 = arith.subi %add3A_538, %sub3A_554 : i32
        %add3A_556 = arith.addi %add3A_18, %sub3A_555 : i32
        %mul3A_557 = arith.constant 64 : i32
        %mul3A_558 = arith.muli %add3A_556, %mul3A_557 : i32
        %dma_wait3A_559 = arith.constant 0 : i32
        %dma_wait3A_560 = arith.constant 0 : i32
        %dma_wait3A_561 = tpu.memref_slice %arg3[%dma_wait3A_559, %dma_wait3A_560] : memref<2x320000xi32, #tpu.memory_space<hbm>> -> memref<1x320000xi32, #tpu.memory_space<hbm>>
        %dma_wait3A_562 = tpu.memref_squeeze %dma_wait3A_561 : memref<1x320000xi32, #tpu.memory_space<hbm>> -> memref<320000xi32, #tpu.memory_space<hbm>>
        %dma_wait3A_563 = tpu.memref_slice %dma_wait3A_562[%mul3A_558] : memref<320000xi32, #tpu.memory_space<hbm>> -> memref<64xi32, #tpu.memory_space<hbm>>
        %dma_wait3A_564 = arith.constant 0 : i32
        %dma_wait3A_565 = tpu.memref_slice %arg3[%dma_wait3A_559, %dma_wait3A_564] : memref<2x320000xi32, #tpu.memory_space<hbm>> -> memref<1x320000xi32, #tpu.memory_space<hbm>>
        %dma_wait3A_566 = tpu.memref_squeeze %dma_wait3A_565 : memref<1x320000xi32, #tpu.memory_space<hbm>> -> memref<320000xi32, #tpu.memory_space<hbm>>
        %dma_wait3A_567 = tpu.memref_slice %dma_wait3A_566[%mul3A_558] : memref<320000xi32, #tpu.memory_space<hbm>> -> memref<64xi32, #tpu.memory_space<hbm>>
        tpu.wait_dma2 semaphore(%arg26 : memref<!tpu.dma_semaphore, #tpu.memory_space<semaphore_mem>>) src(%dma_wait3A_567 : memref<64xi32, #tpu.memory_space<hbm>>) dst(%arg13 : memref<64xi32, #tpu.memory_space<vmem>>)
        %dma_wait3A_568 = arith.constant 0 : i32
        %dma_wait3A_569 = arith.constant 0 : i32
        %dma_wait3A_570 = tpu.memref_slice %arg2[%dma_wait3A_568, %dma_wait3A_569] : memref<10000x128xf32, #tpu.memory_space<hbm>> -> memref<10000x128xf32, #tpu.memory_space<hbm>>
        tpu.wait_indirect_dma semaphore(%arg30 : memref<!tpu.dma_semaphore, #tpu.memory_space<semaphore_mem>>) src(%dma_wait3A_570 : memref<10000x128xf32, #tpu.memory_space<hbm>>) dst(%arg17 : memref<64x128xf32, #tpu.memory_space<vmem>>)
        %dma_start3A_571 = arith.constant 0 : i32
        %dma_start3A_572 = arith.constant 0 : i32
        %dma_start3A_573 = tpu.memref_slice %arg18[%dma_start3A_571, %dma_start3A_572] : memref<10240x128xf32, #tpu.memory_space<vmem_shared>> -> memref<10240x128xf32, #tpu.memory_space<vmem_shared>>
        tpu.enqueue_indirect_dma source(%arg17 : memref<64x128xf32, #tpu.memory_space<vmem>>) target(%dma_start3A_573 : memref<10240x128xf32, #tpu.memory_space<vmem_shared>>) offsets(%arg13 : memref<64xi32, #tpu.memory_space<vmem>>) semaphore(%arg34 : memref<!tpu.dma_semaphore, #tpu.memory_space<semaphore_mem>>) {add = true}
        %dma_wait3A_574 = arith.constant 0 : i32
        %dma_wait3A_575 = arith.constant 0 : i32
        %dma_wait3A_576 = tpu.memref_slice %arg18[%dma_wait3A_574, %dma_wait3A_575] : memref<10240x128xf32, #tpu.memory_space<vmem_shared>> -> memref<10240x128xf32, #tpu.memory_space<vmem_shared>>
        tpu.wait_indirect_dma semaphore(%arg32 : memref<!tpu.dma_semaphore, #tpu.memory_space<semaphore_mem>>) src(%arg15 : memref<64x128xf32, #tpu.memory_space<vmem>>) dst(%dma_wait3A_576 : memref<10240x128xf32, #tpu.memory_space<vmem_shared>>)
        %add3A_577 = arith.constant 2 : i32
        %add3A_578 = arith.addi %add3A_538, %add3A_577 : i32
        %add3A_579 = arith.addi %add3A_18, %add3A_578 : i32
        %mul3A_580 = arith.constant 64 : i32
        %mul3A_581 = arith.muli %add3A_579, %mul3A_580 : i32
        %dma_start3A_582 = arith.constant 1 : i32
        %dma_start3A_583 = arith.constant 0 : i32
        %dma_start3A_584 = tpu.memref_slice %arg3[%dma_start3A_582, %dma_start3A_583] : memref<2x320000xi32, #tpu.memory_space<hbm>> -> memref<1x320000xi32, #tpu.memory_space<hbm>>
        %dma_start3A_585 = tpu.memref_squeeze %dma_start3A_584 : memref<1x320000xi32, #tpu.memory_space<hbm>> -> memref<320000xi32, #tpu.memory_space<hbm>>
        %dma_start3A_586 = tpu.memref_slice %dma_start3A_585[%mul3A_581] : memref<320000xi32, #tpu.memory_space<hbm>> -> memref<64xi32, #tpu.memory_space<hbm>>
        %dma_start3A_587 = arith.constant 0 : i32
        %dma_start3A_588 = tpu.memref_slice %arg3[%dma_start3A_582, %dma_start3A_587] : memref<2x320000xi32, #tpu.memory_space<hbm>> -> memref<1x320000xi32, #tpu.memory_space<hbm>>
        %dma_start3A_589 = tpu.memref_squeeze %dma_start3A_588 : memref<1x320000xi32, #tpu.memory_space<hbm>> -> memref<320000xi32, #tpu.memory_space<hbm>>
        %dma_start3A_590 = tpu.memref_slice %dma_start3A_589[%mul3A_581] : memref<320000xi32, #tpu.memory_space<hbm>> -> memref<64xi32, #tpu.memory_space<hbm>>
        tpu.enqueue_dma source(%dma_start3A_590 : memref<64xi32, #tpu.memory_space<hbm>>) target(%arg8 : memref<64xi32, #tpu.memory_space<vmem>>) target_semaphore(%arg21 : memref<!tpu.dma_semaphore, #tpu.memory_space<semaphore_mem>>)
        %add3A_591 = arith.constant 1 : i32
        %add3A_592 = arith.addi %add3A_538, %add3A_591 : i32
        %add3A_593 = arith.addi %add3A_18, %add3A_592 : i32
        %mul3A_594 = arith.constant 64 : i32
        %mul3A_595 = arith.muli %add3A_593, %mul3A_594 : i32
        %dma_start3A_596 = arith.constant 0 : i32
        %dma_start3A_597 = arith.constant 0 : i32
        %dma_start3A_598 = tpu.memref_slice %arg3[%dma_start3A_596, %dma_start3A_597] : memref<2x320000xi32, #tpu.memory_space<hbm>> -> memref<1x320000xi32, #tpu.memory_space<hbm>>
        %dma_start3A_599 = tpu.memref_squeeze %dma_start3A_598 : memref<1x320000xi32, #tpu.memory_space<hbm>> -> memref<320000xi32, #tpu.memory_space<hbm>>
        %dma_start3A_600 = tpu.memref_slice %dma_start3A_599[%mul3A_595] : memref<320000xi32, #tpu.memory_space<hbm>> -> memref<64xi32, #tpu.memory_space<hbm>>
        %dma_start3A_601 = arith.constant 0 : i32
        %dma_start3A_602 = tpu.memref_slice %arg3[%dma_start3A_596, %dma_start3A_601] : memref<2x320000xi32, #tpu.memory_space<hbm>> -> memref<1x320000xi32, #tpu.memory_space<hbm>>
        %dma_start3A_603 = tpu.memref_squeeze %dma_start3A_602 : memref<1x320000xi32, #tpu.memory_space<hbm>> -> memref<320000xi32, #tpu.memory_space<hbm>>
        %dma_start3A_604 = tpu.memref_slice %dma_start3A_603[%mul3A_595] : memref<320000xi32, #tpu.memory_space<hbm>> -> memref<64xi32, #tpu.memory_space<hbm>>
        tpu.enqueue_dma source(%dma_start3A_604 : memref<64xi32, #tpu.memory_space<hbm>>) target(%arg11 : memref<64xi32, #tpu.memory_space<vmem>>) target_semaphore(%arg24 : memref<!tpu.dma_semaphore, #tpu.memory_space<semaphore_mem>>)
        %mul3A_605 = arith.constant 4 : i32
        %mul3A_606 = arith.muli %scan3A_534, %mul3A_605 : i32
        %add3A_607 = arith.constant 1 : i32
        %add3A_608 = arith.addi %mul3A_606, %add3A_607 : i32
        %add3A_609 = arith.addi %add3A_18, %add3A_608 : i32
        %mul3A_610 = arith.constant 64 : i32
        %mul3A_611 = arith.muli %add3A_609, %mul3A_610 : i32
        %dma_wait3A_612 = arith.constant 1 : i32
        %dma_wait3A_613 = arith.constant 0 : i32
        %dma_wait3A_614 = tpu.memref_slice %arg3[%dma_wait3A_612, %dma_wait3A_613] : memref<2x320000xi32, #tpu.memory_space<hbm>> -> memref<1x320000xi32, #tpu.memory_space<hbm>>
        %dma_wait3A_615 = tpu.memref_squeeze %dma_wait3A_614 : memref<1x320000xi32, #tpu.memory_space<hbm>> -> memref<320000xi32, #tpu.memory_space<hbm>>
        %dma_wait3A_616 = tpu.memref_slice %dma_wait3A_615[%mul3A_611] : memref<320000xi32, #tpu.memory_space<hbm>> -> memref<64xi32, #tpu.memory_space<hbm>>
        %dma_wait3A_617 = arith.constant 0 : i32
        %dma_wait3A_618 = tpu.memref_slice %arg3[%dma_wait3A_612, %dma_wait3A_617] : memref<2x320000xi32, #tpu.memory_space<hbm>> -> memref<1x320000xi32, #tpu.memory_space<hbm>>
        %dma_wait3A_619 = tpu.memref_squeeze %dma_wait3A_618 : memref<1x320000xi32, #tpu.memory_space<hbm>> -> memref<320000xi32, #tpu.memory_space<hbm>>
        %dma_wait3A_620 = tpu.memref_slice %dma_wait3A_619[%mul3A_611] : memref<320000xi32, #tpu.memory_space<hbm>> -> memref<64xi32, #tpu.memory_space<hbm>>
        tpu.wait_dma2 semaphore(%arg20 : memref<!tpu.dma_semaphore, #tpu.memory_space<semaphore_mem>>) src(%dma_wait3A_620 : memref<64xi32, #tpu.memory_space<hbm>>) dst(%arg7 : memref<64xi32, #tpu.memory_space<vmem>>)
        %dma_start3A_621 = arith.constant 0 : i32
        %dma_start3A_622 = arith.constant 0 : i32
        %dma_start3A_623 = tpu.memref_slice %arg2[%dma_start3A_621, %dma_start3A_622] : memref<10000x128xf32, #tpu.memory_space<hbm>> -> memref<10000x128xf32, #tpu.memory_space<hbm>>
        tpu.enqueue_indirect_dma source(%dma_start3A_623 : memref<10000x128xf32, #tpu.memory_space<hbm>>) target(%arg15 : memref<64x128xf32, #tpu.memory_space<vmem>>) offsets(%arg7 : memref<64xi32, #tpu.memory_space<vmem>>) semaphore(%arg28 : memref<!tpu.dma_semaphore, #tpu.memory_space<semaphore_mem>>)
        %sub3A_624 = arith.constant 1 : i32
        %sub3A_625 = arith.subi %add3A_608, %sub3A_624 : i32
        %add3A_626 = arith.addi %add3A_18, %sub3A_625 : i32
        %mul3A_627 = arith.constant 64 : i32
        %mul3A_628 = arith.muli %add3A_626, %mul3A_627 : i32
        %dma_wait3A_629 = arith.constant 0 : i32
        %dma_wait3A_630 = arith.constant 0 : i32
        %dma_wait3A_631 = tpu.memref_slice %arg3[%dma_wait3A_629, %dma_wait3A_630] : memref<2x320000xi32, #tpu.memory_space<hbm>> -> memref<1x320000xi32, #tpu.memory_space<hbm>>
        %dma_wait3A_632 = tpu.memref_squeeze %dma_wait3A_631 : memref<1x320000xi32, #tpu.memory_space<hbm>> -> memref<320000xi32, #tpu.memory_space<hbm>>
        %dma_wait3A_633 = tpu.memref_slice %dma_wait3A_632[%mul3A_628] : memref<320000xi32, #tpu.memory_space<hbm>> -> memref<64xi32, #tpu.memory_space<hbm>>
        %dma_wait3A_634 = arith.constant 0 : i32
        %dma_wait3A_635 = tpu.memref_slice %arg3[%dma_wait3A_629, %dma_wait3A_634] : memref<2x320000xi32, #tpu.memory_space<hbm>> -> memref<1x320000xi32, #tpu.memory_space<hbm>>
        %dma_wait3A_636 = tpu.memref_squeeze %dma_wait3A_635 : memref<1x320000xi32, #tpu.memory_space<hbm>> -> memref<320000xi32, #tpu.memory_space<hbm>>
        %dma_wait3A_637 = tpu.memref_slice %dma_wait3A_636[%mul3A_628] : memref<320000xi32, #tpu.memory_space<hbm>> -> memref<64xi32, #tpu.memory_space<hbm>>
        tpu.wait_dma2 semaphore(%arg23 : memref<!tpu.dma_semaphore, #tpu.memory_space<semaphore_mem>>) src(%dma_wait3A_637 : memref<64xi32, #tpu.memory_space<hbm>>) dst(%arg10 : memref<64xi32, #tpu.memory_space<vmem>>)
        %dma_wait3A_638 = arith.constant 0 : i32
        %dma_wait3A_639 = arith.constant 0 : i32
        %dma_wait3A_640 = tpu.memref_slice %arg2[%dma_wait3A_638, %dma_wait3A_639] : memref<10000x128xf32, #tpu.memory_space<hbm>> -> memref<10000x128xf32, #tpu.memory_space<hbm>>
        tpu.wait_indirect_dma semaphore(%arg27 : memref<!tpu.dma_semaphore, #tpu.memory_space<semaphore_mem>>) src(%dma_wait3A_640 : memref<10000x128xf32, #tpu.memory_space<hbm>>) dst(%arg14 : memref<64x128xf32, #tpu.memory_space<vmem>>)
        %dma_start3A_641 = arith.constant 0 : i32
        %dma_start3A_642 = arith.constant 0 : i32
        %dma_start3A_643 = tpu.memref_slice %arg18[%dma_start3A_641, %dma_start3A_642] : memref<10240x128xf32, #tpu.memory_space<vmem_shared>> -> memref<10240x128xf32, #tpu.memory_space<vmem_shared>>
        tpu.enqueue_indirect_dma source(%arg14 : memref<64x128xf32, #tpu.memory_space<vmem>>) target(%dma_start3A_643 : memref<10240x128xf32, #tpu.memory_space<vmem_shared>>) offsets(%arg10 : memref<64xi32, #tpu.memory_space<vmem>>) semaphore(%arg31 : memref<!tpu.dma_semaphore, #tpu.memory_space<semaphore_mem>>) {add = true}
        %dma_wait3A_644 = arith.constant 0 : i32
        %dma_wait3A_645 = arith.constant 0 : i32
        %dma_wait3A_646 = tpu.memref_slice %arg18[%dma_wait3A_644, %dma_wait3A_645] : memref<10240x128xf32, #tpu.memory_space<vmem_shared>> -> memref<10240x128xf32, #tpu.memory_space<vmem_shared>>
        tpu.wait_indirect_dma semaphore(%arg33 : memref<!tpu.dma_semaphore, #tpu.memory_space<semaphore_mem>>) src(%arg16 : memref<64x128xf32, #tpu.memory_space<vmem>>) dst(%dma_wait3A_646 : memref<10240x128xf32, #tpu.memory_space<vmem_shared>>)
        %add3A_647 = arith.constant 2 : i32
        %add3A_648 = arith.addi %add3A_608, %add3A_647 : i32
        %add3A_649 = arith.addi %add3A_18, %add3A_648 : i32
        %mul3A_650 = arith.constant 64 : i32
        %mul3A_651 = arith.muli %add3A_649, %mul3A_650 : i32
        %dma_start3A_652 = arith.constant 1 : i32
        %dma_start3A_653 = arith.constant 0 : i32
        %dma_start3A_654 = tpu.memref_slice %arg3[%dma_start3A_652, %dma_start3A_653] : memref<2x320000xi32, #tpu.memory_space<hbm>> -> memref<1x320000xi32, #tpu.memory_space<hbm>>
        %dma_start3A_655 = tpu.memref_squeeze %dma_start3A_654 : memref<1x320000xi32, #tpu.memory_space<hbm>> -> memref<320000xi32, #tpu.memory_space<hbm>>
        %dma_start3A_656 = tpu.memref_slice %dma_start3A_655[%mul3A_651] : memref<320000xi32, #tpu.memory_space<hbm>> -> memref<64xi32, #tpu.memory_space<hbm>>
        %dma_start3A_657 = arith.constant 0 : i32
        %dma_start3A_658 = tpu.memref_slice %arg3[%dma_start3A_652, %dma_start3A_657] : memref<2x320000xi32, #tpu.memory_space<hbm>> -> memref<1x320000xi32, #tpu.memory_space<hbm>>
        %dma_start3A_659 = tpu.memref_squeeze %dma_start3A_658 : memref<1x320000xi32, #tpu.memory_space<hbm>> -> memref<320000xi32, #tpu.memory_space<hbm>>
        %dma_start3A_660 = tpu.memref_slice %dma_start3A_659[%mul3A_651] : memref<320000xi32, #tpu.memory_space<hbm>> -> memref<64xi32, #tpu.memory_space<hbm>>
        tpu.enqueue_dma source(%dma_start3A_660 : memref<64xi32, #tpu.memory_space<hbm>>) target(%arg9 : memref<64xi32, #tpu.memory_space<vmem>>) target_semaphore(%arg22 : memref<!tpu.dma_semaphore, #tpu.memory_space<semaphore_mem>>)
        %add3A_661 = arith.constant 1 : i32
        %add3A_662 = arith.addi %add3A_608, %add3A_661 : i32
        %add3A_663 = arith.addi %add3A_18, %add3A_662 : i32
        %mul3A_664 = arith.constant 64 : i32
        %mul3A_665 = arith.muli %add3A_663, %mul3A_664 : i32
        %dma_start3A_666 = arith.constant 0 : i32
        %dma_start3A_667 = arith.constant 0 : i32
        %dma_start3A_668 = tpu.memref_slice %arg3[%dma_start3A_666, %dma_start3A_667] : memref<2x320000xi32, #tpu.memory_space<hbm>> -> memref<1x320000xi32, #tpu.memory_space<hbm>>
        %dma_start3A_669 = tpu.memref_squeeze %dma_start3A_668 : memref<1x320000xi32, #tpu.memory_space<hbm>> -> memref<320000xi32, #tpu.memory_space<hbm>>
        %dma_start3A_670 = tpu.memref_slice %dma_start3A_669[%mul3A_665] : memref<320000xi32, #tpu.memory_space<hbm>> -> memref<64xi32, #tpu.memory_space<hbm>>
        %dma_start3A_671 = arith.constant 0 : i32
        %dma_start3A_672 = tpu.memref_slice %arg3[%dma_start3A_666, %dma_start3A_671] : memref<2x320000xi32, #tpu.memory_space<hbm>> -> memref<1x320000xi32, #tpu.memory_space<hbm>>
        %dma_start3A_673 = tpu.memref_squeeze %dma_start3A_672 : memref<1x320000xi32, #tpu.memory_space<hbm>> -> memref<320000xi32, #tpu.memory_space<hbm>>
        %dma_start3A_674 = tpu.memref_slice %dma_start3A_673[%mul3A_665] : memref<320000xi32, #tpu.memory_space<hbm>> -> memref<64xi32, #tpu.memory_space<hbm>>
        tpu.enqueue_dma source(%dma_start3A_674 : memref<64xi32, #tpu.memory_space<hbm>>) target(%arg12 : memref<64xi32, #tpu.memory_space<vmem>>) target_semaphore(%arg25 : memref<!tpu.dma_semaphore, #tpu.memory_space<semaphore_mem>>)
        %mul3A_675 = arith.constant 4 : i32
        %mul3A_676 = arith.muli %scan3A_534, %mul3A_675 : i32
        %add3A_677 = arith.constant 2 : i32
        %add3A_678 = arith.addi %mul3A_676, %add3A_677 : i32
        %add3A_679 = arith.addi %add3A_18, %add3A_678 : i32
        %mul3A_680 = arith.constant 64 : i32
        %mul3A_681 = arith.muli %add3A_679, %mul3A_680 : i32
        %dma_wait3A_682 = arith.constant 1 : i32
        %dma_wait3A_683 = arith.constant 0 : i32
        %dma_wait3A_684 = tpu.memref_slice %arg3[%dma_wait3A_682, %dma_wait3A_683] : memref<2x320000xi32, #tpu.memory_space<hbm>> -> memref<1x320000xi32, #tpu.memory_space<hbm>>
        %dma_wait3A_685 = tpu.memref_squeeze %dma_wait3A_684 : memref<1x320000xi32, #tpu.memory_space<hbm>> -> memref<320000xi32, #tpu.memory_space<hbm>>
        %dma_wait3A_686 = tpu.memref_slice %dma_wait3A_685[%mul3A_681] : memref<320000xi32, #tpu.memory_space<hbm>> -> memref<64xi32, #tpu.memory_space<hbm>>
        %dma_wait3A_687 = arith.constant 0 : i32
        %dma_wait3A_688 = tpu.memref_slice %arg3[%dma_wait3A_682, %dma_wait3A_687] : memref<2x320000xi32, #tpu.memory_space<hbm>> -> memref<1x320000xi32, #tpu.memory_space<hbm>>
        %dma_wait3A_689 = tpu.memref_squeeze %dma_wait3A_688 : memref<1x320000xi32, #tpu.memory_space<hbm>> -> memref<320000xi32, #tpu.memory_space<hbm>>
        %dma_wait3A_690 = tpu.memref_slice %dma_wait3A_689[%mul3A_681] : memref<320000xi32, #tpu.memory_space<hbm>> -> memref<64xi32, #tpu.memory_space<hbm>>
        tpu.wait_dma2 semaphore(%arg21 : memref<!tpu.dma_semaphore, #tpu.memory_space<semaphore_mem>>) src(%dma_wait3A_690 : memref<64xi32, #tpu.memory_space<hbm>>) dst(%arg8 : memref<64xi32, #tpu.memory_space<vmem>>)
        %dma_start3A_691 = arith.constant 0 : i32
        %dma_start3A_692 = arith.constant 0 : i32
        %dma_start3A_693 = tpu.memref_slice %arg2[%dma_start3A_691, %dma_start3A_692] : memref<10000x128xf32, #tpu.memory_space<hbm>> -> memref<10000x128xf32, #tpu.memory_space<hbm>>
        tpu.enqueue_indirect_dma source(%dma_start3A_693 : memref<10000x128xf32, #tpu.memory_space<hbm>>) target(%arg16 : memref<64x128xf32, #tpu.memory_space<vmem>>) offsets(%arg8 : memref<64xi32, #tpu.memory_space<vmem>>) semaphore(%arg29 : memref<!tpu.dma_semaphore, #tpu.memory_space<semaphore_mem>>)
        %sub3A_694 = arith.constant 1 : i32
        %sub3A_695 = arith.subi %add3A_678, %sub3A_694 : i32
        %add3A_696 = arith.addi %add3A_18, %sub3A_695 : i32
        %mul3A_697 = arith.constant 64 : i32
        %mul3A_698 = arith.muli %add3A_696, %mul3A_697 : i32
        %dma_wait3A_699 = arith.constant 0 : i32
        %dma_wait3A_700 = arith.constant 0 : i32
        %dma_wait3A_701 = tpu.memref_slice %arg3[%dma_wait3A_699, %dma_wait3A_700] : memref<2x320000xi32, #tpu.memory_space<hbm>> -> memref<1x320000xi32, #tpu.memory_space<hbm>>
        %dma_wait3A_702 = tpu.memref_squeeze %dma_wait3A_701 : memref<1x320000xi32, #tpu.memory_space<hbm>> -> memref<320000xi32, #tpu.memory_space<hbm>>
        %dma_wait3A_703 = tpu.memref_slice %dma_wait3A_702[%mul3A_698] : memref<320000xi32, #tpu.memory_space<hbm>> -> memref<64xi32, #tpu.memory_space<hbm>>
        %dma_wait3A_704 = arith.constant 0 : i32
        %dma_wait3A_705 = tpu.memref_slice %arg3[%dma_wait3A_699, %dma_wait3A_704] : memref<2x320000xi32, #tpu.memory_space<hbm>> -> memref<1x320000xi32, #tpu.memory_space<hbm>>
        %dma_wait3A_706 = tpu.memref_squeeze %dma_wait3A_705 : memref<1x320000xi32, #tpu.memory_space<hbm>> -> memref<320000xi32, #tpu.memory_space<hbm>>
        %dma_wait3A_707 = tpu.memref_slice %dma_wait3A_706[%mul3A_698] : memref<320000xi32, #tpu.memory_space<hbm>> -> memref<64xi32, #tpu.memory_space<hbm>>
        tpu.wait_dma2 semaphore(%arg24 : memref<!tpu.dma_semaphore, #tpu.memory_space<semaphore_mem>>) src(%dma_wait3A_707 : memref<64xi32, #tpu.memory_space<hbm>>) dst(%arg11 : memref<64xi32, #tpu.memory_space<vmem>>)
        %dma_wait3A_708 = arith.constant 0 : i32
        %dma_wait3A_709 = arith.constant 0 : i32
        %dma_wait3A_710 = tpu.memref_slice %arg2[%dma_wait3A_708, %dma_wait3A_709] : memref<10000x128xf32, #tpu.memory_space<hbm>> -> memref<10000x128xf32, #tpu.memory_space<hbm>>
        tpu.wait_indirect_dma semaphore(%arg28 : memref<!tpu.dma_semaphore, #tpu.memory_space<semaphore_mem>>) src(%dma_wait3A_710 : memref<10000x128xf32, #tpu.memory_space<hbm>>) dst(%arg15 : memref<64x128xf32, #tpu.memory_space<vmem>>)
        %dma_start3A_711 = arith.constant 0 : i32
        %dma_start3A_712 = arith.constant 0 : i32
        %dma_start3A_713 = tpu.memref_slice %arg18[%dma_start3A_711, %dma_start3A_712] : memref<10240x128xf32, #tpu.memory_space<vmem_shared>> -> memref<10240x128xf32, #tpu.memory_space<vmem_shared>>
        tpu.enqueue_indirect_dma source(%arg15 : memref<64x128xf32, #tpu.memory_space<vmem>>) target(%dma_start3A_713 : memref<10240x128xf32, #tpu.memory_space<vmem_shared>>) offsets(%arg11 : memref<64xi32, #tpu.memory_space<vmem>>) semaphore(%arg32 : memref<!tpu.dma_semaphore, #tpu.memory_space<semaphore_mem>>) {add = true}
        %dma_wait3A_714 = arith.constant 0 : i32
        %dma_wait3A_715 = arith.constant 0 : i32
        %dma_wait3A_716 = tpu.memref_slice %arg18[%dma_wait3A_714, %dma_wait3A_715] : memref<10240x128xf32, #tpu.memory_space<vmem_shared>> -> memref<10240x128xf32, #tpu.memory_space<vmem_shared>>
        tpu.wait_indirect_dma semaphore(%arg34 : memref<!tpu.dma_semaphore, #tpu.memory_space<semaphore_mem>>) src(%arg17 : memref<64x128xf32, #tpu.memory_space<vmem>>) dst(%dma_wait3A_716 : memref<10240x128xf32, #tpu.memory_space<vmem_shared>>)
        %add3A_717 = arith.constant 2 : i32
        %add3A_718 = arith.addi %add3A_678, %add3A_717 : i32
        %add3A_719 = arith.addi %add3A_18, %add3A_718 : i32
        %mul3A_720 = arith.constant 64 : i32
        %mul3A_721 = arith.muli %add3A_719, %mul3A_720 : i32
        %dma_start3A_722 = arith.constant 1 : i32
        %dma_start3A_723 = arith.constant 0 : i32
        %dma_start3A_724 = tpu.memref_slice %arg3[%dma_start3A_722, %dma_start3A_723] : memref<2x320000xi32, #tpu.memory_space<hbm>> -> memref<1x320000xi32, #tpu.memory_space<hbm>>
        %dma_start3A_725 = tpu.memref_squeeze %dma_start3A_724 : memref<1x320000xi32, #tpu.memory_space<hbm>> -> memref<320000xi32, #tpu.memory_space<hbm>>
        %dma_start3A_726 = tpu.memref_slice %dma_start3A_725[%mul3A_721] : memref<320000xi32, #tpu.memory_space<hbm>> -> memref<64xi32, #tpu.memory_space<hbm>>
        %dma_start3A_727 = arith.constant 0 : i32
        %dma_start3A_728 = tpu.memref_slice %arg3[%dma_start3A_722, %dma_start3A_727] : memref<2x320000xi32, #tpu.memory_space<hbm>> -> memref<1x320000xi32, #tpu.memory_space<hbm>>
        %dma_start3A_729 = tpu.memref_squeeze %dma_start3A_728 : memref<1x320000xi32, #tpu.memory_space<hbm>> -> memref<320000xi32, #tpu.memory_space<hbm>>
        %dma_start3A_730 = tpu.memref_slice %dma_start3A_729[%mul3A_721] : memref<320000xi32, #tpu.memory_space<hbm>> -> memref<64xi32, #tpu.memory_space<hbm>>
        tpu.enqueue_dma source(%dma_start3A_730 : memref<64xi32, #tpu.memory_space<hbm>>) target(%arg6 : memref<64xi32, #tpu.memory_space<vmem>>) target_semaphore(%arg19 : memref<!tpu.dma_semaphore, #tpu.memory_space<semaphore_mem>>)
        %add3A_731 = arith.constant 1 : i32
        %add3A_732 = arith.addi %add3A_678, %add3A_731 : i32
        %add3A_733 = arith.addi %add3A_18, %add3A_732 : i32
        %mul3A_734 = arith.constant 64 : i32
        %mul3A_735 = arith.muli %add3A_733, %mul3A_734 : i32
        %dma_start3A_736 = arith.constant 0 : i32
        %dma_start3A_737 = arith.constant 0 : i32
        %dma_start3A_738 = tpu.memref_slice %arg3[%dma_start3A_736, %dma_start3A_737] : memref<2x320000xi32, #tpu.memory_space<hbm>> -> memref<1x320000xi32, #tpu.memory_space<hbm>>
        %dma_start3A_739 = tpu.memref_squeeze %dma_start3A_738 : memref<1x320000xi32, #tpu.memory_space<hbm>> -> memref<320000xi32, #tpu.memory_space<hbm>>
        %dma_start3A_740 = tpu.memref_slice %dma_start3A_739[%mul3A_735] : memref<320000xi32, #tpu.memory_space<hbm>> -> memref<64xi32, #tpu.memory_space<hbm>>
        %dma_start3A_741 = arith.constant 0 : i32
        %dma_start3A_742 = tpu.memref_slice %arg3[%dma_start3A_736, %dma_start3A_741] : memref<2x320000xi32, #tpu.memory_space<hbm>> -> memref<1x320000xi32, #tpu.memory_space<hbm>>
        %dma_start3A_743 = tpu.memref_squeeze %dma_start3A_742 : memref<1x320000xi32, #tpu.memory_space<hbm>> -> memref<320000xi32, #tpu.memory_space<hbm>>
        %dma_start3A_744 = tpu.memref_slice %dma_start3A_743[%mul3A_735] : memref<320000xi32, #tpu.memory_space<hbm>> -> memref<64xi32, #tpu.memory_space<hbm>>
        tpu.enqueue_dma source(%dma_start3A_744 : memref<64xi32, #tpu.memory_space<hbm>>) target(%arg13 : memref<64xi32, #tpu.memory_space<vmem>>) target_semaphore(%arg26 : memref<!tpu.dma_semaphore, #tpu.memory_space<semaphore_mem>>)
        %mul3A_745 = arith.constant 4 : i32
        %mul3A_746 = arith.muli %scan3A_534, %mul3A_745 : i32
        %add3A_747 = arith.constant 3 : i32
        %add3A_748 = arith.addi %mul3A_746, %add3A_747 : i32
        %add3A_749 = arith.addi %add3A_18, %add3A_748 : i32
        %mul3A_750 = arith.constant 64 : i32
        %mul3A_751 = arith.muli %add3A_749, %mul3A_750 : i32
        %dma_wait3A_752 = arith.constant 1 : i32
        %dma_wait3A_753 = arith.constant 0 : i32
        %dma_wait3A_754 = tpu.memref_slice %arg3[%dma_wait3A_752, %dma_wait3A_753] : memref<2x320000xi32, #tpu.memory_space<hbm>> -> memref<1x320000xi32, #tpu.memory_space<hbm>>
        %dma_wait3A_755 = tpu.memref_squeeze %dma_wait3A_754 : memref<1x320000xi32, #tpu.memory_space<hbm>> -> memref<320000xi32, #tpu.memory_space<hbm>>
        %dma_wait3A_756 = tpu.memref_slice %dma_wait3A_755[%mul3A_751] : memref<320000xi32, #tpu.memory_space<hbm>> -> memref<64xi32, #tpu.memory_space<hbm>>
        %dma_wait3A_757 = arith.constant 0 : i32
        %dma_wait3A_758 = tpu.memref_slice %arg3[%dma_wait3A_752, %dma_wait3A_757] : memref<2x320000xi32, #tpu.memory_space<hbm>> -> memref<1x320000xi32, #tpu.memory_space<hbm>>
        %dma_wait3A_759 = tpu.memref_squeeze %dma_wait3A_758 : memref<1x320000xi32, #tpu.memory_space<hbm>> -> memref<320000xi32, #tpu.memory_space<hbm>>
        %dma_wait3A_760 = tpu.memref_slice %dma_wait3A_759[%mul3A_751] : memref<320000xi32, #tpu.memory_space<hbm>> -> memref<64xi32, #tpu.memory_space<hbm>>
        tpu.wait_dma2 semaphore(%arg22 : memref<!tpu.dma_semaphore, #tpu.memory_space<semaphore_mem>>) src(%dma_wait3A_760 : memref<64xi32, #tpu.memory_space<hbm>>) dst(%arg9 : memref<64xi32, #tpu.memory_space<vmem>>)
        %dma_start3A_761 = arith.constant 0 : i32
        %dma_start3A_762 = arith.constant 0 : i32
        %dma_start3A_763 = tpu.memref_slice %arg2[%dma_start3A_761, %dma_start3A_762] : memref<10000x128xf32, #tpu.memory_space<hbm>> -> memref<10000x128xf32, #tpu.memory_space<hbm>>
        tpu.enqueue_indirect_dma source(%dma_start3A_763 : memref<10000x128xf32, #tpu.memory_space<hbm>>) target(%arg17 : memref<64x128xf32, #tpu.memory_space<vmem>>) offsets(%arg9 : memref<64xi32, #tpu.memory_space<vmem>>) semaphore(%arg30 : memref<!tpu.dma_semaphore, #tpu.memory_space<semaphore_mem>>)
        %sub3A_764 = arith.constant 1 : i32
        %sub3A_765 = arith.subi %add3A_748, %sub3A_764 : i32
        %add3A_766 = arith.addi %add3A_18, %sub3A_765 : i32
        %mul3A_767 = arith.constant 64 : i32
        %mul3A_768 = arith.muli %add3A_766, %mul3A_767 : i32
        %dma_wait3A_769 = arith.constant 0 : i32
        %dma_wait3A_770 = arith.constant 0 : i32
        %dma_wait3A_771 = tpu.memref_slice %arg3[%dma_wait3A_769, %dma_wait3A_770] : memref<2x320000xi32, #tpu.memory_space<hbm>> -> memref<1x320000xi32, #tpu.memory_space<hbm>>
        %dma_wait3A_772 = tpu.memref_squeeze %dma_wait3A_771 : memref<1x320000xi32, #tpu.memory_space<hbm>> -> memref<320000xi32, #tpu.memory_space<hbm>>
        %dma_wait3A_773 = tpu.memref_slice %dma_wait3A_772[%mul3A_768] : memref<320000xi32, #tpu.memory_space<hbm>> -> memref<64xi32, #tpu.memory_space<hbm>>
        %dma_wait3A_774 = arith.constant 0 : i32
        %dma_wait3A_775 = tpu.memref_slice %arg3[%dma_wait3A_769, %dma_wait3A_774] : memref<2x320000xi32, #tpu.memory_space<hbm>> -> memref<1x320000xi32, #tpu.memory_space<hbm>>
        %dma_wait3A_776 = tpu.memref_squeeze %dma_wait3A_775 : memref<1x320000xi32, #tpu.memory_space<hbm>> -> memref<320000xi32, #tpu.memory_space<hbm>>
        %dma_wait3A_777 = tpu.memref_slice %dma_wait3A_776[%mul3A_768] : memref<320000xi32, #tpu.memory_space<hbm>> -> memref<64xi32, #tpu.memory_space<hbm>>
        tpu.wait_dma2 semaphore(%arg25 : memref<!tpu.dma_semaphore, #tpu.memory_space<semaphore_mem>>) src(%dma_wait3A_777 : memref<64xi32, #tpu.memory_space<hbm>>) dst(%arg12 : memref<64xi32, #tpu.memory_space<vmem>>)
        %dma_wait3A_778 = arith.constant 0 : i32
        %dma_wait3A_779 = arith.constant 0 : i32
        %dma_wait3A_780 = tpu.memref_slice %arg2[%dma_wait3A_778, %dma_wait3A_779] : memref<10000x128xf32, #tpu.memory_space<hbm>> -> memref<10000x128xf32, #tpu.memory_space<hbm>>
        tpu.wait_indirect_dma semaphore(%arg29 : memref<!tpu.dma_semaphore, #tpu.memory_space<semaphore_mem>>) src(%dma_wait3A_780 : memref<10000x128xf32, #tpu.memory_space<hbm>>) dst(%arg16 : memref<64x128xf32, #tpu.memory_space<vmem>>)
        %dma_start3A_781 = arith.constant 0 : i32
        %dma_start3A_782 = arith.constant 0 : i32
        %dma_start3A_783 = tpu.memref_slice %arg18[%dma_start3A_781, %dma_start3A_782] : memref<10240x128xf32, #tpu.memory_space<vmem_shared>> -> memref<10240x128xf32, #tpu.memory_space<vmem_shared>>
        tpu.enqueue_indirect_dma source(%arg16 : memref<64x128xf32, #tpu.memory_space<vmem>>) target(%dma_start3A_783 : memref<10240x128xf32, #tpu.memory_space<vmem_shared>>) offsets(%arg12 : memref<64xi32, #tpu.memory_space<vmem>>) semaphore(%arg33 : memref<!tpu.dma_semaphore, #tpu.memory_space<semaphore_mem>>) {add = true}
        %dma_wait3A_784 = arith.constant 0 : i32
        %dma_wait3A_785 = arith.constant 0 : i32
        %dma_wait3A_786 = tpu.memref_slice %arg18[%dma_wait3A_784, %dma_wait3A_785] : memref<10240x128xf32, #tpu.memory_space<vmem_shared>> -> memref<10240x128xf32, #tpu.memory_space<vmem_shared>>
        tpu.wait_indirect_dma semaphore(%arg31 : memref<!tpu.dma_semaphore, #tpu.memory_space<semaphore_mem>>) src(%arg14 : memref<64x128xf32, #tpu.memory_space<vmem>>) dst(%dma_wait3A_786 : memref<10240x128xf32, #tpu.memory_space<vmem_shared>>)
        %add3A_787 = arith.constant 2 : i32
        %add3A_788 = arith.addi %add3A_748, %add3A_787 : i32
        %add3A_789 = arith.addi %add3A_18, %add3A_788 : i32
        %mul3A_790 = arith.constant 64 : i32
        %mul3A_791 = arith.muli %add3A_789, %mul3A_790 : i32
        %dma_start3A_792 = arith.constant 1 : i32
        %dma_start3A_793 = arith.constant 0 : i32
        %dma_start3A_794 = tpu.memref_slice %arg3[%dma_start3A_792, %dma_start3A_793] : memref<2x320000xi32, #tpu.memory_space<hbm>> -> memref<1x320000xi32, #tpu.memory_space<hbm>>
        %dma_start3A_795 = tpu.memref_squeeze %dma_start3A_794 : memref<1x320000xi32, #tpu.memory_space<hbm>> -> memref<320000xi32, #tpu.memory_space<hbm>>
        %dma_start3A_796 = tpu.memref_slice %dma_start3A_795[%mul3A_791] : memref<320000xi32, #tpu.memory_space<hbm>> -> memref<64xi32, #tpu.memory_space<hbm>>
        %dma_start3A_797 = arith.constant 0 : i32
        %dma_start3A_798 = tpu.memref_slice %arg3[%dma_start3A_792, %dma_start3A_797] : memref<2x320000xi32, #tpu.memory_space<hbm>> -> memref<1x320000xi32, #tpu.memory_space<hbm>>
        %dma_start3A_799 = tpu.memref_squeeze %dma_start3A_798 : memref<1x320000xi32, #tpu.memory_space<hbm>> -> memref<320000xi32, #tpu.memory_space<hbm>>
        %dma_start3A_800 = tpu.memref_slice %dma_start3A_799[%mul3A_791] : memref<320000xi32, #tpu.memory_space<hbm>> -> memref<64xi32, #tpu.memory_space<hbm>>
        tpu.enqueue_dma source(%dma_start3A_800 : memref<64xi32, #tpu.memory_space<hbm>>) target(%arg7 : memref<64xi32, #tpu.memory_space<vmem>>) target_semaphore(%arg20 : memref<!tpu.dma_semaphore, #tpu.memory_space<semaphore_mem>>)
        %add3A_801 = arith.constant 1 : i32
        %add3A_802 = arith.addi %add3A_748, %add3A_801 : i32
        %add3A_803 = arith.addi %add3A_18, %add3A_802 : i32
        %mul3A_804 = arith.constant 64 : i32
        %mul3A_805 = arith.muli %add3A_803, %mul3A_804 : i32
        %dma_start3A_806 = arith.constant 0 : i32
        %dma_start3A_807 = arith.constant 0 : i32
        %dma_start3A_808 = tpu.memref_slice %arg3[%dma_start3A_806, %dma_start3A_807] : memref<2x320000xi32, #tpu.memory_space<hbm>> -> memref<1x320000xi32, #tpu.memory_space<hbm>>
        %dma_start3A_809 = tpu.memref_squeeze %dma_start3A_808 : memref<1x320000xi32, #tpu.memory_space<hbm>> -> memref<320000xi32, #tpu.memory_space<hbm>>
        %dma_start3A_810 = tpu.memref_slice %dma_start3A_809[%mul3A_805] : memref<320000xi32, #tpu.memory_space<hbm>> -> memref<64xi32, #tpu.memory_space<hbm>>
        %dma_start3A_811 = arith.constant 0 : i32
        %dma_start3A_812 = tpu.memref_slice %arg3[%dma_start3A_806, %dma_start3A_811] : memref<2x320000xi32, #tpu.memory_space<hbm>> -> memref<1x320000xi32, #tpu.memory_space<hbm>>
        %dma_start3A_813 = tpu.memref_squeeze %dma_start3A_812 : memref<1x320000xi32, #tpu.memory_space<hbm>> -> memref<320000xi32, #tpu.memory_space<hbm>>
        %dma_start3A_814 = tpu.memref_slice %dma_start3A_813[%mul3A_805] : memref<320000xi32, #tpu.memory_space<hbm>> -> memref<64xi32, #tpu.memory_space<hbm>>
        tpu.enqueue_dma source(%dma_start3A_814 : memref<64xi32, #tpu.memory_space<hbm>>) target(%arg10 : memref<64xi32, #tpu.memory_space<vmem>>) target_semaphore(%arg23 : memref<!tpu.dma_semaphore, #tpu.memory_space<semaphore_mem>>)
      }
      %scan3A_288 = arith.constant 37 : i32
      %add3A_289 = arith.constant 152 : i32
      %add3A_290 = arith.addi %add3A_18, %add3A_289 : i32
      %mul3A_291 = arith.constant 64 : i32
      %mul3A_292 = arith.muli %add3A_290, %mul3A_291 : i32
      %dma_wait3A_293 = arith.constant 1 : i32
      %dma_wait3A_294 = arith.constant 0 : i32
      %dma_wait3A_295 = tpu.memref_slice %arg3[%dma_wait3A_293, %dma_wait3A_294] : memref<2x320000xi32, #tpu.memory_space<hbm>> -> memref<1x320000xi32, #tpu.memory_space<hbm>>
      %dma_wait3A_296 = tpu.memref_squeeze %dma_wait3A_295 : memref<1x320000xi32, #tpu.memory_space<hbm>> -> memref<320000xi32, #tpu.memory_space<hbm>>
      %dma_wait3A_297 = tpu.memref_slice %dma_wait3A_296[%mul3A_292] : memref<320000xi32, #tpu.memory_space<hbm>> -> memref<64xi32, #tpu.memory_space<hbm>>
      %dma_wait3A_298 = arith.constant 0 : i32
      %dma_wait3A_299 = tpu.memref_slice %arg3[%dma_wait3A_293, %dma_wait3A_298] : memref<2x320000xi32, #tpu.memory_space<hbm>> -> memref<1x320000xi32, #tpu.memory_space<hbm>>
      %dma_wait3A_300 = tpu.memref_squeeze %dma_wait3A_299 : memref<1x320000xi32, #tpu.memory_space<hbm>> -> memref<320000xi32, #tpu.memory_space<hbm>>
      %dma_wait3A_301 = tpu.memref_slice %dma_wait3A_300[%mul3A_292] : memref<320000xi32, #tpu.memory_space<hbm>> -> memref<64xi32, #tpu.memory_space<hbm>>
      tpu.wait_dma2 semaphore(%arg19 : memref<!tpu.dma_semaphore, #tpu.memory_space<semaphore_mem>>) src(%dma_wait3A_301 : memref<64xi32, #tpu.memory_space<hbm>>) dst(%arg6 : memref<64xi32, #tpu.memory_space<vmem>>)
      %dma_start3A_302 = arith.constant 0 : i32
      %dma_start3A_303 = arith.constant 0 : i32
      %dma_start3A_304 = tpu.memref_slice %arg2[%dma_start3A_302, %dma_start3A_303] : memref<10000x128xf32, #tpu.memory_space<hbm>> -> memref<10000x128xf32, #tpu.memory_space<hbm>>
      tpu.enqueue_indirect_dma source(%dma_start3A_304 : memref<10000x128xf32, #tpu.memory_space<hbm>>) target(%arg14 : memref<64x128xf32, #tpu.memory_space<vmem>>) offsets(%arg6 : memref<64xi32, #tpu.memory_space<vmem>>) semaphore(%arg27 : memref<!tpu.dma_semaphore, #tpu.memory_space<semaphore_mem>>)
      %add3A_305 = arith.constant 151 : i32
      %add3A_306 = arith.addi %add3A_18, %add3A_305 : i32
      %mul3A_307 = arith.constant 64 : i32
      %mul3A_308 = arith.muli %add3A_306, %mul3A_307 : i32
      %dma_wait3A_309 = arith.constant 0 : i32
      %dma_wait3A_310 = arith.constant 0 : i32
      %dma_wait3A_311 = tpu.memref_slice %arg3[%dma_wait3A_309, %dma_wait3A_310] : memref<2x320000xi32, #tpu.memory_space<hbm>> -> memref<1x320000xi32, #tpu.memory_space<hbm>>
      %dma_wait3A_312 = tpu.memref_squeeze %dma_wait3A_311 : memref<1x320000xi32, #tpu.memory_space<hbm>> -> memref<320000xi32, #tpu.memory_space<hbm>>
      %dma_wait3A_313 = tpu.memref_slice %dma_wait3A_312[%mul3A_308] : memref<320000xi32, #tpu.memory_space<hbm>> -> memref<64xi32, #tpu.memory_space<hbm>>
      %dma_wait3A_314 = arith.constant 0 : i32
      %dma_wait3A_315 = tpu.memref_slice %arg3[%dma_wait3A_309, %dma_wait3A_314] : memref<2x320000xi32, #tpu.memory_space<hbm>> -> memref<1x320000xi32, #tpu.memory_space<hbm>>
      %dma_wait3A_316 = tpu.memref_squeeze %dma_wait3A_315 : memref<1x320000xi32, #tpu.memory_space<hbm>> -> memref<320000xi32, #tpu.memory_space<hbm>>
      %dma_wait3A_317 = tpu.memref_slice %dma_wait3A_316[%mul3A_308] : memref<320000xi32, #tpu.memory_space<hbm>> -> memref<64xi32, #tpu.memory_space<hbm>>
      tpu.wait_dma2 semaphore(%arg26 : memref<!tpu.dma_semaphore, #tpu.memory_space<semaphore_mem>>) src(%dma_wait3A_317 : memref<64xi32, #tpu.memory_space<hbm>>) dst(%arg13 : memref<64xi32, #tpu.memory_space<vmem>>)
      %dma_wait3A_318 = arith.constant 0 : i32
      %dma_wait3A_319 = arith.constant 0 : i32
      %dma_wait3A_320 = tpu.memref_slice %arg2[%dma_wait3A_318, %dma_wait3A_319] : memref<10000x128xf32, #tpu.memory_space<hbm>> -> memref<10000x128xf32, #tpu.memory_space<hbm>>
      tpu.wait_indirect_dma semaphore(%arg30 : memref<!tpu.dma_semaphore, #tpu.memory_space<semaphore_mem>>) src(%dma_wait3A_320 : memref<10000x128xf32, #tpu.memory_space<hbm>>) dst(%arg17 : memref<64x128xf32, #tpu.memory_space<vmem>>)
      %dma_start3A_321 = arith.constant 0 : i32
      %dma_start3A_322 = arith.constant 0 : i32
      %dma_start3A_323 = tpu.memref_slice %arg18[%dma_start3A_321, %dma_start3A_322] : memref<10240x128xf32, #tpu.memory_space<vmem_shared>> -> memref<10240x128xf32, #tpu.memory_space<vmem_shared>>
      tpu.enqueue_indirect_dma source(%arg17 : memref<64x128xf32, #tpu.memory_space<vmem>>) target(%dma_start3A_323 : memref<10240x128xf32, #tpu.memory_space<vmem_shared>>) offsets(%arg13 : memref<64xi32, #tpu.memory_space<vmem>>) semaphore(%arg34 : memref<!tpu.dma_semaphore, #tpu.memory_space<semaphore_mem>>) {add = true}
      %dma_wait3A_324 = arith.constant 0 : i32
      %dma_wait3A_325 = arith.constant 0 : i32
      %dma_wait3A_326 = tpu.memref_slice %arg18[%dma_wait3A_324, %dma_wait3A_325] : memref<10240x128xf32, #tpu.memory_space<vmem_shared>> -> memref<10240x128xf32, #tpu.memory_space<vmem_shared>>
      tpu.wait_indirect_dma semaphore(%arg32 : memref<!tpu.dma_semaphore, #tpu.memory_space<semaphore_mem>>) src(%arg15 : memref<64x128xf32, #tpu.memory_space<vmem>>) dst(%dma_wait3A_326 : memref<10240x128xf32, #tpu.memory_space<vmem_shared>>)
      %add3A_327 = arith.constant 154 : i32
      %add3A_328 = arith.addi %add3A_18, %add3A_327 : i32
      %mul3A_329 = arith.constant 64 : i32
      %mul3A_330 = arith.muli %add3A_328, %mul3A_329 : i32
      %dma_start3A_331 = arith.constant 1 : i32
      %dma_start3A_332 = arith.constant 0 : i32
      %dma_start3A_333 = tpu.memref_slice %arg3[%dma_start3A_331, %dma_start3A_332] : memref<2x320000xi32, #tpu.memory_space<hbm>> -> memref<1x320000xi32, #tpu.memory_space<hbm>>
      %dma_start3A_334 = tpu.memref_squeeze %dma_start3A_333 : memref<1x320000xi32, #tpu.memory_space<hbm>> -> memref<320000xi32, #tpu.memory_space<hbm>>
      %dma_start3A_335 = tpu.memref_slice %dma_start3A_334[%mul3A_330] : memref<320000xi32, #tpu.memory_space<hbm>> -> memref<64xi32, #tpu.memory_space<hbm>>
      %dma_start3A_336 = arith.constant 0 : i32
      %dma_start3A_337 = tpu.memref_slice %arg3[%dma_start3A_331, %dma_start3A_336] : memref<2x320000xi32, #tpu.memory_space<hbm>> -> memref<1x320000xi32, #tpu.memory_space<hbm>>
      %dma_start3A_338 = tpu.memref_squeeze %dma_start3A_337 : memref<1x320000xi32, #tpu.memory_space<hbm>> -> memref<320000xi32, #tpu.memory_space<hbm>>
      %dma_start3A_339 = tpu.memref_slice %dma_start3A_338[%mul3A_330] : memref<320000xi32, #tpu.memory_space<hbm>> -> memref<64xi32, #tpu.memory_space<hbm>>
      tpu.enqueue_dma source(%dma_start3A_339 : memref<64xi32, #tpu.memory_space<hbm>>) target(%arg8 : memref<64xi32, #tpu.memory_space<vmem>>) target_semaphore(%arg21 : memref<!tpu.dma_semaphore, #tpu.memory_space<semaphore_mem>>)
      %add3A_340 = arith.constant 153 : i32
      %add3A_341 = arith.addi %add3A_18, %add3A_340 : i32
      %mul3A_342 = arith.constant 64 : i32
      %mul3A_343 = arith.muli %add3A_341, %mul3A_342 : i32
      %dma_start3A_344 = arith.constant 0 : i32
      %dma_start3A_345 = arith.constant 0 : i32
      %dma_start3A_346 = tpu.memref_slice %arg3[%dma_start3A_344, %dma_start3A_345] : memref<2x320000xi32, #tpu.memory_space<hbm>> -> memref<1x320000xi32, #tpu.memory_space<hbm>>
      %dma_start3A_347 = tpu.memref_squeeze %dma_start3A_346 : memref<1x320000xi32, #tpu.memory_space<hbm>> -> memref<320000xi32, #tpu.memory_space<hbm>>
      %dma_start3A_348 = tpu.memref_slice %dma_start3A_347[%mul3A_343] : memref<320000xi32, #tpu.memory_space<hbm>> -> memref<64xi32, #tpu.memory_space<hbm>>
      %dma_start3A_349 = arith.constant 0 : i32
      %dma_start3A_350 = tpu.memref_slice %arg3[%dma_start3A_344, %dma_start3A_349] : memref<2x320000xi32, #tpu.memory_space<hbm>> -> memref<1x320000xi32, #tpu.memory_space<hbm>>
      %dma_start3A_351 = tpu.memref_squeeze %dma_start3A_350 : memref<1x320000xi32, #tpu.memory_space<hbm>> -> memref<320000xi32, #tpu.memory_space<hbm>>
      %dma_start3A_352 = tpu.memref_slice %dma_start3A_351[%mul3A_343] : memref<320000xi32, #tpu.memory_space<hbm>> -> memref<64xi32, #tpu.memory_space<hbm>>
      tpu.enqueue_dma source(%dma_start3A_352 : memref<64xi32, #tpu.memory_space<hbm>>) target(%arg11 : memref<64xi32, #tpu.memory_space<vmem>>) target_semaphore(%arg24 : memref<!tpu.dma_semaphore, #tpu.memory_space<semaphore_mem>>)
      %add3A_353 = arith.constant 153 : i32
      %add3A_354 = arith.addi %add3A_18, %add3A_353 : i32
      %mul3A_355 = arith.constant 64 : i32
      %mul3A_356 = arith.muli %add3A_354, %mul3A_355 : i32
      %dma_wait3A_357 = arith.constant 1 : i32
      %dma_wait3A_358 = arith.constant 0 : i32
      %dma_wait3A_359 = tpu.memref_slice %arg3[%dma_wait3A_357, %dma_wait3A_358] : memref<2x320000xi32, #tpu.memory_space<hbm>> -> memref<1x320000xi32, #tpu.memory_space<hbm>>
      %dma_wait3A_360 = tpu.memref_squeeze %dma_wait3A_359 : memref<1x320000xi32, #tpu.memory_space<hbm>> -> memref<320000xi32, #tpu.memory_space<hbm>>
      %dma_wait3A_361 = tpu.memref_slice %dma_wait3A_360[%mul3A_356] : memref<320000xi32, #tpu.memory_space<hbm>> -> memref<64xi32, #tpu.memory_space<hbm>>
      %dma_wait3A_362 = arith.constant 0 : i32
      %dma_wait3A_363 = tpu.memref_slice %arg3[%dma_wait3A_357, %dma_wait3A_362] : memref<2x320000xi32, #tpu.memory_space<hbm>> -> memref<1x320000xi32, #tpu.memory_space<hbm>>
      %dma_wait3A_364 = tpu.memref_squeeze %dma_wait3A_363 : memref<1x320000xi32, #tpu.memory_space<hbm>> -> memref<320000xi32, #tpu.memory_space<hbm>>
      %dma_wait3A_365 = tpu.memref_slice %dma_wait3A_364[%mul3A_356] : memref<320000xi32, #tpu.memory_space<hbm>> -> memref<64xi32, #tpu.memory_space<hbm>>
      tpu.wait_dma2 semaphore(%arg20 : memref<!tpu.dma_semaphore, #tpu.memory_space<semaphore_mem>>) src(%dma_wait3A_365 : memref<64xi32, #tpu.memory_space<hbm>>) dst(%arg7 : memref<64xi32, #tpu.memory_space<vmem>>)
      %dma_start3A_366 = arith.constant 0 : i32
      %dma_start3A_367 = arith.constant 0 : i32
      %dma_start3A_368 = tpu.memref_slice %arg2[%dma_start3A_366, %dma_start3A_367] : memref<10000x128xf32, #tpu.memory_space<hbm>> -> memref<10000x128xf32, #tpu.memory_space<hbm>>
      tpu.enqueue_indirect_dma source(%dma_start3A_368 : memref<10000x128xf32, #tpu.memory_space<hbm>>) target(%arg15 : memref<64x128xf32, #tpu.memory_space<vmem>>) offsets(%arg7 : memref<64xi32, #tpu.memory_space<vmem>>) semaphore(%arg28 : memref<!tpu.dma_semaphore, #tpu.memory_space<semaphore_mem>>)
      %add3A_369 = arith.constant 152 : i32
      %add3A_370 = arith.addi %add3A_18, %add3A_369 : i32
      %mul3A_371 = arith.constant 64 : i32
      %mul3A_372 = arith.muli %add3A_370, %mul3A_371 : i32
      %dma_wait3A_373 = arith.constant 0 : i32
      %dma_wait3A_374 = arith.constant 0 : i32
      %dma_wait3A_375 = tpu.memref_slice %arg3[%dma_wait3A_373, %dma_wait3A_374] : memref<2x320000xi32, #tpu.memory_space<hbm>> -> memref<1x320000xi32, #tpu.memory_space<hbm>>
      %dma_wait3A_376 = tpu.memref_squeeze %dma_wait3A_375 : memref<1x320000xi32, #tpu.memory_space<hbm>> -> memref<320000xi32, #tpu.memory_space<hbm>>
      %dma_wait3A_377 = tpu.memref_slice %dma_wait3A_376[%mul3A_372] : memref<320000xi32, #tpu.memory_space<hbm>> -> memref<64xi32, #tpu.memory_space<hbm>>
      %dma_wait3A_378 = arith.constant 0 : i32
      %dma_wait3A_379 = tpu.memref_slice %arg3[%dma_wait3A_373, %dma_wait3A_378] : memref<2x320000xi32, #tpu.memory_space<hbm>> -> memref<1x320000xi32, #tpu.memory_space<hbm>>
      %dma_wait3A_380 = tpu.memref_squeeze %dma_wait3A_379 : memref<1x320000xi32, #tpu.memory_space<hbm>> -> memref<320000xi32, #tpu.memory_space<hbm>>
      %dma_wait3A_381 = tpu.memref_slice %dma_wait3A_380[%mul3A_372] : memref<320000xi32, #tpu.memory_space<hbm>> -> memref<64xi32, #tpu.memory_space<hbm>>
      tpu.wait_dma2 semaphore(%arg23 : memref<!tpu.dma_semaphore, #tpu.memory_space<semaphore_mem>>) src(%dma_wait3A_381 : memref<64xi32, #tpu.memory_space<hbm>>) dst(%arg10 : memref<64xi32, #tpu.memory_space<vmem>>)
      %dma_wait3A_382 = arith.constant 0 : i32
      %dma_wait3A_383 = arith.constant 0 : i32
      %dma_wait3A_384 = tpu.memref_slice %arg2[%dma_wait3A_382, %dma_wait3A_383] : memref<10000x128xf32, #tpu.memory_space<hbm>> -> memref<10000x128xf32, #tpu.memory_space<hbm>>
      tpu.wait_indirect_dma semaphore(%arg27 : memref<!tpu.dma_semaphore, #tpu.memory_space<semaphore_mem>>) src(%dma_wait3A_384 : memref<10000x128xf32, #tpu.memory_space<hbm>>) dst(%arg14 : memref<64x128xf32, #tpu.memory_space<vmem>>)
      %dma_start3A_385 = arith.constant 0 : i32
      %dma_start3A_386 = arith.constant 0 : i32
      %dma_start3A_387 = tpu.memref_slice %arg18[%dma_start3A_385, %dma_start3A_386] : memref<10240x128xf32, #tpu.memory_space<vmem_shared>> -> memref<10240x128xf32, #tpu.memory_space<vmem_shared>>
      tpu.enqueue_indirect_dma source(%arg14 : memref<64x128xf32, #tpu.memory_space<vmem>>) target(%dma_start3A_387 : memref<10240x128xf32, #tpu.memory_space<vmem_shared>>) offsets(%arg10 : memref<64xi32, #tpu.memory_space<vmem>>) semaphore(%arg31 : memref<!tpu.dma_semaphore, #tpu.memory_space<semaphore_mem>>) {add = true}
      %dma_wait3A_388 = arith.constant 0 : i32
      %dma_wait3A_389 = arith.constant 0 : i32
      %dma_wait3A_390 = tpu.memref_slice %arg18[%dma_wait3A_388, %dma_wait3A_389] : memref<10240x128xf32, #tpu.memory_space<vmem_shared>> -> memref<10240x128xf32, #tpu.memory_space<vmem_shared>>
      tpu.wait_indirect_dma semaphore(%arg33 : memref<!tpu.dma_semaphore, #tpu.memory_space<semaphore_mem>>) src(%arg16 : memref<64x128xf32, #tpu.memory_space<vmem>>) dst(%dma_wait3A_390 : memref<10240x128xf32, #tpu.memory_space<vmem_shared>>)
      %add3A_391 = arith.constant 155 : i32
      %add3A_392 = arith.addi %add3A_18, %add3A_391 : i32
      %mul3A_393 = arith.constant 64 : i32
      %mul3A_394 = arith.muli %add3A_392, %mul3A_393 : i32
      %dma_start3A_395 = arith.constant 1 : i32
      %dma_start3A_396 = arith.constant 0 : i32
      %dma_start3A_397 = tpu.memref_slice %arg3[%dma_start3A_395, %dma_start3A_396] : memref<2x320000xi32, #tpu.memory_space<hbm>> -> memref<1x320000xi32, #tpu.memory_space<hbm>>
      %dma_start3A_398 = tpu.memref_squeeze %dma_start3A_397 : memref<1x320000xi32, #tpu.memory_space<hbm>> -> memref<320000xi32, #tpu.memory_space<hbm>>
      %dma_start3A_399 = tpu.memref_slice %dma_start3A_398[%mul3A_394] : memref<320000xi32, #tpu.memory_space<hbm>> -> memref<64xi32, #tpu.memory_space<hbm>>
      %dma_start3A_400 = arith.constant 0 : i32
      %dma_start3A_401 = tpu.memref_slice %arg3[%dma_start3A_395, %dma_start3A_400] : memref<2x320000xi32, #tpu.memory_space<hbm>> -> memref<1x320000xi32, #tpu.memory_space<hbm>>
      %dma_start3A_402 = tpu.memref_squeeze %dma_start3A_401 : memref<1x320000xi32, #tpu.memory_space<hbm>> -> memref<320000xi32, #tpu.memory_space<hbm>>
      %dma_start3A_403 = tpu.memref_slice %dma_start3A_402[%mul3A_394] : memref<320000xi32, #tpu.memory_space<hbm>> -> memref<64xi32, #tpu.memory_space<hbm>>
      tpu.enqueue_dma source(%dma_start3A_403 : memref<64xi32, #tpu.memory_space<hbm>>) target(%arg9 : memref<64xi32, #tpu.memory_space<vmem>>) target_semaphore(%arg22 : memref<!tpu.dma_semaphore, #tpu.memory_space<semaphore_mem>>)
      %add3A_404 = arith.constant 154 : i32
      %add3A_405 = arith.addi %add3A_18, %add3A_404 : i32
      %mul3A_406 = arith.constant 64 : i32
      %mul3A_407 = arith.muli %add3A_405, %mul3A_406 : i32
      %dma_start3A_408 = arith.constant 0 : i32
      %dma_start3A_409 = arith.constant 0 : i32
      %dma_start3A_410 = tpu.memref_slice %arg3[%dma_start3A_408, %dma_start3A_409] : memref<2x320000xi32, #tpu.memory_space<hbm>> -> memref<1x320000xi32, #tpu.memory_space<hbm>>
      %dma_start3A_411 = tpu.memref_squeeze %dma_start3A_410 : memref<1x320000xi32, #tpu.memory_space<hbm>> -> memref<320000xi32, #tpu.memory_space<hbm>>
      %dma_start3A_412 = tpu.memref_slice %dma_start3A_411[%mul3A_407] : memref<320000xi32, #tpu.memory_space<hbm>> -> memref<64xi32, #tpu.memory_space<hbm>>
      %dma_start3A_413 = arith.constant 0 : i32
      %dma_start3A_414 = tpu.memref_slice %arg3[%dma_start3A_408, %dma_start3A_413] : memref<2x320000xi32, #tpu.memory_space<hbm>> -> memref<1x320000xi32, #tpu.memory_space<hbm>>
      %dma_start3A_415 = tpu.memref_squeeze %dma_start3A_414 : memref<1x320000xi32, #tpu.memory_space<hbm>> -> memref<320000xi32, #tpu.memory_space<hbm>>
      %dma_start3A_416 = tpu.memref_slice %dma_start3A_415[%mul3A_407] : memref<320000xi32, #tpu.memory_space<hbm>> -> memref<64xi32, #tpu.memory_space<hbm>>
      tpu.enqueue_dma source(%dma_start3A_416 : memref<64xi32, #tpu.memory_space<hbm>>) target(%arg12 : memref<64xi32, #tpu.memory_space<vmem>>) target_semaphore(%arg25 : memref<!tpu.dma_semaphore, #tpu.memory_space<semaphore_mem>>)
      %add3A_417 = arith.constant 154 : i32
      %add3A_418 = arith.addi %add3A_18, %add3A_417 : i32
      %mul3A_419 = arith.constant 64 : i32
      %mul3A_420 = arith.muli %add3A_418, %mul3A_419 : i32
      %dma_wait3A_421 = arith.constant 1 : i32
      %dma_wait3A_422 = arith.constant 0 : i32
      %dma_wait3A_423 = tpu.memref_slice %arg3[%dma_wait3A_421, %dma_wait3A_422] : memref<2x320000xi32, #tpu.memory_space<hbm>> -> memref<1x320000xi32, #tpu.memory_space<hbm>>
      %dma_wait3A_424 = tpu.memref_squeeze %dma_wait3A_423 : memref<1x320000xi32, #tpu.memory_space<hbm>> -> memref<320000xi32, #tpu.memory_space<hbm>>
      %dma_wait3A_425 = tpu.memref_slice %dma_wait3A_424[%mul3A_420] : memref<320000xi32, #tpu.memory_space<hbm>> -> memref<64xi32, #tpu.memory_space<hbm>>
      %dma_wait3A_426 = arith.constant 0 : i32
      %dma_wait3A_427 = tpu.memref_slice %arg3[%dma_wait3A_421, %dma_wait3A_426] : memref<2x320000xi32, #tpu.memory_space<hbm>> -> memref<1x320000xi32, #tpu.memory_space<hbm>>
      %dma_wait3A_428 = tpu.memref_squeeze %dma_wait3A_427 : memref<1x320000xi32, #tpu.memory_space<hbm>> -> memref<320000xi32, #tpu.memory_space<hbm>>
      %dma_wait3A_429 = tpu.memref_slice %dma_wait3A_428[%mul3A_420] : memref<320000xi32, #tpu.memory_space<hbm>> -> memref<64xi32, #tpu.memory_space<hbm>>
      tpu.wait_dma2 semaphore(%arg21 : memref<!tpu.dma_semaphore, #tpu.memory_space<semaphore_mem>>) src(%dma_wait3A_429 : memref<64xi32, #tpu.memory_space<hbm>>) dst(%arg8 : memref<64xi32, #tpu.memory_space<vmem>>)
      %dma_start3A_430 = arith.constant 0 : i32
      %dma_start3A_431 = arith.constant 0 : i32
      %dma_start3A_432 = tpu.memref_slice %arg2[%dma_start3A_430, %dma_start3A_431] : memref<10000x128xf32, #tpu.memory_space<hbm>> -> memref<10000x128xf32, #tpu.memory_space<hbm>>
      tpu.enqueue_indirect_dma source(%dma_start3A_432 : memref<10000x128xf32, #tpu.memory_space<hbm>>) target(%arg16 : memref<64x128xf32, #tpu.memory_space<vmem>>) offsets(%arg8 : memref<64xi32, #tpu.memory_space<vmem>>) semaphore(%arg29 : memref<!tpu.dma_semaphore, #tpu.memory_space<semaphore_mem>>)
      %add3A_433 = arith.constant 153 : i32
      %add3A_434 = arith.addi %add3A_18, %add3A_433 : i32
      %mul3A_435 = arith.constant 64 : i32
      %mul3A_436 = arith.muli %add3A_434, %mul3A_435 : i32
      %dma_wait3A_437 = arith.constant 0 : i32
      %dma_wait3A_438 = arith.constant 0 : i32
      %dma_wait3A_439 = tpu.memref_slice %arg3[%dma_wait3A_437, %dma_wait3A_438] : memref<2x320000xi32, #tpu.memory_space<hbm>> -> memref<1x320000xi32, #tpu.memory_space<hbm>>
      %dma_wait3A_440 = tpu.memref_squeeze %dma_wait3A_439 : memref<1x320000xi32, #tpu.memory_space<hbm>> -> memref<320000xi32, #tpu.memory_space<hbm>>
      %dma_wait3A_441 = tpu.memref_slice %dma_wait3A_440[%mul3A_436] : memref<320000xi32, #tpu.memory_space<hbm>> -> memref<64xi32, #tpu.memory_space<hbm>>
      %dma_wait3A_442 = arith.constant 0 : i32
      %dma_wait3A_443 = tpu.memref_slice %arg3[%dma_wait3A_437, %dma_wait3A_442] : memref<2x320000xi32, #tpu.memory_space<hbm>> -> memref<1x320000xi32, #tpu.memory_space<hbm>>
      %dma_wait3A_444 = tpu.memref_squeeze %dma_wait3A_443 : memref<1x320000xi32, #tpu.memory_space<hbm>> -> memref<320000xi32, #tpu.memory_space<hbm>>
      %dma_wait3A_445 = tpu.memref_slice %dma_wait3A_444[%mul3A_436] : memref<320000xi32, #tpu.memory_space<hbm>> -> memref<64xi32, #tpu.memory_space<hbm>>
      tpu.wait_dma2 semaphore(%arg24 : memref<!tpu.dma_semaphore, #tpu.memory_space<semaphore_mem>>) src(%dma_wait3A_445 : memref<64xi32, #tpu.memory_space<hbm>>) dst(%arg11 : memref<64xi32, #tpu.memory_space<vmem>>)
      %dma_wait3A_446 = arith.constant 0 : i32
      %dma_wait3A_447 = arith.constant 0 : i32
      %dma_wait3A_448 = tpu.memref_slice %arg2[%dma_wait3A_446, %dma_wait3A_447] : memref<10000x128xf32, #tpu.memory_space<hbm>> -> memref<10000x128xf32, #tpu.memory_space<hbm>>
      tpu.wait_indirect_dma semaphore(%arg28 : memref<!tpu.dma_semaphore, #tpu.memory_space<semaphore_mem>>) src(%dma_wait3A_448 : memref<10000x128xf32, #tpu.memory_space<hbm>>) dst(%arg15 : memref<64x128xf32, #tpu.memory_space<vmem>>)
      %dma_start3A_449 = arith.constant 0 : i32
      %dma_start3A_450 = arith.constant 0 : i32
      %dma_start3A_451 = tpu.memref_slice %arg18[%dma_start3A_449, %dma_start3A_450] : memref<10240x128xf32, #tpu.memory_space<vmem_shared>> -> memref<10240x128xf32, #tpu.memory_space<vmem_shared>>
      tpu.enqueue_indirect_dma source(%arg15 : memref<64x128xf32, #tpu.memory_space<vmem>>) target(%dma_start3A_451 : memref<10240x128xf32, #tpu.memory_space<vmem_shared>>) offsets(%arg11 : memref<64xi32, #tpu.memory_space<vmem>>) semaphore(%arg32 : memref<!tpu.dma_semaphore, #tpu.memory_space<semaphore_mem>>) {add = true}
      %dma_wait3A_452 = arith.constant 0 : i32
      %dma_wait3A_453 = arith.constant 0 : i32
      %dma_wait3A_454 = tpu.memref_slice %arg18[%dma_wait3A_452, %dma_wait3A_453] : memref<10240x128xf32, #tpu.memory_space<vmem_shared>> -> memref<10240x128xf32, #tpu.memory_space<vmem_shared>>
      tpu.wait_indirect_dma semaphore(%arg34 : memref<!tpu.dma_semaphore, #tpu.memory_space<semaphore_mem>>) src(%arg17 : memref<64x128xf32, #tpu.memory_space<vmem>>) dst(%dma_wait3A_454 : memref<10240x128xf32, #tpu.memory_space<vmem_shared>>)
      %add3A_455 = arith.constant 155 : i32
      %add3A_456 = arith.addi %add3A_18, %add3A_455 : i32
      %mul3A_457 = arith.constant 64 : i32
      %mul3A_458 = arith.muli %add3A_456, %mul3A_457 : i32
      %dma_start3A_459 = arith.constant 0 : i32
      %dma_start3A_460 = arith.constant 0 : i32
      %dma_start3A_461 = tpu.memref_slice %arg3[%dma_start3A_459, %dma_start3A_460] : memref<2x320000xi32, #tpu.memory_space<hbm>> -> memref<1x320000xi32, #tpu.memory_space<hbm>>
      %dma_start3A_462 = tpu.memref_squeeze %dma_start3A_461 : memref<1x320000xi32, #tpu.memory_space<hbm>> -> memref<320000xi32, #tpu.memory_space<hbm>>
      %dma_start3A_463 = tpu.memref_slice %dma_start3A_462[%mul3A_458] : memref<320000xi32, #tpu.memory_space<hbm>> -> memref<64xi32, #tpu.memory_space<hbm>>
      %dma_start3A_464 = arith.constant 0 : i32
      %dma_start3A_465 = tpu.memref_slice %arg3[%dma_start3A_459, %dma_start3A_464] : memref<2x320000xi32, #tpu.memory_space<hbm>> -> memref<1x320000xi32, #tpu.memory_space<hbm>>
      %dma_start3A_466 = tpu.memref_squeeze %dma_start3A_465 : memref<1x320000xi32, #tpu.memory_space<hbm>> -> memref<320000xi32, #tpu.memory_space<hbm>>
      %dma_start3A_467 = tpu.memref_slice %dma_start3A_466[%mul3A_458] : memref<320000xi32, #tpu.memory_space<hbm>> -> memref<64xi32, #tpu.memory_space<hbm>>
      tpu.enqueue_dma source(%dma_start3A_467 : memref<64xi32, #tpu.memory_space<hbm>>) target(%arg13 : memref<64xi32, #tpu.memory_space<vmem>>) target_semaphore(%arg26 : memref<!tpu.dma_semaphore, #tpu.memory_space<semaphore_mem>>)
      %add3A_468 = arith.constant 155 : i32
      %add3A_469 = arith.addi %add3A_18, %add3A_468 : i32
      %mul3A_470 = arith.constant 64 : i32
      %mul3A_471 = arith.muli %add3A_469, %mul3A_470 : i32
      %dma_wait3A_472 = arith.constant 1 : i32
      %dma_wait3A_473 = arith.constant 0 : i32
      %dma_wait3A_474 = tpu.memref_slice %arg3[%dma_wait3A_472, %dma_wait3A_473] : memref<2x320000xi32, #tpu.memory_space<hbm>> -> memref<1x320000xi32, #tpu.memory_space<hbm>>
      %dma_wait3A_475 = tpu.memref_squeeze %dma_wait3A_474 : memref<1x320000xi32, #tpu.memory_space<hbm>> -> memref<320000xi32, #tpu.memory_space<hbm>>
      %dma_wait3A_476 = tpu.memref_slice %dma_wait3A_475[%mul3A_471] : memref<320000xi32, #tpu.memory_space<hbm>> -> memref<64xi32, #tpu.memory_space<hbm>>
      %dma_wait3A_477 = arith.constant 0 : i32
      %dma_wait3A_478 = tpu.memref_slice %arg3[%dma_wait3A_472, %dma_wait3A_477] : memref<2x320000xi32, #tpu.memory_space<hbm>> -> memref<1x320000xi32, #tpu.memory_space<hbm>>
      %dma_wait3A_479 = tpu.memref_squeeze %dma_wait3A_478 : memref<1x320000xi32, #tpu.memory_space<hbm>> -> memref<320000xi32, #tpu.memory_space<hbm>>
      %dma_wait3A_480 = tpu.memref_slice %dma_wait3A_479[%mul3A_471] : memref<320000xi32, #tpu.memory_space<hbm>> -> memref<64xi32, #tpu.memory_space<hbm>>
      tpu.wait_dma2 semaphore(%arg22 : memref<!tpu.dma_semaphore, #tpu.memory_space<semaphore_mem>>) src(%dma_wait3A_480 : memref<64xi32, #tpu.memory_space<hbm>>) dst(%arg9 : memref<64xi32, #tpu.memory_space<vmem>>)
      %dma_start3A_481 = arith.constant 0 : i32
      %dma_start3A_482 = arith.constant 0 : i32
      %dma_start3A_483 = tpu.memref_slice %arg2[%dma_start3A_481, %dma_start3A_482] : memref<10000x128xf32, #tpu.memory_space<hbm>> -> memref<10000x128xf32, #tpu.memory_space<hbm>>
      tpu.enqueue_indirect_dma source(%dma_start3A_483 : memref<10000x128xf32, #tpu.memory_space<hbm>>) target(%arg17 : memref<64x128xf32, #tpu.memory_space<vmem>>) offsets(%arg9 : memref<64xi32, #tpu.memory_space<vmem>>) semaphore(%arg30 : memref<!tpu.dma_semaphore, #tpu.memory_space<semaphore_mem>>)
      %add3A_484 = arith.constant 154 : i32
      %add3A_485 = arith.addi %add3A_18, %add3A_484 : i32
      %mul3A_486 = arith.constant 64 : i32
      %mul3A_487 = arith.muli %add3A_485, %mul3A_486 : i32
      %dma_wait3A_488 = arith.constant 0 : i32
      %dma_wait3A_489 = arith.constant 0 : i32
      %dma_wait3A_490 = tpu.memref_slice %arg3[%dma_wait3A_488, %dma_wait3A_489] : memref<2x320000xi32, #tpu.memory_space<hbm>> -> memref<1x320000xi32, #tpu.memory_space<hbm>>
      %dma_wait3A_491 = tpu.memref_squeeze %dma_wait3A_490 : memref<1x320000xi32, #tpu.memory_space<hbm>> -> memref<320000xi32, #tpu.memory_space<hbm>>
      %dma_wait3A_492 = tpu.memref_slice %dma_wait3A_491[%mul3A_487] : memref<320000xi32, #tpu.memory_space<hbm>> -> memref<64xi32, #tpu.memory_space<hbm>>
      %dma_wait3A_493 = arith.constant 0 : i32
      %dma_wait3A_494 = tpu.memref_slice %arg3[%dma_wait3A_488, %dma_wait3A_493] : memref<2x320000xi32, #tpu.memory_space<hbm>> -> memref<1x320000xi32, #tpu.memory_space<hbm>>
      %dma_wait3A_495 = tpu.memref_squeeze %dma_wait3A_494 : memref<1x320000xi32, #tpu.memory_space<hbm>> -> memref<320000xi32, #tpu.memory_space<hbm>>
      %dma_wait3A_496 = tpu.memref_slice %dma_wait3A_495[%mul3A_487] : memref<320000xi32, #tpu.memory_space<hbm>> -> memref<64xi32, #tpu.memory_space<hbm>>
      tpu.wait_dma2 semaphore(%arg25 : memref<!tpu.dma_semaphore, #tpu.memory_space<semaphore_mem>>) src(%dma_wait3A_496 : memref<64xi32, #tpu.memory_space<hbm>>) dst(%arg12 : memref<64xi32, #tpu.memory_space<vmem>>)
      %dma_wait3A_497 = arith.constant 0 : i32
      %dma_wait3A_498 = arith.constant 0 : i32
      %dma_wait3A_499 = tpu.memref_slice %arg2[%dma_wait3A_497, %dma_wait3A_498] : memref<10000x128xf32, #tpu.memory_space<hbm>> -> memref<10000x128xf32, #tpu.memory_space<hbm>>
      tpu.wait_indirect_dma semaphore(%arg29 : memref<!tpu.dma_semaphore, #tpu.memory_space<semaphore_mem>>) src(%dma_wait3A_499 : memref<10000x128xf32, #tpu.memory_space<hbm>>) dst(%arg16 : memref<64x128xf32, #tpu.memory_space<vmem>>)
      %dma_start3A_500 = arith.constant 0 : i32
      %dma_start3A_501 = arith.constant 0 : i32
      %dma_start3A_502 = tpu.memref_slice %arg18[%dma_start3A_500, %dma_start3A_501] : memref<10240x128xf32, #tpu.memory_space<vmem_shared>> -> memref<10240x128xf32, #tpu.memory_space<vmem_shared>>
      tpu.enqueue_indirect_dma source(%arg16 : memref<64x128xf32, #tpu.memory_space<vmem>>) target(%dma_start3A_502 : memref<10240x128xf32, #tpu.memory_space<vmem_shared>>) offsets(%arg12 : memref<64xi32, #tpu.memory_space<vmem>>) semaphore(%arg33 : memref<!tpu.dma_semaphore, #tpu.memory_space<semaphore_mem>>) {add = true}
      %dma_wait3A_503 = arith.constant 0 : i32
      %dma_wait3A_504 = arith.constant 0 : i32
      %dma_wait3A_505 = tpu.memref_slice %arg18[%dma_wait3A_503, %dma_wait3A_504] : memref<10240x128xf32, #tpu.memory_space<vmem_shared>> -> memref<10240x128xf32, #tpu.memory_space<vmem_shared>>
      tpu.wait_indirect_dma semaphore(%arg31 : memref<!tpu.dma_semaphore, #tpu.memory_space<semaphore_mem>>) src(%arg14 : memref<64x128xf32, #tpu.memory_space<vmem>>) dst(%dma_wait3A_505 : memref<10240x128xf32, #tpu.memory_space<vmem_shared>>)
      %add3A_506 = arith.constant 155 : i32
      %add3A_507 = arith.addi %add3A_18, %add3A_506 : i32
      %mul3A_508 = arith.constant 64 : i32
      %mul3A_509 = arith.muli %add3A_507, %mul3A_508 : i32
      %dma_wait3A_510 = arith.constant 0 : i32
      %dma_wait3A_511 = arith.constant 0 : i32
      %dma_wait3A_512 = tpu.memref_slice %arg3[%dma_wait3A_510, %dma_wait3A_511] : memref<2x320000xi32, #tpu.memory_space<hbm>> -> memref<1x320000xi32, #tpu.memory_space<hbm>>
      %dma_wait3A_513 = tpu.memref_squeeze %dma_wait3A_512 : memref<1x320000xi32, #tpu.memory_space<hbm>> -> memref<320000xi32, #tpu.memory_space<hbm>>
      %dma_wait3A_514 = tpu.memref_slice %dma_wait3A_513[%mul3A_509] : memref<320000xi32, #tpu.memory_space<hbm>> -> memref<64xi32, #tpu.memory_space<hbm>>
      %dma_wait3A_515 = arith.constant 0 : i32
      %dma_wait3A_516 = tpu.memref_slice %arg3[%dma_wait3A_510, %dma_wait3A_515] : memref<2x320000xi32, #tpu.memory_space<hbm>> -> memref<1x320000xi32, #tpu.memory_space<hbm>>
      %dma_wait3A_517 = tpu.memref_squeeze %dma_wait3A_516 : memref<1x320000xi32, #tpu.memory_space<hbm>> -> memref<320000xi32, #tpu.memory_space<hbm>>
      %dma_wait3A_518 = tpu.memref_slice %dma_wait3A_517[%mul3A_509] : memref<320000xi32, #tpu.memory_space<hbm>> -> memref<64xi32, #tpu.memory_space<hbm>>
      tpu.wait_dma2 semaphore(%arg26 : memref<!tpu.dma_semaphore, #tpu.memory_space<semaphore_mem>>) src(%dma_wait3A_518 : memref<64xi32, #tpu.memory_space<hbm>>) dst(%arg13 : memref<64xi32, #tpu.memory_space<vmem>>)
      %dma_wait3A_519 = arith.constant 0 : i32
      %dma_wait3A_520 = arith.constant 0 : i32
      %dma_wait3A_521 = tpu.memref_slice %arg2[%dma_wait3A_519, %dma_wait3A_520] : memref<10000x128xf32, #tpu.memory_space<hbm>> -> memref<10000x128xf32, #tpu.memory_space<hbm>>
      tpu.wait_indirect_dma semaphore(%arg30 : memref<!tpu.dma_semaphore, #tpu.memory_space<semaphore_mem>>) src(%dma_wait3A_521 : memref<10000x128xf32, #tpu.memory_space<hbm>>) dst(%arg17 : memref<64x128xf32, #tpu.memory_space<vmem>>)
      %dma_start3A_522 = arith.constant 0 : i32
      %dma_start3A_523 = arith.constant 0 : i32
      %dma_start3A_524 = tpu.memref_slice %arg18[%dma_start3A_522, %dma_start3A_523] : memref<10240x128xf32, #tpu.memory_space<vmem_shared>> -> memref<10240x128xf32, #tpu.memory_space<vmem_shared>>
      tpu.enqueue_indirect_dma source(%arg17 : memref<64x128xf32, #tpu.memory_space<vmem>>) target(%dma_start3A_524 : memref<10240x128xf32, #tpu.memory_space<vmem_shared>>) offsets(%arg13 : memref<64xi32, #tpu.memory_space<vmem>>) semaphore(%arg34 : memref<!tpu.dma_semaphore, #tpu.memory_space<semaphore_mem>>) {add = true}
      %dma_wait3A_525 = arith.constant 0 : i32
      %dma_wait3A_526 = arith.constant 0 : i32
      %dma_wait3A_527 = tpu.memref_slice %arg18[%dma_wait3A_525, %dma_wait3A_526] : memref<10240x128xf32, #tpu.memory_space<vmem_shared>> -> memref<10240x128xf32, #tpu.memory_space<vmem_shared>>
      tpu.wait_indirect_dma semaphore(%arg32 : memref<!tpu.dma_semaphore, #tpu.memory_space<semaphore_mem>>) src(%arg15 : memref<64x128xf32, #tpu.memory_space<vmem>>) dst(%dma_wait3A_527 : memref<10240x128xf32, #tpu.memory_space<vmem_shared>>)
      %dma_wait3A_528 = arith.constant 0 : i32
      %dma_wait3A_529 = arith.constant 0 : i32
      %dma_wait3A_530 = tpu.memref_slice %arg18[%dma_wait3A_528, %dma_wait3A_529] : memref<10240x128xf32, #tpu.memory_space<vmem_shared>> -> memref<10240x128xf32, #tpu.memory_space<vmem_shared>>
      tpu.wait_indirect_dma semaphore(%arg33 : memref<!tpu.dma_semaphore, #tpu.memory_space<semaphore_mem>>) src(%arg16 : memref<64x128xf32, #tpu.memory_space<vmem>>) dst(%dma_wait3A_530 : memref<10240x128xf32, #tpu.memory_space<vmem_shared>>)
      %dma_wait3A_531 = arith.constant 0 : i32
      %dma_wait3A_532 = arith.constant 0 : i32
      %dma_wait3A_533 = tpu.memref_slice %arg18[%dma_wait3A_531, %dma_wait3A_532] : memref<10240x128xf32, #tpu.memory_space<vmem_shared>> -> memref<10240x128xf32, #tpu.memory_space<vmem_shared>>
      tpu.wait_indirect_dma semaphore(%arg34 : memref<!tpu.dma_semaphore, #tpu.memory_space<semaphore_mem>>) src(%arg17 : memref<64x128xf32, #tpu.memory_space<vmem>>) dst(%dma_wait3A_533 : memref<10240x128xf32, #tpu.memory_space<vmem_shared>>)
    } else {
    }
    %barrier3A_9 = arith.constant 0 : index
    tpu.barrier barrier_id(%barrier3A_9)
    %mul3A_10 = arith.constant 640 : i32
    %mul3A_11 = arith.muli %arg1, %mul3A_10 : i32
    %mul3A_12 = arith.constant 640 : i32
    %mul3A_13 = arith.muli %arg1, %mul3A_12 : i32
    "tpu.region"() ({
      %run_scoped3A = tpu.sem_alloc : memref<!tpu.dma_semaphore, #tpu.memory_space<semaphore_mem>>
      %dma_start3A = arith.constant 0 : i32
      %dma_start3A_14 = arith.constant 0 : i32
      %dma_start3A_15 = tpu.memref_slice %arg5[%arg0, %dma_start3A, %dma_start3A_14] : memref<2x10240x128xf32, #tpu.memory_space<hbm>> -> memref<1x10240x128xf32, #tpu.memory_space<hbm>>
      %dma_start3A_16 = tpu.memref_squeeze %dma_start3A_15 : memref<1x10240x128xf32, #tpu.memory_space<hbm>> -> memref<10240x128xf32, #tpu.memory_space<hbm>>
      %dma_start3A_17 = arith.constant 0 : i32
      %dma_start3A_18 = tpu.memref_slice %dma_start3A_16[%mul3A_13, %dma_start3A_17] : memref<10240x128xf32, #tpu.memory_space<hbm>> -> memref<640x128xf32, #tpu.memory_space<hbm>>
      %dma_start3A_19 = arith.constant 0 : i32
      %dma_start3A_20 = tpu.memref_slice %arg18[%mul3A_11, %dma_start3A_19] : memref<10240x128xf32, #tpu.memory_space<vmem_shared>> -> memref<640x128xf32, #tpu.memory_space<vmem_shared>>
      tpu.enqueue_dma source(%dma_start3A_20 : memref<640x128xf32, #tpu.memory_space<vmem_shared>>) target(%dma_start3A_18 : memref<640x128xf32, #tpu.memory_space<hbm>>) target_semaphore(%run_scoped3A : memref<!tpu.dma_semaphore, #tpu.memory_space<semaphore_mem>>)
      %dma_wait3A = arith.constant 0 : i32
      %dma_wait3A_21 = arith.constant 0 : i32
      %dma_wait3A_22 = tpu.memref_slice %arg5[%arg0, %dma_wait3A, %dma_wait3A_21] : memref<2x10240x128xf32, #tpu.memory_space<hbm>> -> memref<1x10240x128xf32, #tpu.memory_space<hbm>>
      %dma_wait3A_23 = tpu.memref_squeeze %dma_wait3A_22 : memref<1x10240x128xf32, #tpu.memory_space<hbm>> -> memref<10240x128xf32, #tpu.memory_space<hbm>>
      %dma_wait3A_24 = arith.constant 0 : i32
      %dma_wait3A_25 = tpu.memref_slice %dma_wait3A_23[%mul3A_13, %dma_wait3A_24] : memref<10240x128xf32, #tpu.memory_space<hbm>> -> memref<640x128xf32, #tpu.memory_space<hbm>>
      %dma_wait3A_26 = arith.constant 0 : i32
      %dma_wait3A_27 = tpu.memref_slice %arg18[%mul3A_11, %dma_wait3A_26] : memref<10240x128xf32, #tpu.memory_space<vmem_shared>> -> memref<640x128xf32, #tpu.memory_space<vmem_shared>>
      tpu.wait_dma2 semaphore(%run_scoped3A : memref<!tpu.dma_semaphore, #tpu.memory_space<semaphore_mem>>) src(%dma_wait3A_27 : memref<640x128xf32, #tpu.memory_space<vmem_shared>>) dst(%dma_wait3A_25 : memref<640x128xf32, #tpu.memory_space<hbm>>)
      tpu.yield
    }) : () -> ()
    return
  }
}

module attributes {stable_mosaic.version = 14 : i64} {
  func.func @_combine_body(%arg0: i32, %arg1: memref<1x1xf32, #tpu.memory_space<vmem>>, %arg2: memref<2000x128xf32, #tpu.memory_space<vmem>>, %arg3: memref<1x2000x128xf32, #tpu.memory_space<vmem>>, %arg4: memref<1x2000x128xf32, #tpu.memory_space<vmem>>, %arg5: memref<2000x128xf32, #tpu.memory_space<vmem>>) attributes {dimension_semantics = [#tpu.dimension_semantics<arbitrary>], iteration_bounds = array<i64: 5>, scalar_prefetch = 0 : i64, scratch_operands = 0 : i64, tpu.core_type = #tpu.core_type<tc>, window_params = [{pipeline_mode = #tpu.pipeline_mode<synchronous>, transform_indices = @transform_0, window_bounds = array<i64: 1, 1>}, {transform_indices = @transform_1, window_bounds = array<i64: 2000, 128>}, {transform_indices = @transform_2, window_bounds = array<i64: 1, 2000, 128>}, {transform_indices = @transform_3, window_bounds = array<i64: 1, 2000, 128>}, {transform_indices = @transform_4, window_bounds = array<i64: 2000, 128>}]} {
    %get3A = arith.constant 0 : index
    %get3A_0 = arith.constant 0 : index
    %get3A_1 = vector.load %arg1[%get3A, %get3A_0] : memref<1x1xf32, #tpu.memory_space<vmem>>, vector<1x1xf32>
    %get3A_2 = vector.extract %get3A_1[0, 0] : f32 from vector<1x1xf32>
    %add3A = arith.constant 1.000000e+00 : f32
    %add3A_3 = arith.addf %add3A, %get3A_2 : f32
    %get3A_4 = arith.constant 0 : index
    %get3A_5 = arith.constant 0 : index
    %get3A_6 = vector.load %arg2[%get3A_4, %get3A_5] : memref<2000x128xf32, #tpu.memory_space<vmem>>, vector<2000x128xf32>
    %mul3A = vector.broadcast %add3A_3 : f32 to vector<2000x128xf32>
    %mul3A_7 = arith.mulf %mul3A, %get3A_6 : vector<2000x128xf32>
    %get3A_8 = arith.constant 0 : index
    %get3A_9 = arith.constant 0 : index
    %get3A_10 = arith.constant 0 : index
    %get3A_11 = vector.load %arg3[%get3A_8, %get3A_9, %get3A_10] : memref<1x2000x128xf32, #tpu.memory_space<vmem>>, vector<1x2000x128xf32>
    %get3A_12 = vector.shape_cast %get3A_11 : vector<1x2000x128xf32> to vector<2000x128xf32>
    %add3A_13 = arith.addf %mul3A_7, %get3A_12 : vector<2000x128xf32>
    %get3A_14 = arith.constant 0 : index
    %get3A_15 = arith.constant 0 : index
    %get3A_16 = arith.constant 0 : index
    %get3A_17 = vector.load %arg4[%get3A_14, %get3A_15, %get3A_16] : memref<1x2000x128xf32, #tpu.memory_space<vmem>>, vector<1x2000x128xf32>
    %get3A_18 = vector.shape_cast %get3A_17 : vector<1x2000x128xf32> to vector<2000x128xf32>
    %add3A_19 = arith.addf %add3A_13, %get3A_18 : vector<2000x128xf32>
    %swap3A = arith.constant 0 : index
    %swap3A_20 = arith.constant 0 : index
    %swap3A_21 = vector.load %arg5[%swap3A, %swap3A_20] : memref<2000x128xf32, #tpu.memory_space<vmem>>, vector<2000x128xf32>
    tpu.vector_store %arg5[%swap3A, %swap3A_20], %add3A_19 {strides = array<i32>} : memref<2000x128xf32, #tpu.memory_space<vmem>>, vector<2000x128xf32>,
    return
  }
  func.func @transform_0(%arg0: i32) -> (i32, i32) {
    %c0_i32 = arith.constant 0 : i32
    %c0_i32_0 = arith.constant 0 : i32
    %c0_i32_1 = arith.constant 0 : i32
    return %c0_i32, %c0_i32_0 : i32, i32
  }
  func.func @transform_1(%arg0: i32) -> (i32, i32) {
    %c0_i32 = arith.constant 0 : i32
    %c0_i32_0 = arith.constant 0 : i32
    return %arg0, %c0_i32 : i32, i32
  }
  func.func @transform_2(%arg0: i32) -> (i32, i32, i32) {
    %c0_i32 = arith.constant 0 : i32
    %c0_i32_0 = arith.constant 0 : i32
    %c0_i32_1 = arith.constant 0 : i32
    return %c0_i32, %arg0, %c0_i32_0 : i32, i32, i32
  }
  func.func @transform_3(%arg0: i32) -> (i32, i32, i32) {
    %c1_i32 = arith.constant 1 : i32
    %c0_i32 = arith.constant 0 : i32
    %c0_i32_0 = arith.constant 0 : i32
    return %c1_i32, %arg0, %c0_i32 : i32, i32, i32
  }
  func.func @transform_4(%arg0: i32) -> (i32, i32) {
    %c0_i32 = arith.constant 0 : i32
    %c0_i32_0 = arith.constant 0 : i32
    return %arg0, %c0_i32 : i32, i32
  }
}

</mosaic_0001>

<sc_bundles>
// kernel: kernel.4.cloned.1.call-start
scs
__scs_entry_jumppad:
0x0: {  	(pc) =	sbr.rel $0x88, $3  }
0x1: {  	(tag) =	ssettag $0x0;
	lr =	simm.s32 $0x1  }
0x2: {  	[smem:$0x3F9E] =	sst lr;
	_ =	strace $0xD0000000  }
0x3: {  	_ = 	snop  }
0x4: {  	_ = 	snop  }
0x5: {  	_ = 	snop  }
0x6: {  	_ = 	snop  }
0x7: {  	_ = 	snop  }
__scs_overlays_trampoline_lowered:
0x8: {  	[smem:$0x3FAD] =	sst s0  }
0x9: {  	[smem:$0x3FAE] =	sst s1  }
0xa: {  	[smem:$0x3FAF] =	sst s2  }
0xb: {  	[smem:$0x3FB0] =	sst s3  }
0xc: {  	[smem:$0x3FB1] =	sst s4  }
0xd: {  	[smem:$0x3FB2] =	sst s5  }
0xe: {  	[smem:$0x3FB3] =	sst s6  }
0xf: {  	[smem:$0x3FB4] =	sst s7  }
0x10: {  	[smem:$0x3FB5] =	sst s8  }
0x11: {  	[smem:$0x3FB6] =	sst s9;
	s0 =	simm.s32 @!p0 $0x0  }
0x12: {  	s1 =	sld [smem:$0x3F9C];
	s0 =	simm.s32 @p0 $0x1  }
0x13: {  	[smem:$0x3FB7] =	sst s0;
	s0 =	simm.s32 @!p1 $0x0  }
0x14: {  	s2 =	sld [smem:$0x3F9B];
	s0 =	simm.s32 @p1 $0x1  }
0x15: {  	[smem:$0x3FB8] =	sst s0;
	s0 =	simm.s32 @!p2 $0x0  }
0x16: {  	s3 =	sld [smem:$0x3FDB];
	s0 =	simm.s32 @p2 $0x1  }
0x17: {  	s4 =	simm.s32 $0x1BF5;
	[smem:$0x3FBA] =	sst s0  }
0x18: {  	s0 =	sld [smem:$0x3F9D];
	_ =	swait.ge [sflag:s4], $0x0  }
0x19: {  	s7 =	sld [smem:$0x3F9E]  }
0x1a: {  	s8 =	sadd.s32 $0xFFFFE003, lr  }
0x1b: {  	s9 =	sadd.s32 $0xFFFFFEF7, lr;
	s5 =	simm.s32 $0xFFFFFFFF;
	p2 =	slt.u32 s8, $0xFFFFF086  }
0x1c: {  	p1 =	slt.u32 s9, $0xF7A;
	s5 =	simm.s32 @!p2 $0x0  }
0x1d: {  	s5 =	simm.s32 @p1 $0x1;
	p0 =	seq.s32 s7, s2  }
0x1e: {  	s7 =	smul.u32 @!p0 $0xF7A, s2;
	p2 =	seq.s32 @!p0 s5, $0x0  }
0x1f: {  	s9 =	smul.u32 $0xF7A, s1;
	s8 =	simm.s32 @!p0 $0x1BF5;
	p2 =	por !p2, p0  }
0x20: {  	[sflag:s8] =	ssyncset.s32 @!p0 $0xFFFFF086;
	s6 =	sadd.s32 @!p0 s3, s7;
	s7 =	simm.s32 @!p0 $0x108  }
0x21: {  	s3 =	sadd.s32 s3, s9;
	s6 =	sadd.s32 @!p0 $0x88, s6;
	s7 =	simm.s32 @p2 $0x1082  }
0x22: {  	[simem:s7], [sflag:s8] =	dma.local @!p0 [hbm:s6], $0xF7A  }
0x23: {  	s9 =	sor.u32 $0xD0000000, s2;
	s6 =	simm.s32 $0x108;
	_ =	swait.ge @!p0 [sflag:s8], $0x0  }
0x24: {  	s3 =	sadd.s32 $0x88, s3;
	s6 =	simm.s32 @!p1 $0x1082;
	[sflag:s4] =	ssyncset.s32 $0xFFFFF086  }
0x25: {  	[simem:s6], [sflag:s4] =	dma.local [hbm:s3], $0xF7A  }
0x26: {  	[smem:$0x3F9E] =	sst s1;
	(tag) =	ssettag s2;
	_ =	strace s9  }
0x27: {  	s1 =	sld [smem:$0x3FAE]  }
0x28: {  	s2 =	sld [smem:$0x3FAF]  }
0x29: {  	s4 =	sld [smem:$0x3FB1]  }
0x2a: {  	p0 =	seq.s32 s5, $0x0;
	s5 =	sld [smem:$0x3FB2]  }
0x2b: {  	s6 =	sld [smem:$0x3FB3]  }
0x2c: {  	s7 =	sld [smem:$0x3FB4]  }
0x2d: {  	s3 =	simm.s32 $0x108;
	s8 =	sld [smem:$0x3FB5]  }
0x2e: {  	s3 =	simm.s32 @!p0 $0x1082;
	s9 =	sld [smem:$0x3FB6]  }
0x2f: {  	lr =	sadd.s32 s0, s3;
	s0 =	sld [smem:$0x3FAD]  }
0x30: {  	s3 =	sld [smem:$0x3FB0]  }
0x31: {  	[smem:$0x3FB9] =	sst s10  }
0x32: {  	s10 =	sld [smem:$0x3FB7];
	_ =	sdelay $0x3  }
0x33: {  	p0 =	seq.s32 s10, $0x1;
	s10 =	sld [smem:$0x3FB9];
	_ =	sdelay $0x3  }
0x34: {  	[smem:$0x3FB9] =	sst s10  }
0x35: {  	s10 =	sld [smem:$0x3FB8];
	_ =	sdelay $0x3  }
0x36: {  	p1 =	seq.s32 s10, $0x1;
	s10 =	sld [smem:$0x3FB9];
	_ =	sdelay $0x3  }
0x37: {  	[smem:$0x3FB9] =	sst s10  }
0x38: {  	s10 =	sld [smem:$0x3FBA]  }
0x39: {  	_ = 	snop;
	(pc) =	sbr.ind lr, $3  }
0x3a: {  	_ = 	snop  }
0x3b: {  	_ = 	snop  }
0x3c: {  	p2 =	seq.s32 s10, $0x1;
	s10 =	sld [smem:$0x3FB9]  }
0x3d: {  	_ =	shalt  }
0x3e: {  	_ =	shalt  }
0x3f: {  	_ =	shalt  }
0x40: {  	_ =	shalt  }
0x41: {  	_ =	shalt  }
0x42: {  	_ =	shalt  }
0x43: {  	_ =	shalt  }
0x44: {  	_ =	shalt  }
0x45: {  	_ =	shalt  }
0x46: {  	_ =	shalt  }
0x47: {  	_ =	shalt  }
0x48: {  	_ =	shalt  }
0x49: {  	_ =	shalt  }
0x4a: {  	_ =	shalt  }
0x4b: {  	_ =	shalt  }
0x4c: {  	_ =	shalt  }
0x4d: {  	_ =	shalt  }
0x4e: {  	_ =	shalt  }
0x4f: {  	_ =	shalt  }
0x50: {  	_ =	shalt  }
0x51: {  	_ =	shalt  }
0x52: {  	_ =	shalt  }
0x53: {  	_ =	shalt  }
0x54: {  	_ =	shalt  }
0x55: {  	_ =	shalt  }
0x56: {  	_ =	shalt  }
0x57: {  	_ =	shalt  }
0x58: {  	_ =	shalt  }
0x59: {  	_ =	shalt  }
0x5a: {  	_ =	shalt  }
0x5b: {  	_ =	shalt  }
0x5c: {  	_ =	shalt  }
0x5d: {  	_ =	shalt  }
0x5e: {  	_ =	shalt  }
0x5f: {  	_ =	shalt  }
0x60: {  	_ =	shalt  }
0x61: {  	_ =	shalt  }
0x62: {  	_ =	shalt  }
0x63: {  	_ =	shalt  }
0x64: {  	_ =	shalt  }
0x65: {  	_ =	shalt  }
0x66: {  	_ =	shalt  }
0x67: {  	_ =	shalt  }
0x68: {  	_ =	shalt  }
0x69: {  	_ =	shalt  }
0x6a: {  	_ =	shalt  }
0x6b: {  	_ =	shalt  }
0x6c: {  	_ =	shalt  }
0x6d: {  	_ =	shalt  }
0x6e: {  	_ =	shalt  }
0x6f: {  	_ =	shalt  }
0x70: {  	_ =	shalt  }
0x71: {  	_ =	shalt  }
0x72: {  	_ =	shalt  }
0x73: {  	_ =	shalt  }
0x74: {  	_ =	shalt  }
0x75: {  	_ =	shalt  }
0x76: {  	_ =	shalt  }
0x77: {  	_ =	shalt  }
0x78: {  	_ =	shalt  }
0x79: {  	_ =	shalt  }
0x7a: {  	_ =	shalt  }
0x7b: {  	_ =	shalt  }
0x7c: {  	_ =	shalt  }
0x7d: {  	_ =	shalt  }
0x7e: {  	_ =	shalt  }
0x7f: {  	_ =	shalt  }
0x80: {  	_ =	shalt  }
0x81: {  	_ =	shalt  }
0x82: {  	_ =	shalt  }
0x83: {  	_ =	shalt  }
0x84: {  	_ =	shalt  }
0x85: {  	_ =	shalt  }
0x86: {  	_ =	shalt  }
0x87: {  	_ =	shalt  }
.Lfunc_end0:
.L_simem_size_0:
called_computation_lowered:
.L_overlay_start_0:
0x88: {  	s2 =	sld [smem:$0x3FD9]  }
0x89: {  	s3 =	sld [smem:$0x3FFE];
	_ =	sdelay $0x1  }
0x8a: {  	s1 =	srdreg.scid  }
0x8b: {  	s0 =	sand.u32 $0x1, s1  }
0x8c: {  	s17 =	sshll.u32 s0, $0xA;
	s2 =	sadd.s32 s3, s2  }
0x8d: {  	s2 =	sadd.s32 s2, s17  }
0x8e: {  	[smem:$0x3FC5] =	sst s2  }
0x8f: {  	_ = 	snop  }
0x90: {  	s2 =	sld [smem:$0x3FC9]  }
0x91: {  	s18 =	sld [smem:$0x3FC8]  }
0x92: {  	s4 =	sld [smem:$0x3FD0];
	(tm) =	ssettm $0x1  }
0x93: {  	s5 =	sld [smem:$0x3FFB];
	_ =	sdelay $0x3  }
0x94: {  	_ =	strace s5  }
0x95: {  	s5 =	sld [smem:$0x3FFC];
	_ =	sdelay $0x3  }
0x96: {  	_ =	strace s5  }
0x97: {  	s5 =	sld [smem:$0x3FFD];
	_ =	sdelay $0x3  }
0x98: {  	_ =	strace s5  }
0x99: {  	_ =	strace $0x8FFFFFFF  }
0x9a: {  	s19 =	sld [smem:$0x3FDB];
	_ =	sdelay $0x1  }
0x9b: {  	s6 =	simm.s32 $_scs_section_size  }
0x9c: {  	s7 =	simm.s32 $_size__tile_overlayer_lowered;
	s8 =	simm.s32 $_tile_overlayer_lowered  }
0x9d: {  	s22 =	simm.s32 $0x1BFF;
	s21 =	sshll.u32 s8, $0x1;
	s5 =	sadd.s32 s6, s19  }
0x9e: {  	s9 =	simm.s32 $0x0;
	s20 =	sshll.u32 s7, $0x1;
	s7 =	sadd.s32 s21, s5  }
0x9f: {  	[timem:s9], [sflag:s22] =	dma.local [hbm:s7], s20  }
0xa0: {  	_ =	swait.ge [sflag:s22], s20  }
0xa1: {  	s6 =	ssub.s32 $0x0, s20;
	[sflag:s22] =	ssyncset.done $0x0  }
0xa2: {  	[sflag:s22] =	ssyncadd.s32 s6;
	_ =	sdelay $0x1  }
0xa3: {  	s23 =	simm.s32 $0x1B8B  }
0xa4: {  	_ =	swait.ge [sflag:s23], $0x1  }
0xa5: {  	[sflag:s23] =	ssyncset.done $0x0  }
0xa6: {  	s25 =	simm.s32 $0x1B8E;
	s24 =	sld [smem:$0x3FFE];
	[sflag:s23] =	ssyncadd.s32 $0xFFFFFFFF  }
0xa7: {  	s26 =	simm.s32 $execute0_lowered;
	[smem:$0x3FD2] =	sst s25  }
0xa8: {  	s7 =	sshll.u32 s26, $0x1;
	_ =	strace $0x80000046;
	[dreg:$0x1] =	wrdreg $0xFFFFFFFF  }
0xa9: {  	s28 =	simm.s32 $_size_execute0_lowered;
	s5 =	sadd.s32 s5, s7;
	[dreg:$0x0] =	wrdreg $0x0  }
0xaa: {  	s7 =	sshll.u32 s28, $0x1;
	[dreg:$0x2] =	wrdreg s5  }
0xab: {  	[dreg:$0x3] =	wrdreg s7  }
0xac: {  	[dreg:$0x4] =	wrdreg $0xC0  }
0xad: {  	_ =	task [dreg:s9], $0x5FFFF  }
0xae: {  	[dreg:$0x1] =	wrdreg $0xFFFFFFFF  }
0xaf: {  	[dreg:$0x0] =	wrdreg $0x60  }
0xb0: {  	[dreg:$0x2] =	wrdreg s2  }
0xb1: {  	[dreg:$0x3] =	wrdreg s18  }
0xb2: {  	[dreg:$0x4] =	wrdreg s4  }
0xb3: {  	[dreg:$0x5] =	wrdreg s24  }
0xb4: {  	[dreg:$0x6] =	wrdreg $0x84000  }
0xb5: {  	[dreg:$0x7] =	wrdreg $0x9  }
0xb6: {  	_ =	task.clear_ibuf [dreg:s9], $0x8FFFF;
	_ =	strace $0x90000046  }
0xb7: {  	s29 =	simm.s32 $0x9;
	_ =	strace $0x80000048  }
0xb8: {  	_ =	swait.ge [sflag:s29], $0x1  }
0xb9: {  	[sflag:s29] =	ssyncadd.s32 $0xFFFFFFFF  }
0xba: {  	_ =	strace $0x90000048  }
0xbb: {  	_ =	sfence  }
0xbc: {  	s30 =	sld [smem:$0x0];
	_ =	sdelay $0x2  }
0xbd: {  	s31 =	sshll.u32 s1, $0xD;
	s1 =	sshrl.u32 s1, $0x2  }
0xbe: {  	s3 =	sand.u32 $0x4000, s31;
	s1 =	sadd.s32 s1, s30  }
0xbf: {  	s0 =	sor.u32 s3, s0;
	s1 =	sshll.u32 s1, $0x11  }
0xc0: {  	s0 =	sor.u32 s1, s0  }
0xc1: {  	s0 =	sadd.s32 $0x8F2B, s0  }
0xc2: {  	[sflag:s0] =	ssyncadd.remote.s32 $0x1  }
0xc3: {  	_ =	sfence.sel $0xFFFF  }
0xc4: {  	[dreg:$0x0] =	wrdreg $0xFFFFFFFF;
	(pc) =	sbr.abs _section_cstart, $3  }
0xc5: {  	[dreg:$0x1] =	wrdreg $0xFFFFFFFF  }
0xc6: {  	_ =	task.clear_ibuf [dreg:s9], $0x2FFFF;
	_ =	strace $0x9FFFFFFF  }
0xc7: {  	(tm) =	ssettm $0x7FFFFFFF  }
tec
execute0_lowered:
.L_overlay_start_1:
0x0: {  	(tag) =	ssettag $0x1  }
0x1: {  	s0 =	rddreg [dreg:$0x0]  }
0x2: {  	s12 =	rddreg [dreg:$0x1]  }
0x3: {  	s1 =	rddreg [dreg:$0x3]  }
0x4: {  	s2 =	srdreg.scid;
	s6 =	stileid.u32  }
0x5: {  	s4 =	rddreg [dreg:$0x4];
	s5 =	simm.s32 $0x0;
	s7 =	smul.u32 $0x50000, s6  }
0x6: {  	s2 =	sand.u32 $0x1, s2;
	[smem:$0x7FF] =	sst s5;
	s11 =	smul.u32 $0x9C, s6  }
0x7: {  	s16 =	sshll.u32 s6, $0x6;
	s19 =	sadd.s32 $0x10, s12;
	s3 =	smul.u32 $0x28000, s2  }
0x8: {  	s8 =	ssub.s32 $0x2, s2;
	s9 =	smul.u32 $0x9C4, s2;
	_ =	strace $0x80000047  }
0x9: {  	s22 =	sor.u32 $0x1C11, s16;
	s30 =	smul.u32 $0x4E200, s2;
	[dreg:$0x10] =	wrdreg s19  }
0xa: {  	s2 =	smul.u32 $0x9C40, s2;
	s10 =	sshrl.u32 s8, $0x1;
	[dreg:$0xe] =	wrdreg s22  }
0xb: {  	s7 =	sshrl.u32 s7, $0x2;
	s1 =	sadd.s32 s3, s1;
	[dreg:$0x1a] =	wrdreg s30  }
0xc: {  	s7 =	sadd.s32 s7, s4;
	s17 =	sadd.s32 s11, s9;
	[dreg:$0x1b] =	wrdreg s2  }
0xd: {  	s3 =	ssub.s32 s8, s10;
	[dreg:$0xd] =	wrdreg s7;
	s8 =	sshll.u32 s17, $0x7  }
0xe: {  	s18 =	sshll.u32 s17, $0x4;
	s3 =	smax.u32 s3, $0x1;
	[dreg:$0xf] =	wrdreg s8  }
0xf: {  	s20 =	sadd.s32 $0x40, s18;
	[dreg:$0x1e] =	wrdreg s3  }
0x10: {  	s24 =	sadd.s32 $0xC0, s18;
	[dreg:$0x11] =	wrdreg s20  }
0x11: {  	s7 =	sadd.s32 $0xA0, s18;
	[dreg:$0x17] =	wrdreg s24  }
0x12: {  	s8 =	sshrl.u32 s8, $0x3;
	s9 =	sadd.s32 s12, s20;
	[dreg:$0x19] =	wrdreg s7  }
0x13: {  	s25 =	sadd.s32 s12, s18;
	s21 =	sadd.s32 $0x48, s8;
	[dreg:$0x13] =	wrdreg s9  }
0x14: {  	s26 =	sadd.s32 $0x88, s25;
	[dreg:$0x12] =	wrdreg s21  }
0x15: {  	s28 =	simm.s32 $0x5;
	s7 =	sadd.s32 s7, s12;
	[dreg:$0x7] =	wrdreg s26  }
0x16: {  	s29 =	simm.s32 $0x9;
	s13 =	sadd.s32 $0x60, s8;
	[dreg:$0x8] =	wrdreg s7  }
0x17: {  	s31 =	simm.s32 $0xC;
	s14 =	sadd.s32 $0x68, s8;
	[dreg:$0x14] =	wrdreg s13  }
0x18: {  	p0 =	sne.s32 s6, $0x0;
	s15 =	sadd.s32 $0x80, s8;
	[dreg:$0x16] =	wrdreg s14  }
0x19: {  	s10 =	sshrl.u32 s30, $0x3;
	s25 =	sor.u32 $0x28, s2;
	[dreg:$0x18] =	wrdreg s15  }
0x1a: {  	s11 =	simm.s32 $0x280;
	s23 =	sadd.s32 s12, s21;
	[smem:$0x7FB] =	sst s25  }
0x1b: {  	s8 =	sadd.s32 $0x88, s8;
	s9 =	sadd.s32 s24, s12;
	[dreg:$0x15] =	wrdreg s23  }
0x1c: {  	s1 =	sadd.s32 $0x800, s1;
	s17 =	sadd.s32 s8, s19;
	[dreg:$0x6] =	wrdreg s9  }
0x1d: {  	s16 =	sadd.s32 $0x48, s10;
	s18 =	sadd.s32 s12, s13;
	[smem:$0x7F3] =	sst s17  }
0x1e: {  	s3 =	simm.s32 $0x1;
	s20 =	sadd.s32 s12, s15;
	[smem:$0x7F4] =	sst s18  }
0x1f: {  	s21 =	sor.u32 $0x8, s2;
	s24 =	sor.u32 $0x20, s2;
	[smem:$0x7F6] =	sst s20  }
0x20: {  	s15 =	simm.s32 $0x100;
	s13 =	simm.s32 $0x3;
	[smem:$0x7F7] =	sst s21  }
0x21: {  	s7 =	simm.s32 $0xB;
	s23 =	sadd.s32 s12, s2;
	[smem:$0x7F9] =	sst s24  }
0x22: {  	s9 =	smul.u32 $0x2800, s6;
	s26 =	sadd.s32 s12, s24;
	[dreg:$0xc] =	wrdreg s23  }
0x23: {  	s6 =	sadd.s32 $0x40, s10;
	s24 =	simm.s32 $0x40;
	[smem:$0x7FA] =	sst s26  }
0x24: {  	s18 =	simm.s32 $0xA;
	[dreg:$0x1d] =	wrdreg s6;
	s30 =	sadd.s32 s12, s6  }
0x25: {  	s17 =	simm.s32 $0x0;
	s1 =	sadd.s32 s9, s1;
	[smem:$0x7FD] =	sst s30  }
0x26: {  	s9 =	simm.s32 $0x8;
	[dreg:$0x1c] =	wrdreg s1;
	s1 =	sadd.s32 s16, s19  }
.Ltmp0:
0x27: {  	s19 =	sadd.s32 s12, s14;
	[dreg:$0x1f] =	wrdreg s1;
	(pc) =	sbr.rel .LBB2_1-.Ltmp0, $4  }
0x28: {  	s14 =	simm.s32 $0x200;
	s16 =	simm.s32 $0x6;
	[smem:$0x7F5] =	sst s19  }
0x29: {  	s1 =	sadd.s32 s12, s21;
	s21 =	simm.s32 $0x4;
	s19 =	simm.s32 $0xD  }
0x2a: {  	[smem:$0x7F8] =	sst s1;
	s1 =	sadd.s32 s12, s25;
	s12 =	simm.s32 $0x11  }
0x2b: {  	s25 =	simm.s32 $0x2;
	[smem:$0x7FC] =	sst s1;
	s1 =	simm.s32 $0x7  }
.LBB2_8:
0x2c: {  	_ =	swait.ge [sflag:s3], $0x40  }
0x2d: {  	[sflag:s3] =	ssyncset.done $0x0  }
0x2e: {  	s12 =	simm.s32 $0x400;
	[sflag:s3] =	ssyncadd.s32 $0xFFFFFFC0  }
0x2f: {  	[tilespmem:s12], [sflag:$0x9] =	stream.indirect.gather [hbm4b:s0+s24], $0x80, s5, s24, $0xb8;
	[tilespmem:$0x1C400] =	vst v63  }
0x30: {  	_ =	swait.ge [sflag:s9], $0x40  }
0x31: {  	[sflag:s9] =	ssyncset.done $0x0  }
0x32: {  	[sflag:s9] =	ssyncadd.s32 $0xFFFFFFC0  }
0x33: {  	_ =	swait.ge [sflag:s31], $0x2000  }
0x34: {  	[sflag:s31] =	ssyncset.done $0x0  }
0x35: {  	s22 =	simm.s32 $0xE;
	[sflag:s31] =	ssyncadd.s32 $0xFFFFE000  }
0x36: {  	[spmem:s4] =	stream.indirect.scatter.add.f32 [tilespmem:s8], [sflag:$0x10], $0x80, s11, s24, $0xb8;
	[tilespmem:$0x1C400] =	vst v63  }
0x37: {  	s2 =	sshrl.u32 s2, $0x3;
	_ =	swait.ge [sflag:s22], $0x2000  }
0x38: {  	s30 =	sadd.s32 $0x9E0, s2;
	[sflag:s22] =	ssyncset.done $0x0;
	s12 =	rddreg [dreg:$0x10]  }
0x39: {  	s26 =	simm.s32 $0x100;
	[sflag:s22] =	ssyncadd.s32 $0xFFFFE000;
	s22 =	sadd.s32 s30, s12  }
0x3a: {  	[tilespmem:s26], [sflag:$0x3] =	stream.linear.gather [hbm4b:s22+s5], $0x40, $0x38;
	[tilespmem:$0x1C400] =	vst v63  }
0x3b: {  	s26 =	rddreg [dreg:$0x1]  }
0x3c: {  	s8 =	sadd.s32 s26, s2  }
0x3d: {  	s11 =	simm.s32 $0x280;
	s22 =	sadd.s32 $0x9C8, s8  }
0x3e: {  	[tilespmem:s11], [sflag:$0x6] =	stream.linear.gather [hbm4b:s22+s5], $0x40, $0x38;
	[tilespmem:$0x1C400] =	vst v63  }
0x3f: {  	_ =	swait.ge [sflag:s25], $0x40  }
0x40: {  	[sflag:s25] =	ssyncset.done $0x0  }
0x41: {  	[sflag:s25] =	ssyncadd.s32 $0xFFFFFFC0  }
0x42: {  	[tilespmem:s15], [sflag:$0xA] =	stream.indirect.gather [hbm4b:s0+s24], $0x80, s14, s24, $0xb8;
	[tilespmem:$0x1C400] =	vst v63  }
0x43: {  	_ =	swait.ge [sflag:s28], $0x40  }
0x44: {  	[sflag:s28] =	ssyncset.done $0x0  }
0x45: {  	[sflag:s28] =	ssyncadd.s32 $0xFFFFFFC0  }
0x46: {  	_ =	swait.ge [sflag:s29], $0x2000  }
0x47: {  	[sflag:s29] =	ssyncset.done $0x0  }
0x48: {  	s22 =	simm.s32 $0x400;
	s11 =	simm.s32 $0xF;
	[sflag:s29] =	ssyncadd.s32 $0xFFFFE000  }
0x49: {  	[spmem:s4] =	stream.indirect.scatter.add.f32 [tilespmem:s22], [sflag:$0xD], $0x80, s10, s24, $0xb8;
	[tilespmem:$0x1C400] =	vst v63  }
0x4a: {  	_ =	swait.ge [sflag:s11], $0x2000  }
0x4b: {  	s2 =	sadd.s32 $0x9E8, s2;
	[sflag:s11] =	ssyncset.done $0x0  }
0x4c: {  	s12 =	sadd.s32 s2, s12;
	[sflag:s11] =	ssyncadd.s32 $0xFFFFE000  }
0x4d: {  	[tilespmem:s6], [sflag:$0x4] =	stream.linear.gather [hbm4b:s12+s5], $0x40, $0x38;
	[tilespmem:$0x1C400] =	vst v63  }
0x4e: {  	s14 =	sadd.s32 s26, s30  }
0x4f: {  	[tilespmem:s20], [sflag:$0x7] =	stream.linear.gather [hbm4b:s14+s5], $0x40, $0x38;
	[tilespmem:$0x1C400] =	vst v63  }
0x50: {  	_ =	swait.ge [sflag:s13], $0x40  }
0x51: {  	[sflag:s13] =	ssyncset.done $0x0  }
0x52: {  	s15 =	simm.s32 $0x100;
	[sflag:s13] =	ssyncadd.s32 $0xFFFFFFC0  }
0x53: {  	[tilespmem:s23], [sflag:$0xB] =	stream.indirect.gather [hbm4b:s0+s24], $0x80, s15, s24, $0xb8;
	[tilespmem:$0x1C400] =	vst v63  }
0x54: {  	_ =	swait.ge [sflag:s16], $0x40  }
0x55: {  	[sflag:s16] =	ssyncset.done $0x0  }
0x56: {  	[sflag:s16] =	ssyncadd.s32 $0xFFFFFFC0  }
0x57: {  	_ =	swait.ge [sflag:s18], $0x2000  }
0x58: {  	[sflag:s18] =	ssyncset.done $0x0  }
0x59: {  	s10 =	simm.s32 $0x2400;
	s11 =	simm.s32 $0x280;
	[sflag:s18] =	ssyncadd.s32 $0xFFFFE000  }
0x5a: {  	[spmem:s4] =	stream.indirect.scatter.add.f32 [tilespmem:s10], [sflag:$0xE], $0x80, s11, s24, $0xb8;
	[tilespmem:$0x1C400] =	vst v63  }
0x5b: {  	s10 =	simm.s32 $0x10  }
0x5c: {  	_ =	swait.ge [sflag:s10], $0x2000  }
0x5d: {  	[sflag:s10] =	ssyncset.done $0x0  }
0x5e: {  	s2 =	sadd.s32 s26, s2;
	s30 =	simm.s32 $0x380;
	[sflag:s10] =	ssyncadd.s32 $0xFFFFE000  }
0x5f: {  	[tilespmem:s30], [sflag:$0x8] =	stream.linear.gather [hbm4b:s2+s5], $0x40, $0x38;
	[tilespmem:$0x1C400] =	vst v63  }
0x60: {  	_ =	swait.ge [sflag:s21], $0x40  }
0x61: {  	[sflag:s21] =	ssyncset.done $0x0  }
0x62: {  	s14 =	simm.s32 $0x6400;
	[sflag:s21] =	ssyncadd.s32 $0xFFFFFFC0  }
0x63: {  	[tilespmem:s14], [sflag:$0xC] =	stream.indirect.gather [hbm4b:s0+s24], $0x80, s6, s24, $0xb8;
	[tilespmem:$0x1C400] =	vst v63  }
0x64: {  	_ =	swait.ge [sflag:s1], $0x40  }
0x65: {  	[sflag:s1] =	ssyncset.done $0x0  }
0x66: {  	[sflag:s1] =	ssyncadd.s32 $0xFFFFFFC0  }
0x67: {  	_ =	swait.ge [sflag:s7], $0x2000  }
0x68: {  	[sflag:s7] =	ssyncset.done $0x0  }
0x69: {  	[sflag:s7] =	ssyncadd.s32 $0xFFFFE000  }
0x6a: {  	[spmem:s4] =	stream.indirect.scatter.add.f32 [tilespmem:s23], [sflag:$0xF], $0x80, s20, s24, $0xb8;
	[tilespmem:$0x1C400] =	vst v63  }
0x6b: {  	_ =	swait.ge [sflag:s19], $0x2000  }
0x6c: {  	[sflag:s19] =	ssyncset.done $0x0  }
0x6d: {  	[sflag:s19] =	ssyncadd.s32 $0xFFFFE000  }
0x6e: {  	_ =	swait.ge [sflag:s9], $0x40  }
0x6f: {  	[sflag:s9] =	ssyncset.done $0x0  }
0x70: {  	[sflag:s9] =	ssyncadd.s32 $0xFFFFFFC0  }
0x71: {  	_ =	swait.ge [sflag:s31], $0x2000  }
0x72: {  	[sflag:s31] =	ssyncset.done $0x0  }
0x73: {  	s22 =	simm.s32 $0xE;
	[sflag:s31] =	ssyncadd.s32 $0xFFFFE000  }
0x74: {  	[spmem:s4] =	stream.indirect.scatter.add.f32 [tilespmem:s14], [sflag:$0x10], $0x80, s30, s24, $0xb8;
	[tilespmem:$0x1C400] =	vst v63  }
0x75: {  	_ =	swait.ge [sflag:s22], $0x2000  }
0x76: {  	[sflag:s22] =	ssyncset.done $0x0  }
0x77: {  	[sflag:s22] =	ssyncadd.s32 $0xFFFFE000;
	s22 =	simm.s32 $0xF  }
0x78: {  	_ =	swait.ge [sflag:s22], $0x2000  }
0x79: {  	[sflag:s22] =	ssyncset.done $0x0  }
0x7a: {  	[sflag:s22] =	ssyncadd.s32 $0xFFFFE000  }
0x7b: {  	_ =	swait.ge [sflag:s10], $0x2000  }
0x7c: {  	[sflag:s10] =	ssyncset.done $0x0  }
0x7d: {  	[sflag:s10] =	ssyncadd.s32 $0xFFFFE000  }
0x7e: {  	[bflag:$0x0] =	sbarrier.arrive $0xFFFF  }
0x7f: {  	s26 =	sld [smem:$0x7F2]  }
0x80: {  	s22 =	rddreg [dreg:$0xe]  }
0x81: {  	s12 =	simm.s32 $0x11;
	s23 =	rddreg [dreg:$0x1c]  }
0x82: {  	[hbm:s23], [sflag:s22] =	dma.local [spmem:s26], $0x2800  }
0x83: {  	_ =	swait.ge [sflag:s12], $0x2800  }
0x84: {  	s17 =	sadd.s32 $0x1, s17;
	s30 =	rddreg [dreg:$0x1e]  }
0x85: {  	p1 =	sne.s32 s17, s30  }
.Ltmp1:
0x86: {  	_ = 	snop;
	(pc) =	sbr.rel @!p1 .LBB2_9-.Ltmp1, $3  }
0x87: {  	_ =	sdelay $0x1  }
0x88: {  	[sflag:s12] =	ssyncset.done $0x0  }
0x89: {  	s14 =	simm.s32 $0x200;
	[sflag:s12] =	ssyncadd.s32 $0xFFFFD800  }
.LBB2_1:
0x8a: {  	[smem:$0x7F1] =	sst s17  }
0x8b: {  	s2 =	rddreg [dreg:$0xd]  }
0x8c: {  	s30 =	rddreg [dreg:$0x2];
	s8 =	sshrl.u32 s2, $0x3  }
0x8d: {  	[smem:$0x7F2] =	sst s8  }
0x8e: {  	[spmem:s8], [sflag:s22] =	dma.local [hbm:s30], $0x2800  }
.Ltmp2:
0x8f: {  	_ =	swait.ge [sflag:s12], $0x2800;
	(pc) =	sbr.rel @!p0 .LBB2_2-.Ltmp2, $3  }
0x90: {  	[sflag:s12] =	ssyncset.done $0x0  }
0x91: {  	[sflag:s12] =	ssyncadd.s32 $0xFFFFD800  }
0x92: {  	[bflag:$0x0] =	sbarrier.arrive $0xFFFF;
	_ =	sdelay $0x1  }
0x93: {  	s22 =	rddreg [dreg:$0x10]  }
0x94: {  	s2 =	rddreg [dreg:$0x11]  }
0x95: {  	s12 =	simm.s32 $0x0;
	s26 =	rddreg [dreg:$0x12];
	s2 =	sadd.s32 s2, s22  }
0x96: {  	[tilespmem:s12], [sflag:$0x1] =	stream.linear.gather [hbm4b:s2+s12], $0x40, $0x38;
	[tilespmem:$0x1C400] =	vst v63  }
0x97: {  	s8 =	simm.s32 $0x80;
	s2 =	sadd.s32 s26, s22  }
0x98: {  	[tilespmem:s8], [sflag:$0x2] =	stream.linear.gather [hbm4b:s2+s12], $0x40, $0x38;
	[tilespmem:$0x1C400] =	vst v63  }
0x99: {  	s30 =	rddreg [dreg:$0x13]  }
0x9a: {  	[tilespmem:s14], [sflag:$0x5] =	stream.linear.gather [hbm4b:s30+s12], $0x40, $0x38;
	[tilespmem:$0x1C400] =	vst v63  }
0x9b: {  	_ =	swait.ge [sflag:s3], $0x40  }
0x9c: {  	[sflag:s3] =	ssyncset.done $0x0  }
0x9d: {  	s26 =	simm.s32 $0x400;
	s6 =	rddreg [dreg:$0x14];
	[sflag:s3] =	ssyncadd.s32 $0xFFFFFFC0  }
0x9e: {  	[tilespmem:s26], [sflag:$0x9] =	stream.indirect.gather [hbm4b:s0+s24], $0x80, s12, s24, $0xb8;
	[tilespmem:$0x1C400] =	vst v63  }
0x9f: {  	s2 =	sadd.s32 s6, s22  }
0xa0: {  	[tilespmem:s15], [sflag:$0x3] =	stream.linear.gather [hbm4b:s2+s12], $0x40, $0x38;
	[tilespmem:$0x1C400] =	vst v63  }
0xa1: {  	s10 =	rddreg [dreg:$0x15]  }
0xa2: {  	[tilespmem:s11], [sflag:$0x6] =	stream.linear.gather [hbm4b:s10+s12], $0x40, $0x38;
	[tilespmem:$0x1C400] =	vst v63  }
0xa3: {  	_ =	swait.ge [sflag:s25], $0x40  }
0xa4: {  	[sflag:s25] =	ssyncset.done $0x0  }
0xa5: {  	s20 =	simm.s32 $0x2400;
	[sflag:s25] =	ssyncadd.s32 $0xFFFFFFC0  }
0xa6: {  	[tilespmem:s20], [sflag:$0xA] =	stream.indirect.gather [hbm4b:s0+s24], $0x80, s8, s24, $0xb8;
	[tilespmem:$0x1C400] =	vst v63  }
0xa7: {  	_ =	swait.ge [sflag:s28], $0x40  }
0xa8: {  	[sflag:s28] =	ssyncset.done $0x0  }
0xa9: {  	[sflag:s28] =	ssyncadd.s32 $0xFFFFFFC0  }
0xaa: {  	_ =	swait.ge [sflag:s29], $0x2000  }
0xab: {  	[sflag:s29] =	ssyncset.done $0x0  }
0xac: {  	s17 =	rddreg [dreg:$0x16];
	[sflag:s29] =	ssyncadd.s32 $0xFFFFE000  }
0xad: {  	[spmem:s4] =	stream.indirect.scatter.add.f32 [tilespmem:s26], [sflag:$0xD], $0x80, s14, s24, $0xb8;
	[tilespmem:$0x1C400] =	vst v63  }
0xae: {  	s6 =	simm.s32 $0x180;
	s23 =	sld [smem:$0x7F4];
	s2 =	sadd.s32 s17, s22  }
0xaf: {  	[tilespmem:s6], [sflag:$0x4] =	stream.linear.gather [hbm4b:s2+s12], $0x40, $0x38;
	[tilespmem:$0x1C400] =	vst v63  }
0xb0: {  	s17 =	simm.s32 $0x300  }
0xb1: {  	[tilespmem:s17], [sflag:$0x7] =	stream.linear.gather [hbm4b:s23+s12], $0x40, $0x38;
	[tilespmem:$0x1C400] =	vst v63  }
0xb2: {  	_ =	swait.ge [sflag:s13], $0x40  }
0xb3: {  	[sflag:s13] =	ssyncset.done $0x0  }
0xb4: {  	s23 =	simm.s32 $0x4400;
	[sflag:s13] =	ssyncadd.s32 $0xFFFFFFC0  }
0xb5: {  	[tilespmem:s23], [sflag:$0xB] =	stream.indirect.gather [hbm4b:s0+s24], $0x80, s15, s24, $0xb8;
	[tilespmem:$0x1C400] =	vst v63  }
0xb6: {  	_ =	swait.ge [sflag:s16], $0x40  }
0xb7: {  	[sflag:s16] =	ssyncset.done $0x0  }
0xb8: {  	[sflag:s16] =	ssyncadd.s32 $0xFFFFFFC0  }
0xb9: {  	_ =	swait.ge [sflag:s18], $0x2000  }
0xba: {  	[sflag:s18] =	ssyncset.done $0x0  }
0xbb: {  	s30 =	rddreg [dreg:$0x18];
	[sflag:s18] =	ssyncadd.s32 $0xFFFFE000  }
0xbc: {  	[spmem:s4] =	stream.indirect.scatter.add.f32 [tilespmem:s20], [sflag:$0xE], $0x80, s11, s24, $0xb8;
	[tilespmem:$0x1C400] =	vst v63  }
0xbd: {  	s10 =	sld [smem:$0x7F5];
	s2 =	sadd.s32 s30, s22  }
0xbe: {  	[tilespmem:s12], [sflag:$0x1] =	stream.linear.gather [hbm4b:s2+s12], $0x40, $0x38;
	[tilespmem:$0x1C400] =	vst v63  }
0xbf: {  	s30 =	simm.s32 $0x380  }
0xc0: {  	[tilespmem:s30], [sflag:$0x8] =	stream.linear.gather [hbm4b:s10+s12], $0x40, $0x38;
	[tilespmem:$0x1C400] =	vst v63  }
0xc1: {  	_ =	swait.ge [sflag:s21], $0x40  }
0xc2: {  	[sflag:s21] =	ssyncset.done $0x0  }
0xc3: {  	s10 =	simm.s32 $0x6400;
	[sflag:s21] =	ssyncadd.s32 $0xFFFFFFC0  }
0xc4: {  	[tilespmem:s10], [sflag:$0xC] =	stream.indirect.gather [hbm4b:s0+s24], $0x80, s6, s24, $0xb8;
	[tilespmem:$0x1C400] =	vst v63  }
0xc5: {  	_ =	swait.ge [sflag:s1], $0x40  }
0xc6: {  	[sflag:s1] =	ssyncset.done $0x0  }
0xc7: {  	[sflag:s1] =	ssyncadd.s32 $0xFFFFFFC0  }
0xc8: {  	_ =	swait.ge [sflag:s7], $0x2000  }
0xc9: {  	[sflag:s7] =	ssyncset.done $0x0  }
0xca: {  	[sflag:s7] =	ssyncadd.s32 $0xFFFFE000  }
0xcb: {  	[spmem:s4] =	stream.indirect.scatter.add.f32 [tilespmem:s23], [sflag:$0xF], $0x80, s17, s24, $0xb8;
	[tilespmem:$0x1C400] =	vst v63  }
0xcc: {  	_ =	swait.ge [sflag:s19], $0x2000  }
0xcd: {  	s2 =	sld [smem:$0x7F3]  }
0xce: {  	[sflag:s19] =	ssyncset.done $0x0  }
0xcf: {  	[sflag:s19] =	ssyncadd.s32 $0xFFFFE000  }
0xd0: {  	[tilespmem:s8], [sflag:$0x2] =	stream.linear.gather [hbm4b:s2+s12], $0x40, $0x38;
	[tilespmem:$0x1C400] =	vst v63  }
0xd1: {  	s2 =	sld [smem:$0x7F6];
	_ =	sdelay $0x2  }
0xd2: {  	[tilespmem:s14], [sflag:$0x5] =	stream.linear.gather [hbm4b:s2+s12], $0x40, $0x38;
	[tilespmem:$0x1C400] =	vst v63  }
0xd3: {  	s12 =	rddreg [dreg:$0x17]  }
0xd4: {  	s2 =	sadd.s32 s22, s12;
	s12 =	rddreg [dreg:$0x19]  }
0xd5: {  	[dreg:$0x9] =	wrdreg s2;
	s2 =	sadd.s32 s22, s12  }
0xd6: {  	[dreg:$0xa] =	wrdreg s2  }
0xd7: {  	_ =	swait.ge [sflag:s3], $0x40  }
0xd8: {  	[sflag:s3] =	ssyncset.done $0x0  }
0xd9: {  	[sflag:s3] =	ssyncadd.s32 $0xFFFFFFC0  }
0xda: {  	[tilespmem:s26], [sflag:$0x9] =	stream.indirect.gather [hbm4b:s0+s24], $0x80, s5, s24, $0xb8;
	[tilespmem:$0x1C400] =	vst v63  }
0xdb: {  	_ =	swait.ge [sflag:s9], $0x40  }
0xdc: {  	[sflag:s9] =	ssyncset.done $0x0  }
0xdd: {  	[sflag:s9] =	ssyncadd.s32 $0xFFFFFFC0  }
0xde: {  	_ =	swait.ge [sflag:s31], $0x2000  }
0xdf: {  	[sflag:s31] =	ssyncset.done $0x0  }
0xe0: {  	s12 =	simm.s32 $0xE;
	[sflag:s31] =	ssyncadd.s32 $0xFFFFE000  }
0xe1: {  	[spmem:s4] =	stream.indirect.scatter.add.f32 [tilespmem:s10], [sflag:$0x10], $0x80, s30, s24, $0xb8;
	[tilespmem:$0x1C400] =	vst v63  }
0xe2: {  	_ =	swait.ge [sflag:s12], $0x2000  }
0xe3: {  	s15 =	simm.s32 $0x100;
	s22 =	rddreg [dreg:$0xa];
	[sflag:s12] =	ssyncset.done $0x0  }
0xe4: {  	s9 =	rddreg [dreg:$0x7];
	[sflag:s12] =	ssyncadd.s32 $0xFFFFE000;
	s2 =	sadd.s32 $0x0, s22  }
0xe5: {  	[tilespmem:s15], [sflag:$0x3] =	stream.linear.gather [hbm4b:s2+s5], $0x40, $0x38;
	[tilespmem:$0x1C400] =	vst v63  }
0xe6: {  	s11 =	simm.s32 $0x280;
	s12 =	sadd.s32 $0x0, s9  }
0xe7: {  	[tilespmem:s11], [sflag:$0x6] =	stream.linear.gather [hbm4b:s12+s5], $0x40, $0x38;
	[tilespmem:$0x1C400] =	vst v63  }
0xe8: {  	_ =	swait.ge [sflag:s25], $0x40  }
0xe9: {  	[sflag:s25] =	ssyncset.done $0x0  }
0xea: {  	[sflag:s25] =	ssyncadd.s32 $0xFFFFFFC0  }
0xeb: {  	[tilespmem:s20], [sflag:$0xA] =	stream.indirect.gather [hbm4b:s0+s24], $0x80, s8, s24, $0xb8;
	[tilespmem:$0x1C400] =	vst v63  }
0xec: {  	_ =	swait.ge [sflag:s28], $0x40  }
0xed: {  	[sflag:s28] =	ssyncset.done $0x0  }
0xee: {  	[sflag:s28] =	ssyncadd.s32 $0xFFFFFFC0  }
0xef: {  	_ =	swait.ge [sflag:s29], $0x2000  }
0xf0: {  	[sflag:s29] =	ssyncset.done $0x0  }
0xf1: {  	s12 =	simm.s32 $0xF;
	[sflag:s29] =	ssyncadd.s32 $0xFFFFE000  }
0xf2: {  	[spmem:s4] =	stream.indirect.scatter.add.f32 [tilespmem:s26], [sflag:$0xD], $0x80, s14, s24, $0xb8;
	[tilespmem:$0x1C400] =	vst v63  }
0xf3: {  	_ =	swait.ge [sflag:s12], $0x2000  }
0xf4: {  	[sflag:s12] =	ssyncset.done $0x0  }
0xf5: {  	s2 =	sadd.s32 $0x8, s2;
	s14 =	rddreg [dreg:$0x8];
	[sflag:s12] =	ssyncadd.s32 $0xFFFFE000  }
0xf6: {  	[tilespmem:s6], [sflag:$0x4] =	stream.linear.gather [hbm4b:s2+s5], $0x40, $0x38;
	[tilespmem:$0x1C400] =	vst v63  }
0xf7: {  	s22 =	sadd.s32 $0x0, s14  }
0xf8: {  	[tilespmem:s17], [sflag:$0x7] =	stream.linear.gather [hbm4b:s22+s5], $0x40, $0x38;
	[tilespmem:$0x1C400] =	vst v63  }
0xf9: {  	_ =	swait.ge [sflag:s13], $0x40  }
0xfa: {  	[sflag:s13] =	ssyncset.done $0x0  }
0xfb: {  	[sflag:s13] =	ssyncadd.s32 $0xFFFFFFC0  }
0xfc: {  	[tilespmem:s23], [sflag:$0xB] =	stream.indirect.gather [hbm4b:s0+s24], $0x80, s15, s24, $0xb8;
	[tilespmem:$0x1C400] =	vst v63  }
0xfd: {  	_ =	swait.ge [sflag:s16], $0x40  }
0xfe: {  	[sflag:s16] =	ssyncset.done $0x0  }
0xff: {  	[sflag:s16] =	ssyncadd.s32 $0xFFFFFFC0  }
0x100: {  	_ =	swait.ge [sflag:s18], $0x2000  }
0x101: {  	[sflag:s18] =	ssyncset.done $0x0  }
0x102: {  	s25 =	simm.s32 $0x10;
	[sflag:s18] =	ssyncadd.s32 $0xFFFFE000  }
0x103: {  	[spmem:s4] =	stream.indirect.scatter.add.f32 [tilespmem:s20], [sflag:$0xE], $0x80, s11, s24, $0xb8;
	[tilespmem:$0x1C400] =	vst v63  }
0x104: {  	_ =	swait.ge [sflag:s25], $0x2000  }
0x105: {  	s26 =	rddreg [dreg:$0x9];
	[sflag:s25] =	ssyncset.done $0x0  }
0x106: {  	[sflag:s25] =	ssyncadd.s32 $0xFFFFE000;
	s12 =	sadd.s32 $0x0, s26  }
0x107: {  	[tilespmem:s5], [sflag:$0x1] =	stream.linear.gather [hbm4b:s12+s5], $0x40, $0x38;
	[tilespmem:$0x1C400] =	vst v63  }
0x108: {  	s2 =	sadd.s32 $0x8, s22  }
0x109: {  	[tilespmem:s30], [sflag:$0x8] =	stream.linear.gather [hbm4b:s2+s5], $0x40, $0x38;
	[tilespmem:$0x1C400] =	vst v63  }
0x10a: {  	_ =	swait.ge [sflag:s21], $0x40  }
0x10b: {  	[sflag:s21] =	ssyncset.done $0x0  }
0x10c: {  	[sflag:s21] =	ssyncadd.s32 $0xFFFFFFC0  }
0x10d: {  	[tilespmem:s10], [sflag:$0xC] =	stream.indirect.gather [hbm4b:s0+s24], $0x80, s6, s24, $0xb8;
	[tilespmem:$0x1C400] =	vst v63  }
0x10e: {  	s31 =	simm.s32 $0x8;
	_ =	swait.ge [sflag:s1], $0x40  }
0x10f: {  	s9 =	simm.s32 $0xD;
	s28 =	simm.s32 $0x2;
	[sflag:s1] =	ssyncset.done $0x0  }
0x110: {  	s29 =	simm.s32 $0x5;
	s22 =	simm.s32 $0x40;
	[sflag:s1] =	ssyncadd.s32 $0xFFFFFFC0  }
0x111: {  	s13 =	simm.s32 $0x9;
	s15 =	simm.s32 $0x3;
	_ =	swait.ge [sflag:s7], $0x2000  }
0x112: {  	s18 =	simm.s32 $0x6;
	s25 =	simm.s32 $0x1;
	[sflag:s7] =	ssyncset.done $0x0  }
0x113: {  	s12 =	sadd.s32 $0x8, s12;
	s6 =	simm.s32 $0xA;
	[sflag:s7] =	ssyncadd.s32 $0xFFFFE000  }
0x114: {  	[spmem:s4] =	stream.indirect.scatter.add.f32 [tilespmem:s23], [sflag:$0xF], $0x80, s17, s24, $0xb8;
	[tilespmem:$0x1C400] =	vst v63  }
0x115: {  	s1 =	simm.s32 $0xC;
	s7 =	simm.s32 $0x7;
	_ =	swait.ge [sflag:s19], $0x2000  }
0x116: {  	s23 =	simm.s32 $0x4;
	[sflag:s19] =	ssyncset.done $0x0;
	s30 =	rddreg [dreg:$0x6]  }
0x117: {  	[sflag:s19] =	ssyncadd.s32 $0xFFFFE000;
	s2 =	sadd.s32 $0x0, s30;
	s19 =	simm.s32 $0xB  }
0x118: {  	[tilespmem:s8], [sflag:$0x2] =	stream.linear.gather [hbm4b:s12+s5], $0x40, $0x38;
	[tilespmem:$0x1C400] =	vst v63  }
.LBB2_6:
0x119: {  	s11 =	simm.s32 $0x200  }
0x11a: {  	[tilespmem:s11], [sflag:$0x5] =	stream.linear.gather [hbm4b:s2+s5], $0x40, $0x38;
	[tilespmem:$0x1C400] =	vst v63  }
0x11b: {  	_ =	swait.ge [sflag:s25], $0x40  }
0x11c: {  	[sflag:s25] =	ssyncset.done $0x0  }
0x11d: {  	s16 =	simm.s32 $0x400;
	[sflag:s25] =	ssyncadd.s32 $0xFFFFFFC0  }
0x11e: {  	[tilespmem:s16], [sflag:$0x9] =	stream.indirect.gather [hbm4b:s0+s24], $0x80, s5, s24, $0xb8;
	[tilespmem:$0x1C400] =	vst v63  }
0x11f: {  	_ =	swait.ge [sflag:s31], $0x40  }
0x120: {  	[sflag:s31] =	ssyncset.done $0x0  }
0x121: {  	[sflag:s31] =	ssyncadd.s32 $0xFFFFFFC0  }
0x122: {  	_ =	swait.ge [sflag:s1], $0x2000  }
0x123: {  	s21 =	simm.s32 $0x6400;
	[sflag:s1] =	ssyncset.done $0x0  }
0x124: {  	s3 =	simm.s32 $0x380;
	s8 =	simm.s32 $0xE;
	[sflag:s1] =	ssyncadd.s32 $0xFFFFE000  }
0x125: {  	[spmem:s4] =	stream.indirect.scatter.add.f32 [tilespmem:s21], [sflag:$0x10], $0x80, s3, s24, $0xb8;
	[tilespmem:$0x1C400] =	vst v63  }
0x126: {  	s30 =	smov.u32 s22;
	_ =	swait.ge [sflag:s8], $0x2000  }
0x127: {  	s20 =	simm.s32 $0x100;
	s10 =	rddreg [dreg:$0xa];
	[sflag:s8] =	ssyncset.done $0x0  }
0x128: {  	s12 =	rddreg [dreg:$0x7];
	[sflag:s8] =	ssyncadd.s32 $0xFFFFE000;
	s2 =	sadd.s32 s30, s10  }
0x129: {  	[tilespmem:s20], [sflag:$0x3] =	stream.linear.gather [hbm4b:s2+s5], $0x40, $0x38;
	[tilespmem:$0x1C400] =	vst v63  }
0x12a: {  	s26 =	simm.s32 $0x280;
	s12 =	sadd.s32 s30, s12  }
0x12b: {  	[tilespmem:s26], [sflag:$0x6] =	stream.linear.gather [hbm4b:s12+s5], $0x40, $0x38;
	[tilespmem:$0x1C400] =	vst v63  }
0x12c: {  	_ =	swait.ge [sflag:s28], $0x40  }
0x12d: {  	[sflag:s28] =	ssyncset.done $0x0  }
0x12e: {  	s14 =	simm.s32 $0x80;
	s8 =	simm.s32 $0x2400;
	[sflag:s28] =	ssyncadd.s32 $0xFFFFFFC0  }
0x12f: {  	[tilespmem:s8], [sflag:$0xA] =	stream.indirect.gather [hbm4b:s0+s24], $0x80, s14, s24, $0xb8;
	[tilespmem:$0x1C400] =	vst v63  }
0x130: {  	_ =	swait.ge [sflag:s29], $0x40  }
0x131: {  	[sflag:s29] =	ssyncset.done $0x0  }
0x132: {  	[sflag:s29] =	ssyncadd.s32 $0xFFFFFFC0  }
0x133: {  	_ =	swait.ge [sflag:s13], $0x2000  }
0x134: {  	[sflag:s13] =	ssyncset.done $0x0  }
0x135: {  	[sflag:s13] =	ssyncadd.s32 $0xFFFFE000  }
0x136: {  	[spmem:s4] =	stream.indirect.scatter.add.f32 [tilespmem:s16], [sflag:$0xD], $0x80, s11, s24, $0xb8;
	[tilespmem:$0x1C400] =	vst v63  }
0x137: {  	s16 =	simm.s32 $0xF  }
0x138: {  	_ =	swait.ge [sflag:s16], $0x2000  }
0x139: {  	s2 =	sadd.s32 $0x8, s2;
	[sflag:s16] =	ssyncset.done $0x0  }
0x13a: {  	s17 =	rddreg [dreg:$0x8];
	[sflag:s16] =	ssyncadd.s32 $0xFFFFE000;
	s16 =	simm.s32 $0x180  }
0x13b: {  	[tilespmem:s16], [sflag:$0x4] =	stream.linear.gather [hbm4b:s2+s5], $0x40, $0x38;
	[tilespmem:$0x1C400] =	vst v63  }
0x13c: {  	s11 =	simm.s32 $0x300;
	s2 =	sadd.s32 s30, s17  }
0x13d: {  	[tilespmem:s11], [sflag:$0x7] =	stream.linear.gather [hbm4b:s2+s5], $0x40, $0x38;
	[tilespmem:$0x1C400] =	vst v63  }
0x13e: {  	_ =	swait.ge [sflag:s15], $0x40  }
0x13f: {  	[sflag:s15] =	ssyncset.done $0x0  }
0x140: {  	s17 =	simm.s32 $0x4400;
	[sflag:s15] =	ssyncadd.s32 $0xFFFFFFC0  }
0x141: {  	[tilespmem:s17], [sflag:$0xB] =	stream.indirect.gather [hbm4b:s0+s24], $0x80, s20, s24, $0xb8;
	[tilespmem:$0x1C400] =	vst v63  }
0x142: {  	_ =	swait.ge [sflag:s18], $0x40  }
0x143: {  	[sflag:s18] =	ssyncset.done $0x0  }
0x144: {  	[sflag:s18] =	ssyncadd.s32 $0xFFFFFFC0  }
0x145: {  	_ =	swait.ge [sflag:s6], $0x2000  }
0x146: {  	[sflag:s6] =	ssyncset.done $0x0  }
0x147: {  	s12 =	simm.s32 $0x10;
	[sflag:s6] =	ssyncadd.s32 $0xFFFFE000  }
0x148: {  	[spmem:s4] =	stream.indirect.scatter.add.f32 [tilespmem:s8], [sflag:$0xE], $0x80, s26, s24, $0xb8;
	[tilespmem:$0x1C400] =	vst v63  }
0x149: {  	_ =	swait.ge [sflag:s12], $0x2000  }
0x14a: {  	s20 =	rddreg [dreg:$0x9];
	[sflag:s12] =	ssyncset.done $0x0  }
0x14b: {  	[sflag:s12] =	ssyncadd.s32 $0xFFFFE000;
	s12 =	sadd.s32 s30, s20  }
0x14c: {  	[tilespmem:s5], [sflag:$0x1] =	stream.linear.gather [hbm4b:s12+s5], $0x40, $0x38;
	[tilespmem:$0x1C400] =	vst v63  }
0x14d: {  	s2 =	sadd.s32 $0x8, s2  }
0x14e: {  	[tilespmem:s3], [sflag:$0x8] =	stream.linear.gather [hbm4b:s2+s5], $0x40, $0x38;
	[tilespmem:$0x1C400] =	vst v63  }
0x14f: {  	_ =	swait.ge [sflag:s23], $0x40  }
0x150: {  	[sflag:s23] =	ssyncset.done $0x0  }
0x151: {  	[sflag:s23] =	ssyncadd.s32 $0xFFFFFFC0  }
0x152: {  	[tilespmem:s21], [sflag:$0xC] =	stream.indirect.gather [hbm4b:s0+s24], $0x80, s16, s24, $0xb8;
	[tilespmem:$0x1C400] =	vst v63  }
0x153: {  	_ =	swait.ge [sflag:s7], $0x40  }
0x154: {  	[sflag:s7] =	ssyncset.done $0x0  }
0x155: {  	[sflag:s7] =	ssyncadd.s32 $0xFFFFFFC0  }
0x156: {  	_ =	swait.ge [sflag:s19], $0x2000  }
0x157: {  	[sflag:s19] =	ssyncset.done $0x0  }
0x158: {  	p1 =	sne.s32 s22, $0x900;
	[sflag:s19] =	ssyncadd.s32 $0xFFFFE000  }
0x159: {  	[spmem:s4] =	stream.indirect.scatter.add.f32 [tilespmem:s17], [sflag:$0xF], $0x80, s11, s24, $0xb8;
	[tilespmem:$0x1C400] =	vst v63  }
.Ltmp3:
0x15a: {  	_ = 	snop;
	(pc) =	sbr.rel @p1 .LBB2_6-.Ltmp3, $4  }
0x15b: {  	s22 =	sadd.s32 $0x40, s22;
	_ =	swait.ge [sflag:s9], $0x2000  }
0x15c: {  	s10 =	simm.s32 $0x200;
	[sflag:s9] =	ssyncset.done $0x0;
	s26 =	rddreg [dreg:$0x6]  }
0x15d: {  	s12 =	sadd.s32 $0x8, s12;
	[sflag:s9] =	ssyncadd.s32 $0xFFFFE000;
	s2 =	sadd.s32 s30, s26  }
0x15e: {  	[tilespmem:s14], [sflag:$0x2] =	stream.linear.gather [hbm4b:s12+s5], $0x40, $0x38;
	[tilespmem:$0x1C400] =	vst v63  }
0x15f: {  	[tilespmem:s10], [sflag:$0x5] =	stream.linear.gather [hbm4b:s2+s5], $0x40, $0x38;
	[tilespmem:$0x1C400] =	vst v63  }
0x160: {  	s14 =	simm.s32 $0x80;
	s2 =	rddreg [dreg:$0xf]  }
0x161: {  	s15 =	simm.s32 $0x2400;
	s6 =	simm.s32 $0x180;
	s20 =	simm.s32 $0x300  }
0x162: {  	s3 =	simm.s32 $0x1;
	s25 =	simm.s32 $0x2;
	s28 =	simm.s32 $0x5  }
.Ltmp4:
0x163: {  	s29 =	simm.s32 $0x9;
	s13 =	simm.s32 $0x3;
	(pc) =	sbr.rel .LBB2_8-.Ltmp4, $4  }
0x164: {  	s23 =	simm.s32 $0x4400;
	s16 =	simm.s32 $0x6;
	s18 =	simm.s32 $0xA  }
0x165: {  	s11 =	simm.s32 $0x380;
	s21 =	simm.s32 $0x4;
	s8 =	simm.s32 $0x6400  }
0x166: {  	s1 =	simm.s32 $0x7;
	s7 =	simm.s32 $0xB;
	s19 =	simm.s32 $0xD  }
0x167: {  	s9 =	simm.s32 $0x8;
	s31 =	simm.s32 $0xC;
	s17 =	sld [smem:$0x7F1]  }
.LBB2_2:
0x168: {  	s12 =	rddreg [dreg:$0x10]  }
0x169: {  	s30 =	rddreg [dreg:$0x1b]  }
0x16a: {  	s20 =	sld [smem:$0x7F7]  }
0x16b: {  	s22 =	simm.s32 $0x0;
	s2 =	sadd.s32 s30, s12  }
0x16c: {  	[tilespmem:s22], [sflag:$0x1] =	stream.linear.gather [hbm4b:s2+s22], $0x40, $0x38;
	[tilespmem:$0x1C400] =	vst v63  }
0x16d: {  	s14 =	simm.s32 $0x80;
	s2 =	sadd.s32 s20, s12  }
0x16e: {  	[tilespmem:s14], [sflag:$0x2] =	stream.linear.gather [hbm4b:s2+s22], $0x40, $0x38;
	[tilespmem:$0x1C400] =	vst v63  }
0x16f: {  	s26 =	simm.s32 $0x200;
	s17 =	rddreg [dreg:$0xc]  }
0x170: {  	[tilespmem:s26], [sflag:$0x5] =	stream.linear.gather [hbm4b:s17+s22], $0x40, $0x38;
	[tilespmem:$0x1C400] =	vst v63  }
0x171: {  	_ =	swait.ge [sflag:s3], $0x40  }
0x172: {  	[sflag:s3] =	ssyncset.done $0x0;
	s23 =	sld [smem:$0x7F9]  }
0x173: {  	s10 =	simm.s32 $0x400;
	[sflag:s3] =	ssyncadd.s32 $0xFFFFFFC0  }
0x174: {  	[tilespmem:s10], [sflag:$0x9] =	stream.indirect.gather [hbm4b:s0+s24], $0x80, s22, s24, $0xb8;
	[tilespmem:$0x1C400] =	vst v63  }
0x175: {  	s15 =	simm.s32 $0x100;
	s6 =	sld [smem:$0x7F8];
	s2 =	sadd.s32 s23, s12  }
0x176: {  	[tilespmem:s15], [sflag:$0x3] =	stream.linear.gather [hbm4b:s2+s22], $0x40, $0x38;
	[tilespmem:$0x1C400] =	vst v63  }
0x177: {  	s1 =	simm.s32 $0x280  }
0x178: {  	[tilespmem:s1], [sflag:$0x6] =	stream.linear.gather [hbm4b:s6+s22], $0x40, $0x38;
	[tilespmem:$0x1C400] =	vst v63  }
0x179: {  	_ =	swait.ge [sflag:s25], $0x40  }
0x17a: {  	[sflag:s25] =	ssyncset.done $0x0  }
0x17b: {  	s11 =	simm.s32 $0x2400;
	[sflag:s25] =	ssyncadd.s32 $0xFFFFFFC0  }
0x17c: {  	[tilespmem:s11], [sflag:$0xA] =	stream.indirect.gather [hbm4b:s0+s24], $0x80, s14, s24, $0xb8;
	[tilespmem:$0x1C400] =	vst v63  }
0x17d: {  	_ =	swait.ge [sflag:s28], $0x40  }
0x17e: {  	[sflag:s28] =	ssyncset.done $0x0  }
0x17f: {  	[sflag:s28] =	ssyncadd.s32 $0xFFFFFFC0  }
0x180: {  	_ =	swait.ge [sflag:s29], $0x2000  }
0x181: {  	[sflag:s29] =	ssyncset.done $0x0;
	s20 =	sld [smem:$0x7FB]  }
0x182: {  	[sflag:s29] =	ssyncadd.s32 $0xFFFFE000  }
0x183: {  	[spmem:s4] =	stream.indirect.scatter.add.f32 [tilespmem:s10], [sflag:$0xD], $0x80, s26, s24, $0xb8;
	[tilespmem:$0x1C400] =	vst v63  }
0x184: {  	s6 =	simm.s32 $0x180;
	s23 =	sld [smem:$0x7FA];
	s2 =	sadd.s32 s20, s12  }
0x185: {  	[tilespmem:s6], [sflag:$0x4] =	stream.linear.gather [hbm4b:s2+s22], $0x40, $0x38;
	[tilespmem:$0x1C400] =	vst v63  }
0x186: {  	s20 =	simm.s32 $0x300  }
0x187: {  	[tilespmem:s20], [sflag:$0x7] =	stream.linear.gather [hbm4b:s23+s22], $0x40, $0x38;
	[tilespmem:$0x1C400] =	vst v63  }
0x188: {  	_ =	swait.ge [sflag:s13], $0x40  }
0x189: {  	[sflag:s13] =	ssyncset.done $0x0  }
0x18a: {  	s23 =	simm.s32 $0x4400;
	[sflag:s13] =	ssyncadd.s32 $0xFFFFFFC0  }
0x18b: {  	[tilespmem:s23], [sflag:$0xB] =	stream.indirect.gather [hbm4b:s0+s24], $0x80, s15, s24, $0xb8;
	[tilespmem:$0x1C400] =	vst v63  }
0x18c: {  	_ =	swait.ge [sflag:s16], $0x40  }
0x18d: {  	[sflag:s16] =	ssyncset.done $0x0  }
0x18e: {  	[sflag:s16] =	ssyncadd.s32 $0xFFFFFFC0  }
0x18f: {  	_ =	swait.ge [sflag:s18], $0x2000  }
0x190: {  	[sflag:s18] =	ssyncset.done $0x0  }
0x191: {  	s8 =	simm.s32 $0x280;
	[sflag:s18] =	ssyncadd.s32 $0xFFFFE000  }
0x192: {  	[spmem:s4] =	stream.indirect.scatter.add.f32 [tilespmem:s11], [sflag:$0xE], $0x80, s8, s24, $0xb8;
	[tilespmem:$0x1C400] =	vst v63  }
0x193: {  	s8 =	rddreg [dreg:$0x1d]  }
0x194: {  	s16 =	sld [smem:$0x7FC];
	s2 =	sadd.s32 s8, s12  }
0x195: {  	[tilespmem:s22], [sflag:$0x1] =	stream.linear.gather [hbm4b:s2+s22], $0x40, $0x38;
	[tilespmem:$0x1C400] =	vst v63  }
0x196: {  	s18 =	simm.s32 $0x380  }
0x197: {  	[tilespmem:s18], [sflag:$0x8] =	stream.linear.gather [hbm4b:s16+s22], $0x40, $0x38;
	[tilespmem:$0x1C400] =	vst v63  }
0x198: {  	_ =	swait.ge [sflag:s21], $0x40  }
0x199: {  	[sflag:s21] =	ssyncset.done $0x0  }
0x19a: {  	s8 =	simm.s32 $0x7;
	[sflag:s21] =	ssyncadd.s32 $0xFFFFFFC0;
	s21 =	simm.s32 $0x6400  }
0x19b: {  	[tilespmem:s21], [sflag:$0xC] =	stream.indirect.gather [hbm4b:s0+s24], $0x80, s6, s24, $0xb8;
	[tilespmem:$0x1C400] =	vst v63  }
0x19c: {  	_ =	swait.ge [sflag:s8], $0x40  }
0x19d: {  	[sflag:s8] =	ssyncset.done $0x0  }
0x19e: {  	[sflag:s8] =	ssyncadd.s32 $0xFFFFFFC0  }
0x19f: {  	_ =	swait.ge [sflag:s7], $0x2000  }
0x1a0: {  	[sflag:s7] =	ssyncset.done $0x0  }
0x1a1: {  	[sflag:s7] =	ssyncadd.s32 $0xFFFFE000  }
0x1a2: {  	[spmem:s4] =	stream.indirect.scatter.add.f32 [tilespmem:s23], [sflag:$0xF], $0x80, s20, s24, $0xb8;
	[tilespmem:$0x1C400] =	vst v63  }
0x1a3: {  	_ =	swait.ge [sflag:s19], $0x2000  }
0x1a4: {  	[sflag:s19] =	ssyncset.done $0x0  }
0x1a5: {  	s8 =	rddreg [dreg:$0x1f];
	[sflag:s19] =	ssyncadd.s32 $0xFFFFE000  }
0x1a6: {  	[tilespmem:s14], [sflag:$0x2] =	stream.linear.gather [hbm4b:s8+s22], $0x40, $0x38;
	[tilespmem:$0x1C400] =	vst v63  }
0x1a7: {  	s8 =	sld [smem:$0x7FD]  }
0x1a8: {  	s14 =	sadd.s32 s12, s30  }
0x1a9: {  	[dreg:$0xb] =	wrdreg s14  }
0x1aa: {  	[tilespmem:s26], [sflag:$0x5] =	stream.linear.gather [hbm4b:s8+s22], $0x40, $0x38;
	[tilespmem:$0x1C400] =	vst v63  }
0x1ab: {  	_ =	swait.ge [sflag:s3], $0x40  }
0x1ac: {  	[sflag:s3] =	ssyncset.done $0x0  }
0x1ad: {  	[sflag:s3] =	ssyncadd.s32 $0xFFFFFFC0  }
0x1ae: {  	[tilespmem:s10], [sflag:$0x9] =	stream.indirect.gather [hbm4b:s0+s24], $0x80, s5, s24, $0xb8;
	[tilespmem:$0x1C400] =	vst v63  }
0x1af: {  	_ =	swait.ge [sflag:s9], $0x40  }
0x1b0: {  	[sflag:s9] =	ssyncset.done $0x0  }
0x1b1: {  	[sflag:s9] =	ssyncadd.s32 $0xFFFFFFC0  }
0x1b2: {  	_ =	swait.ge [sflag:s31], $0x2000  }
0x1b3: {  	[sflag:s31] =	ssyncset.done $0x0  }
0x1b4: {  	s22 =	simm.s32 $0x380;
	s8 =	simm.s32 $0xE;
	[sflag:s31] =	ssyncadd.s32 $0xFFFFE000  }
0x1b5: {  	[spmem:s4] =	stream.indirect.scatter.add.f32 [tilespmem:s21], [sflag:$0x10], $0x80, s22, s24, $0xb8;
	[tilespmem:$0x1C400] =	vst v63  }
0x1b6: {  	_ =	swait.ge [sflag:s8], $0x2000  }
0x1b7: {  	s30 =	rddreg [dreg:$0xb]  }
0x1b8: {  	[sflag:s8] =	ssyncset.done $0x0;
	s2 =	sadd.s32 $0x0, s30  }
0x1b9: {  	[sflag:s8] =	ssyncadd.s32 $0xFFFFE000;
	s30 =	sadd.s32 $0x0, s17;
	s22 =	sadd.s32 $0x60, s2  }
0x1ba: {  	[tilespmem:s15], [sflag:$0x3] =	stream.linear.gather [hbm4b:s22+s5], $0x40, $0x38;
	[tilespmem:$0x1C400] =	vst v63  }
0x1bb: {  	s17 =	simm.s32 $0x280;
	s22 =	sadd.s32 $0x48, s30  }
0x1bc: {  	[tilespmem:s17], [sflag:$0x6] =	stream.linear.gather [hbm4b:s22+s5], $0x40, $0x38;
	[tilespmem:$0x1C400] =	vst v63  }
0x1bd: {  	_ =	swait.ge [sflag:s25], $0x40  }
0x1be: {  	[sflag:s25] =	ssyncset.done $0x0  }
0x1bf: {  	s12 =	simm.s32 $0x80;
	[sflag:s25] =	ssyncadd.s32 $0xFFFFFFC0  }
0x1c0: {  	[tilespmem:s11], [sflag:$0xA] =	stream.indirect.gather [hbm4b:s0+s24], $0x80, s12, s24, $0xb8;
	[tilespmem:$0x1C400] =	vst v63  }
0x1c1: {  	_ =	swait.ge [sflag:s28], $0x40  }
0x1c2: {  	[sflag:s28] =	ssyncset.done $0x0  }
0x1c3: {  	[sflag:s28] =	ssyncadd.s32 $0xFFFFFFC0  }
0x1c4: {  	_ =	swait.ge [sflag:s29], $0x2000  }
0x1c5: {  	[sflag:s29] =	ssyncset.done $0x0  }
0x1c6: {  	[sflag:s29] =	ssyncadd.s32 $0xFFFFE000  }
0x1c7: {  	[spmem:s4] =	stream.indirect.scatter.add.f32 [tilespmem:s10], [sflag:$0xD], $0x80, s26, s24, $0xb8;
	[tilespmem:$0x1C400] =	vst v63  }
0x1c8: {  	s26 =	simm.s32 $0xF  }
0x1c9: {  	_ =	swait.ge [sflag:s26], $0x2000  }
0x1ca: {  	[sflag:s26] =	ssyncset.done $0x0  }
0x1cb: {  	s10 =	sadd.s32 $0x68, s2;
	[sflag:s26] =	ssyncadd.s32 $0xFFFFE000  }
0x1cc: {  	[tilespmem:s6], [sflag:$0x4] =	stream.linear.gather [hbm4b:s10+s5], $0x40, $0x38;
	[tilespmem:$0x1C400] =	vst v63  }
0x1cd: {  	s10 =	sadd.s32 $0x60, s30  }
0x1ce: {  	[tilespmem:s20], [sflag:$0x7] =	stream.linear.gather [hbm4b:s10+s5], $0x40, $0x38;
	[tilespmem:$0x1C400] =	vst v63  }
0x1cf: {  	_ =	swait.ge [sflag:s13], $0x40  }
0x1d0: {  	[sflag:s13] =	ssyncset.done $0x0  }
0x1d1: {  	s1 =	simm.s32 $0x6;
	[sflag:s13] =	ssyncadd.s32 $0xFFFFFFC0  }
0x1d2: {  	[tilespmem:s23], [sflag:$0xB] =	stream.indirect.gather [hbm4b:s0+s24], $0x80, s15, s24, $0xb8;
	[tilespmem:$0x1C400] =	vst v63  }
0x1d3: {  	_ =	swait.ge [sflag:s1], $0x40  }
0x1d4: {  	[sflag:s1] =	ssyncset.done $0x0  }
0x1d5: {  	s16 =	simm.s32 $0xA;
	[sflag:s1] =	ssyncadd.s32 $0xFFFFFFC0  }
0x1d6: {  	_ =	swait.ge [sflag:s16], $0x2000  }
0x1d7: {  	[sflag:s16] =	ssyncset.done $0x0  }
0x1d8: {  	[sflag:s16] =	ssyncadd.s32 $0xFFFFE000  }
0x1d9: {  	[spmem:s4] =	stream.indirect.scatter.add.f32 [tilespmem:s11], [sflag:$0xE], $0x80, s17, s24, $0xb8;
	[tilespmem:$0x1C400] =	vst v63  }
0x1da: {  	s17 =	simm.s32 $0x10  }
0x1db: {  	_ =	swait.ge [sflag:s17], $0x2000  }
0x1dc: {  	[sflag:s17] =	ssyncset.done $0x0  }
0x1dd: {  	s11 =	sadd.s32 $0x80, s2;
	[sflag:s17] =	ssyncadd.s32 $0xFFFFE000  }
0x1de: {  	[tilespmem:s5], [sflag:$0x1] =	stream.linear.gather [hbm4b:s11+s5], $0x40, $0x38;
	[tilespmem:$0x1C400] =	vst v63  }
0x1df: {  	s18 =	simm.s32 $0x4;
	s14 =	simm.s32 $0x380;
	s15 =	sadd.s32 $0x68, s30  }
0x1e0: {  	[tilespmem:s14], [sflag:$0x8] =	stream.linear.gather [hbm4b:s15+s5], $0x40, $0x38;
	[tilespmem:$0x1C400] =	vst v63  }
0x1e1: {  	_ =	swait.ge [sflag:s18], $0x40  }
0x1e2: {  	[sflag:s18] =	ssyncset.done $0x0  }
0x1e3: {  	s22 =	simm.s32 $0x7;
	[sflag:s18] =	ssyncadd.s32 $0xFFFFFFC0  }
0x1e4: {  	[tilespmem:s21], [sflag:$0xC] =	stream.indirect.gather [hbm4b:s0+s24], $0x80, s6, s24, $0xb8;
	[tilespmem:$0x1C400] =	vst v63  }
0x1e5: {  	_ =	swait.ge [sflag:s22], $0x40  }
0x1e6: {  	[sflag:s22] =	ssyncset.done $0x0  }
0x1e7: {  	[sflag:s22] =	ssyncadd.s32 $0xFFFFFFC0  }
0x1e8: {  	_ =	swait.ge [sflag:s7], $0x2000  }
0x1e9: {  	[sflag:s7] =	ssyncset.done $0x0  }
0x1ea: {  	[sflag:s7] =	ssyncadd.s32 $0xFFFFE000  }
0x1eb: {  	[spmem:s4] =	stream.indirect.scatter.add.f32 [tilespmem:s23], [sflag:$0xF], $0x80, s20, s24, $0xb8;
	[tilespmem:$0x1C400] =	vst v63  }
0x1ec: {  	_ =	swait.ge [sflag:s19], $0x2000  }
0x1ed: {  	[sflag:s19] =	ssyncset.done $0x0  }
0x1ee: {  	s2 =	sadd.s32 $0x88, s2;
	[sflag:s19] =	ssyncadd.s32 $0xFFFFE000  }
0x1ef: {  	[tilespmem:s12], [sflag:$0x2] =	stream.linear.gather [hbm4b:s2+s5], $0x40, $0x38;
	[tilespmem:$0x1C400] =	vst v63  }
0x1f0: {  	s22 =	simm.s32 $0x40;
	s2 =	sadd.s32 $0x80, s30  }
.LBB2_3:
0x1f1: {  	s18 =	simm.s32 $0x200  }
0x1f2: {  	[tilespmem:s18], [sflag:$0x5] =	stream.linear.gather [hbm4b:s2+s5], $0x40, $0x38;
	[tilespmem:$0x1C400] =	vst v63  }
0x1f3: {  	_ =	swait.ge [sflag:s3], $0x40  }
0x1f4: {  	[sflag:s3] =	ssyncset.done $0x0  }
0x1f5: {  	s11 =	simm.s32 $0x400;
	[sflag:s3] =	ssyncadd.s32 $0xFFFFFFC0  }
0x1f6: {  	[tilespmem:s11], [sflag:$0x9] =	stream.indirect.gather [hbm4b:s0+s24], $0x80, s5, s24, $0xb8;
	[tilespmem:$0x1C400] =	vst v63  }
0x1f7: {  	_ =	swait.ge [sflag:s9], $0x40  }
0x1f8: {  	[sflag:s9] =	ssyncset.done $0x0  }
0x1f9: {  	[sflag:s9] =	ssyncadd.s32 $0xFFFFFFC0  }
0x1fa: {  	_ =	swait.ge [sflag:s31], $0x2000  }
0x1fb: {  	[sflag:s31] =	ssyncset.done $0x0  }
0x1fc: {  	s1 =	simm.s32 $0x380;
	s21 =	simm.s32 $0x6400;
	[sflag:s31] =	ssyncadd.s32 $0xFFFFE000  }
0x1fd: {  	[spmem:s4] =	stream.indirect.scatter.add.f32 [tilespmem:s21], [sflag:$0x10], $0x80, s1, s24, $0xb8;
	[tilespmem:$0x1C400] =	vst v63  }
0x1fe: {  	_ =	swait.ge [sflag:s8], $0x2000  }
0x1ff: {  	s7 =	smov.u32 s22;
	s19 =	simm.s32 $0x100;
	s30 =	rddreg [dreg:$0xb]  }
0x200: {  	[sflag:s8] =	ssyncset.done $0x0;
	s15 =	rddreg [dreg:$0xc];
	s30 =	sadd.s32 s7, s30  }
0x201: {  	[sflag:s8] =	ssyncadd.s32 $0xFFFFE000;
	s2 =	sadd.s32 s7, s15;
	s12 =	sadd.s32 $0x60, s30  }
0x202: {  	[tilespmem:s19], [sflag:$0x3] =	stream.linear.gather [hbm4b:s12+s5], $0x40, $0x38;
	[tilespmem:$0x1C400] =	vst v63  }
0x203: {  	s15 =	simm.s32 $0x280;
	s10 =	sadd.s32 $0x48, s2  }
0x204: {  	[tilespmem:s15], [sflag:$0x6] =	stream.linear.gather [hbm4b:s10+s5], $0x40, $0x38;
	[tilespmem:$0x1C400] =	vst v63  }
0x205: {  	_ =	swait.ge [sflag:s25], $0x40  }
0x206: {  	[sflag:s25] =	ssyncset.done $0x0  }
0x207: {  	s14 =	simm.s32 $0x80;
	s7 =	simm.s32 $0x2400;
	[sflag:s25] =	ssyncadd.s32 $0xFFFFFFC0  }
0x208: {  	[tilespmem:s7], [sflag:$0xA] =	stream.indirect.gather [hbm4b:s0+s24], $0x80, s14, s24, $0xb8;
	[tilespmem:$0x1C400] =	vst v63  }
0x209: {  	_ =	swait.ge [sflag:s28], $0x40  }
0x20a: {  	[sflag:s28] =	ssyncset.done $0x0  }
0x20b: {  	[sflag:s28] =	ssyncadd.s32 $0xFFFFFFC0  }
0x20c: {  	_ =	swait.ge [sflag:s29], $0x2000  }
0x20d: {  	[sflag:s29] =	ssyncset.done $0x0  }
0x20e: {  	[sflag:s29] =	ssyncadd.s32 $0xFFFFE000  }
0x20f: {  	[spmem:s4] =	stream.indirect.scatter.add.f32 [tilespmem:s11], [sflag:$0xD], $0x80, s18, s24, $0xb8;
	[tilespmem:$0x1C400] =	vst v63  }
0x210: {  	_ =	swait.ge [sflag:s26], $0x2000  }
0x211: {  	[sflag:s26] =	ssyncset.done $0x0  }
0x212: {  	s18 =	sadd.s32 $0x68, s30;
	[sflag:s26] =	ssyncadd.s32 $0xFFFFE000  }
0x213: {  	[tilespmem:s6], [sflag:$0x4] =	stream.linear.gather [hbm4b:s18+s5], $0x40, $0x38;
	[tilespmem:$0x1C400] =	vst v63  }
0x214: {  	s11 =	sadd.s32 $0x60, s2  }
0x215: {  	[tilespmem:s20], [sflag:$0x7] =	stream.linear.gather [hbm4b:s11+s5], $0x40, $0x38;
	[tilespmem:$0x1C400] =	vst v63  }
0x216: {  	_ =	swait.ge [sflag:s13], $0x40  }
0x217: {  	[sflag:s13] =	ssyncset.done $0x0  }
0x218: {  	s18 =	simm.s32 $0x6;
	[sflag:s13] =	ssyncadd.s32 $0xFFFFFFC0  }
0x219: {  	[tilespmem:s23], [sflag:$0xB] =	stream.indirect.gather [hbm4b:s0+s24], $0x80, s19, s24, $0xb8;
	[tilespmem:$0x1C400] =	vst v63  }
0x21a: {  	_ =	swait.ge [sflag:s18], $0x40  }
0x21b: {  	[sflag:s18] =	ssyncset.done $0x0  }
0x21c: {  	[sflag:s18] =	ssyncadd.s32 $0xFFFFFFC0  }
0x21d: {  	_ =	swait.ge [sflag:s16], $0x2000  }
0x21e: {  	[sflag:s16] =	ssyncset.done $0x0  }
0x21f: {  	[sflag:s16] =	ssyncadd.s32 $0xFFFFE000  }
0x220: {  	[spmem:s4] =	stream.indirect.scatter.add.f32 [tilespmem:s7], [sflag:$0xE], $0x80, s15, s24, $0xb8;
	[tilespmem:$0x1C400] =	vst v63  }
0x221: {  	_ =	swait.ge [sflag:s17], $0x2000  }
0x222: {  	[sflag:s17] =	ssyncset.done $0x0  }
0x223: {  	s11 =	sadd.s32 $0x80, s30;
	[sflag:s17] =	ssyncadd.s32 $0xFFFFE000  }
0x224: {  	[tilespmem:s5], [sflag:$0x1] =	stream.linear.gather [hbm4b:s11+s5], $0x40, $0x38;
	[tilespmem:$0x1C400] =	vst v63  }
0x225: {  	s18 =	simm.s32 $0x4;
	s15 =	sadd.s32 $0x68, s2  }
0x226: {  	[tilespmem:s1], [sflag:$0x8] =	stream.linear.gather [hbm4b:s15+s5], $0x40, $0x38;
	[tilespmem:$0x1C400] =	vst v63  }
0x227: {  	_ =	swait.ge [sflag:s18], $0x40  }
0x228: {  	[sflag:s18] =	ssyncset.done $0x0  }
0x229: {  	s1 =	simm.s32 $0x7;
	[sflag:s18] =	ssyncadd.s32 $0xFFFFFFC0  }
0x22a: {  	[tilespmem:s21], [sflag:$0xC] =	stream.indirect.gather [hbm4b:s0+s24], $0x80, s6, s24, $0xb8;
	[tilespmem:$0x1C400] =	vst v63  }
0x22b: {  	_ =	swait.ge [sflag:s1], $0x40  }
0x22c: {  	[sflag:s1] =	ssyncset.done $0x0  }
0x22d: {  	s7 =	simm.s32 $0xB;
	[sflag:s1] =	ssyncadd.s32 $0xFFFFFFC0  }
0x22e: {  	_ =	swait.ge [sflag:s7], $0x2000  }
0x22f: {  	[sflag:s7] =	ssyncset.done $0x0  }
0x230: {  	p1 =	seq.s32 s22, $0x940;
	[sflag:s7] =	ssyncadd.s32 $0xFFFFE000  }
0x231: {  	[spmem:s4] =	stream.indirect.scatter.add.f32 [tilespmem:s23], [sflag:$0xF], $0x80, s20, s24, $0xb8;
	[tilespmem:$0x1C400] =	vst v63  }
.Ltmp5:
0x232: {  	s19 =	simm.s32 $0xD;
	(pc) =	sbr.rel @!p1 .LBB2_3-.Ltmp5, $4  }
0x233: {  	_ =	swait.ge [sflag:s19], $0x2000  }
0x234: {  	s22 =	sadd.s32 $0x40, s22;
	s10 =	simm.s32 $0x200;
	[sflag:s19] =	ssyncset.done $0x0  }
0x235: {  	s30 =	sadd.s32 $0x88, s30;
	s2 =	sadd.s32 $0x80, s2;
	[sflag:s19] =	ssyncadd.s32 $0xFFFFE000  }
0x236: {  	[tilespmem:s14], [sflag:$0x2] =	stream.linear.gather [hbm4b:s30+s5], $0x40, $0x38;
	[tilespmem:$0x1C400] =	vst v63  }
0x237: {  	[tilespmem:s10], [sflag:$0x5] =	stream.linear.gather [hbm4b:s2+s5], $0x40, $0x38;
	[tilespmem:$0x1C400] =	vst v63  }
.Ltmp6:
0x238: {  	_ = 	snop;
	(pc) =	sbr.rel .LBB2_8-.Ltmp6, $4  }
0x239: {  	s2 =	rddreg [dreg:$0x1a]  }
0x23a: {  	s14 =	simm.s32 $0x80;
	s17 =	sld [smem:$0x7F1]  }
0x23b: {  	s15 =	simm.s32 $0x2400;
	s8 =	simm.s32 $0x6400;
	s11 =	simm.s32 $0x380  }
0x23c: {  	s21 =	simm.s32 $0x4;
	s18 =	simm.s32 $0xA;
	s16 =	simm.s32 $0x6  }
.LBB2_9:
0x23d: {  	_ =	sfence.sel $0x180000  }
0x23e: {  	[bflag:$0x0] =	sbarrier.arrive $0xFFFF  }
0x23f: {  	_ =	strace $0x90000047  }
0x240: {  	[bflag:$0x2] =	sbarrier.arrive $0xFFFF  }
0x241: {  	s0 =	rddreg [dreg:$0x5]  }
0x242: {  	s0 =	sadd.s32 @!p0 $0x100000, s0  }
0x243: {  	[sflag:s0] =	ssyncadd.tile.s32 @!p0 $0x1;
	_ =	shalt  }
.Lfunc_end2:
_tile_overlayer_lowered:
.L_overlay_start_2:
0x244: {  	(tag) =	ssettag $0x2  }
0x245: {  	s0 =	rddreg [dreg:$0x0];
	s2 =	stileid.u32  }
0x246: {  	s1 =	rddreg [dreg:$0x1];
	p0 =	sne.s32 s2, $0x0  }
0x247: {  	s3 =	rddreg [dreg:$0x2];
	[bflag:$0x3] =	sbarrier.arrive $0xFFFF;
	s2 =	simm.s32 @!p0 $0x1C11  }
0x248: {  	[timem:s3], [sflag:s2] =	dma.local @!p0 [hbm:s0], s1  }
0x249: {  	s0 =	simm.s32 @!p0 $0x11  }
0x24a: {  	_ =	swait.ge @!p0 [sflag:s0], s1  }
0x24b: {  	s1 =	ssub.s32 @!p0 $0x0, s1;
	[sflag:s0] =	ssyncset.done @!p0 $0x0  }
0x24c: {  	[sflag:s0] =	ssyncadd.s32 @!p0 s1  }
0x24d: {  	[bflag:$0x3] =	sbarrier.arrive $0xFFFF  }
0x24e: {  	_ =	shalt  }

</sc_bundles>
